<compile_context>
chip_gen: v7x
topology: tpu7x:2x2x1
jax: 0.10.2.dev20260603
libtpu: 0.0.44.dev20260713+nightly
codegen_flags: <defaults>
</compile_context>

<pallas_src>
import math
import functools

import jax
import jax.numpy as jnp
from jax import lax
from jax.experimental import pallas as pl
from jax.experimental.pallas import tpu as pltpu

IMG = 512
FEAT_SIZES = [(128, 128), (64, 64), (32, 32), (16, 16), (8, 8)]
SIZES = [32, 64, 128, 256, 512]
PRE_NMS_TOP_N = 1000
POST_NMS_TOP_N = 1000
NMS_THRESH = 0.7
MIN_SIZE = 1e-3
CLIP = math.log(1000.0 / 16.0)
HB = 8
NTOT = 4096
NBLK = NTOT // 128


def _anchors_for_level(lvl):
    import numpy as np
    s = SIZES[lvl]
    fh, fw = FEAT_SIZES[lvl]
    ratios = np.array([0.5, 1.0, 2.0])
    h_r = np.sqrt(ratios)
    w_r = 1.0 / h_r
    ws = w_r * s
    hs = h_r * s
    base = np.round(np.stack([-ws, -hs, ws, hs], axis=1) / 2.0)
    sth, stw = IMG // fh, IMG // fw
    sy = np.arange(fh) * sth
    sx = np.arange(fw) * stw
    yy, xx = np.meshgrid(sy, sx, indexing='ij')
    shifts = np.stack([xx.ravel(), yy.ravel(), xx.ravel(), yy.ravel()], axis=1)
    return (shifts[:, None, :] + base[None, :, :]).reshape(-1, 4).astype(np.float32)


def _conv_level_kernel(x0_ref, x1_ref, x2_ref, w_ref, cw_ref, cb_ref, anch_ref,
                       obj_ref, box_ref, *, W):
    xs = [x0_ref[0], x1_ref[0], x2_ref[0]]
    M = W * HB
    acc = jnp.zeros((M, 256), jnp.float32)
    for ky in range(3):
        for kx in range(3):
            xk = xs[ky][kx:kx + W].reshape(M, 256)
            acc += lax.dot_general(
                xk, w_ref[ky, kx], (((1,), (0,)), ((), ())),
                preferred_element_type=jnp.float32,
                precision=lax.Precision.DEFAULT)
    t = jnp.maximum(acc, 0.0)
    lg = lax.dot_general(t, cw_ref[...], (((1,), (0,)), ((), ())),
                         preferred_element_type=jnp.float32,
                         precision=lax.Precision.DEFAULT)
    lg = lg + cb_ref[0:1, :]
    dx = lg[:, 0:3]
    dy = lg[:, 3:6]
    dw = jnp.minimum(lg[:, 6:9], CLIP)
    dh = jnp.minimum(lg[:, 9:12], CLIP)
    ax0 = anch_ref[:, 0:3]
    ay0 = anch_ref[:, 3:6]
    ax1 = anch_ref[:, 6:9]
    ay1 = anch_ref[:, 9:12]
    aw = ax1 - ax0
    ah = ay1 - ay0
    acx = ax0 + 0.5 * aw
    acy = ay0 + 0.5 * ah
    pcx = dx * aw + acx
    pcy = dy * ah + acy
    pw = jnp.exp(dw) * aw
    ph = jnp.exp(dh) * ah
    fimg = float(IMG)
    bx0 = jnp.clip(pcx - 0.5 * pw, 0.0, fimg)
    by0 = jnp.clip(pcy - 0.5 * ph, 0.0, fimg)
    bx1 = jnp.clip(pcx + 0.5 * pw, 0.0, fimg)
    by1 = jnp.clip(pcy + 0.5 * ph, 0.0, fimg)
    zpad_o = jnp.zeros((M, 125), jnp.float32)
    obj_ref[0] = jnp.concatenate([lg[:, 12:15], zpad_o], axis=1)
    zpad_b = jnp.zeros((M, 116), jnp.float32)
    box_ref[0] = jnp.concatenate([bx0, by0, bx1, by1, zpad_b], axis=1)


def _run_conv_level(feat, w9, cw, cb, anchB, W, H):
    x = jnp.transpose(feat, (0, 2, 3, 1))
    xp = jnp.pad(x, ((0, 0), (1, 1), (1, 1), (0, 0)))
    xs = [jnp.transpose(xp[:, ky:ky + H], (0, 2, 1, 3)) for ky in range(3)]
    nblk = H // HB
    M = W * HB
    grid = (2, nblk)
    xspec = pl.BlockSpec((1, W + 2, HB, 256), lambda n, i: (n, 0, i, 0))
    obj, box = pl.pallas_call(
        functools.partial(_conv_level_kernel, W=W),
        grid=grid,
        in_specs=[
            xspec, xspec, xspec,
            pl.BlockSpec((3, 3, 256, 256), lambda n, i: (0, 0, 0, 0)),
            pl.BlockSpec((256, 16), lambda n, i: (0, 0)),
            pl.BlockSpec((8, 16), lambda n, i: (0, 0)),
            pl.BlockSpec((M, 16), lambda n, i: (i, 0)),
        ],
        out_specs=[
            pl.BlockSpec((1, M, 128), lambda n, i: (n, i, 0)),
            pl.BlockSpec((1, M, 128), lambda n, i: (n, i, 0)),
        ],
        out_shape=[
            jax.ShapeDtypeStruct((2, H * W, 128), jnp.float32),
            jax.ShapeDtypeStruct((2, H * W, 128), jnp.float32),
        ],
        compiler_params=pltpu.CompilerParams(
            dimension_semantics=("parallel", "arbitrary")),
    )(xs[0], xs[1], xs[2], w9, cw, cb, anchB)
    return obj, box


def _nms_kernel(sba_ref, sbt_ref, ss_ref, out_ref, m_sc, sup_sc, keep_sc):
    bi = pl.program_id(1)
    base = pl.multiple_of(bi * 128, 128)
    lane128 = lax.broadcasted_iota(jnp.int32, (1, 128), 1)

    @pl.when(bi == 0)
    def _init():
        sup_sc[...] = jnp.zeros((1, NTOT), jnp.float32)
        keep_sc[...] = jnp.zeros((1, NTOT), jnp.float32)

    rows = sba_ref[0, pl.ds(base, 128), :]
    x0r, y0r, x1r, y1r = (rows[:, 4:5], rows[:, 5:6], rows[:, 6:7], rows[:, 7:8])
    x0c = sbt_ref[0, 4:5, pl.ds(base, 128)]
    y0c = sbt_ref[0, 5:6, pl.ds(base, 128)]
    x1c = sbt_ref[0, 6:7, pl.ds(base, 128)]
    y1c = sbt_ref[0, 7:8, pl.ds(base, 128)]
    area_r = (x1r - x0r) * (y1r - y0r)
    area_c = (x1c - x0c) * (y1c - y0c)
    ltx = jnp.maximum(x0r, x0c)
    lty = jnp.maximum(y0r, y0c)
    rbx = jnp.minimum(x1r, x1c)
    rby = jnp.minimum(y1r, y1c)
    wx = jnp.clip(rbx - ltx, 0.0, None)
    wy = jnp.clip(rby - lty, 0.0, None)
    inter = wx * wy
    iou = inter / (area_r + area_c - inter + 1e-9)
    m_sc[...] = (iou > NMS_THRESH).astype(jnp.float32)

    cx0 = sbt_ref[0, 0:1, pl.ds(base, 128)]
    cy0 = sbt_ref[0, 1:2, pl.ds(base, 128)]
    cx1 = sbt_ref[0, 2:3, pl.ds(base, 128)]
    cy1 = sbt_ref[0, 3:4, pl.ds(base, 128)]
    valid_b = jnp.logical_and(cx1 - cx0 >= MIN_SIZE,
                              cy1 - cy0 >= MIN_SIZE).astype(jnp.float32)

    sup_b0 = sup_sc[0:1, pl.ds(base, 128)]

    def body(i, carry):
        sup_b, keep_b = carry
        mask_i = (lane128 == i).astype(jnp.float32)
        k_i = jnp.sum(mask_i * valid_b * (1.0 - sup_b))
        keep_b = keep_b + mask_i * k_i
        row_i = lax.dot_general(mask_i, m_sc[...], (((1,), (0,)), ((), ())),
                                preferred_element_type=jnp.float32,
                                precision=lax.Precision.HIGHEST)
        gt_i = (lane128 > i).astype(jnp.float32)
        sup_b = jnp.maximum(sup_b, row_i * (k_i * gt_i))
        return sup_b, keep_b

    sup_b, keep_b = lax.fori_loop(0, 128, body, (sup_b0, jnp.zeros((1, 128), jnp.float32)))
    keep_sc[0:1, pl.ds(base, 128)] = keep_b

    def cross(c, _):
        @pl.when(c * 1024 + 1024 > base + 128)
        def _():
            cbase = pl.multiple_of(c * 1024, 1024)
            ax0 = sbt_ref[0, 4:5, pl.ds(cbase, 1024)]
            ay0 = sbt_ref[0, 5:6, pl.ds(cbase, 1024)]
            ax1 = sbt_ref[0, 6:7, pl.ds(cbase, 1024)]
            ay1 = sbt_ref[0, 7:8, pl.ds(cbase, 1024)]
            a_c = (ax1 - ax0) * (ay1 - ay0)
            ltx2 = jnp.maximum(x0r, ax0)
            lty2 = jnp.maximum(y0r, ay0)
            rbx2 = jnp.minimum(x1r, ax1)
            rby2 = jnp.minimum(y1r, ay1)
            wx2 = jnp.clip(rbx2 - ltx2, 0.0, None)
            wy2 = jnp.clip(rby2 - lty2, 0.0, None)
            inter2 = wx2 * wy2
            iou2 = inter2 / (area_r + a_c - inter2 + 1e-9)
            hi = (iou2 > NMS_THRESH).astype(jnp.float32)
            supadd = lax.dot_general(keep_b, hi, (((1,), (0,)), ((), ())),
                                     preferred_element_type=jnp.float32,
                                     precision=lax.Precision.HIGHEST)
            lane1024 = lax.broadcasted_iota(jnp.int32, (1, 1024), 1) + cbase
            late = (lane1024 > base + 127).astype(jnp.float32)
            newsup = jnp.minimum(supadd, 1.0) * late
            old = sup_sc[0:1, pl.ds(cbase, 1024)]
            sup_sc[0:1, pl.ds(cbase, 1024)] = jnp.maximum(old, newsup)
        return 0

    lax.fori_loop(0, NTOT // 1024, cross, 0)

    @pl.when(bi == NBLK - 1)
    def _finalize():
        keep_rows = jnp.concatenate(
            [keep_sc[0:1, j * 128:(j + 1) * 128] for j in range(NBLK)], axis=0)
        l128 = lax.broadcasted_iota(jnp.int32, (128, 128), 0)
        u128 = lax.broadcasted_iota(jnp.int32, (128, 128), 1)
        triu = (l128 <= u128).astype(jnp.float32)
        incl = lax.dot_general(keep_rows, triu, (((1,), (0,)), ((), ())),
                               preferred_element_type=jnp.float32,
                               precision=lax.Precision.HIGHEST)
        row_tot = incl[:, 127:128]
        ls = lax.broadcasted_iota(jnp.int32, (NBLK, NBLK), 0)
        us = lax.broadcasted_iota(jnp.int32, (NBLK, NBLK), 1)
        tril_s = (us < ls).astype(jnp.float32)
        row_off = lax.dot_general(tril_s, row_tot, (((1,), (0,)), ((), ())),
                                  preferred_element_type=jnp.float32,
                                  precision=lax.Precision.HIGHEST)
        pos = row_off + incl - 1.0
        srow = lax.broadcasted_iota(jnp.int32, (1024, 128), 0).astype(jnp.float32)
        acc = jnp.zeros((1024, 8), jnp.float32)
        for b2 in range(NBLK):
            pos_b = pos[b2:b2 + 1, :]
            keep_b2 = keep_rows[b2:b2 + 1, :]
            oh = (srow == pos_b).astype(jnp.float32) * keep_b2
            pay_b = jnp.concatenate(
                [sba_ref[0, b2 * 128:(b2 + 1) * 128, 0:4],
                 ss_ref[0, b2 * 128:(b2 + 1) * 128, :],
                 jnp.zeros((128, 3), jnp.float32)], axis=1)
            acc += lax.dot_general(oh, pay_b, (((1,), (0,)), ((), ())),
                                   preferred_element_type=jnp.float32,
                                   precision=lax.Precision.HIGHEST)
        out_ref[0] = acc


def _run_nms(sb_all, sbT, ss_col):
    out = pl.pallas_call(
        _nms_kernel,
        grid=(2, NBLK),
        in_specs=[
            pl.BlockSpec((1, NTOT, 8), lambda n, b: (n, 0, 0)),
            pl.BlockSpec((1, 8, NTOT), lambda n, b: (n, 0, 0)),
            pl.BlockSpec((1, NTOT, 1), lambda n, b: (n, 0, 0)),
        ],
        out_specs=pl.BlockSpec((1, 1024, 8), lambda n, b: (n, 0, 0)),
        out_shape=jax.ShapeDtypeStruct((2, 1024, 8), jnp.float32),
        scratch_shapes=[
            pltpu.VMEM((128, 128), jnp.float32),
            pltpu.VMEM((1, NTOT), jnp.float32),
            pltpu.VMEM((1, NTOT), jnp.float32),
        ],
        compiler_params=pltpu.CompilerParams(
            dimension_semantics=("arbitrary", "arbitrary")),
    )(sb_all, sbT, ss_col)
    return out


def _conv_nchw(x, w, b, pad):
    y = lax.conv_general_dilated(x, w, (1, 1), [(pad, pad), (pad, pad)],
                                 dimension_numbers=('NCHW', 'OIHW', 'NCHW'))
    return y + b[None, :, None, None]


def _decode_boxes(deltas, anchors):
    w = anchors[:, 2] - anchors[:, 0]
    h = anchors[:, 3] - anchors[:, 1]
    cx = anchors[:, 0] + 0.5 * w
    cy = anchors[:, 1] + 0.5 * h
    dx, dy = deltas[..., 0], deltas[..., 1]
    dw = jnp.minimum(deltas[..., 2], CLIP)
    dh = jnp.minimum(deltas[..., 3], CLIP)
    pcx = dx * w + cx
    pcy = dy * h + cy
    pw = jnp.exp(dw) * w
    ph = jnp.exp(dh) * h
    return jnp.stack([pcx - 0.5 * pw, pcy - 0.5 * ph,
                      pcx + 0.5 * pw, pcy + 0.5 * ph], axis=-1)


def kernel(images, feat0, feat1, feat2, feat3, feat4,
           conv_w, conv_b, cls_w, cls_b, bbox_w, bbox_b):
    feats = [feat0, feat1, feat2, feat3, feat4]
    sc_l, bx_l, lv_l = [], [], []
    for lvl, feat in enumerate(feats):
        H, W = FEAT_SIZES[lvl]
        anch = jnp.asarray(_anchors_for_level(lvl))
        t = jax.nn.relu(_conv_nchw(feat, conv_w, conv_b, 1))
        logits = _conv_nchw(t, cls_w, cls_b, 0)
        deltas = _conv_nchw(t, bbox_w, bbox_b, 0)
        _, a, hh, ww_ = logits.shape
        obj = jnp.transpose(logits, (0, 2, 3, 1)).reshape(2, -1)
        dl = jnp.transpose(deltas.reshape(2, a, 4, hh, ww_),
                           (0, 3, 4, 1, 2)).reshape(2, -1, 4)
        props = _decode_boxes(dl, anch)
        k = min(PRE_NMS_TOP_N, obj.shape[1])
        top_s, top_i = lax.top_k(obj, k)
        top_b = jnp.take_along_axis(props, top_i[..., None], axis=1)
        sc_l.append(top_s)
        bx_l.append(top_b)
        lv_l.append(jnp.full((2, k), float(lvl), dtype=jnp.float32))

    scores = jax.nn.sigmoid(jnp.concatenate(sc_l, axis=1))
    boxes = jnp.concatenate(bx_l, axis=1)
    levels = jnp.concatenate(lv_l, axis=1)
    boxes = jnp.stack([jnp.clip(boxes[..., 0], 0.0, float(IMG)),
                       jnp.clip(boxes[..., 1], 0.0, float(IMG)),
                       jnp.clip(boxes[..., 2], 0.0, float(IMG)),
                       jnp.clip(boxes[..., 3], 0.0, float(IMG))], axis=-1)
    n_real = scores.shape[1]
    pad = NTOT - n_real
    scores_p = jnp.pad(scores, ((0, 0), (0, pad)))
    boxes_p = jnp.pad(boxes, ((0, 0), (0, pad), (0, 0)))
    levels_p = jnp.pad(levels, ((0, 0), (0, pad)))
    boxes_off = boxes_p + (levels_p * (IMG + 1.0))[..., None]

    order = jnp.argsort(-scores_p, axis=1)
    sb = jnp.take_along_axis(boxes_p, order[..., None], axis=1)
    sboff = jnp.take_along_axis(boxes_off, order[..., None], axis=1)
    ss = jnp.take_along_axis(scores_p, order, axis=1)
    sb_all = jnp.concatenate([sb, sboff], axis=2)
    sbT = jnp.transpose(sb_all, (0, 2, 1))
    ss_col = ss[..., None]

    out = _run_nms(sb_all, sbT, ss_col)
    out_b = out[:, :POST_NMS_TOP_N, 0:4]
    out_s = out[:, :POST_NMS_TOP_N, 4]
    return out_b, out_s

# --- scband reference (transcript-rebuilt; emitter-appended) ---
"""Pipeline reference for scband-rpnmodule-67448166416469 (READ-ONLY COPY).

The authoritative reference and input builder live on the scoring server;
editing this copy changes nothing except your own understanding.
"""

import jax, jax.numpy as jnp
import numpy as np
import math

IMG = 512
FEAT_SIZES = [(128, 128), (64, 64), (32, 32), (16, 16), (8, 8)]
SIZES = [32, 64, 128, 256, 512]
RATIOS = np.array([0.5, 1.0, 2.0])
PRE_NMS_TOP_N = 1000
POST_NMS_TOP_N = 1000
NMS_THRESH = 0.7
MIN_SIZE = 1e-3
CLIP = math.log(1000.0 / 16.0)


def _make_anchors():
    out = []
    for s, (fh, fw) in zip(SIZES, FEAT_SIZES):
        h_r = np.sqrt(RATIOS)
        w_r = 1.0 / h_r
        ws = w_r * s
        hs = h_r * s
        base = np.round(np.stack([-ws, -hs, ws, hs], axis=1) / 2.0)
        sth, stw = IMG // fh, IMG // fw
        sy = np.arange(fh) * sth
        sx = np.arange(fw) * stw
        yy, xx = np.meshgrid(sy, sx, indexing='ij')
        shifts = np.stack([xx.ravel(), yy.ravel(), xx.ravel(), yy.ravel()], axis=1)
        out.append(jnp.asarray((shifts[:, None, :] + base[None, :, :]).reshape(-1, 4).astype(np.float32)))
    return out


def _conv(x, w, b, pad):
    y = jax.lax.conv_general_dilated(x, w, (1, 1), [(pad, pad), (pad, pad)], dimension_numbers=('NCHW', 'OIHW', 'NCHW'))
    return y + b[None, :, None, None]


def _decode(deltas, anchors):
    w = anchors[:, 2] - anchors[:, 0]
    h = anchors[:, 3] - anchors[:, 1]
    cx = anchors[:, 0] + 0.5 * w
    cy = anchors[:, 1] + 0.5 * h
    dx, dy = deltas[..., 0], deltas[..., 1]
    dw = jnp.minimum(deltas[..., 2], CLIP)
    dh = jnp.minimum(deltas[..., 3], CLIP)
    pcx = dx * w + cx
    pcy = dy * h + cy
    pw = jnp.exp(dw) * w
    ph = jnp.exp(dh) * h
    return jnp.stack([pcx - 0.5 * pw, pcy - 0.5 * ph, pcx + 0.5 * pw, pcy + 0.5 * ph], axis=-1)


def _iou(b):
    area = (b[:, 2] - b[:, 0]) * (b[:, 3] - b[:, 1])
    lt = jnp.maximum(b[:, None, :2], b[None, :, :2])
    rb = jnp.minimum(b[:, None, 2:], b[None, :, 2:])
    wh = jnp.clip(rb - lt, 0.0, None)
    inter = wh[..., 0] * wh[..., 1]
    return inter / (area[:, None] + area[None, :] - inter + 1e-9)


def _nms_image(boxes_off, boxes, scores, valid):
    n = boxes.shape[0]
    order = jnp.argsort(-scores)
    bo = boxes_off[order]
    b = boxes[order]
    s = scores[order]
    v = valid[order]
    iou_hi = jax.lax.stop_gradient(_iou(bo)) > NMS_THRESH
    idxs = jnp.arange(n)

    def body(i, state):
        suppressed, keep = state
        k = jnp.logical_and(v[i], jnp.logical_not(suppressed[i]))
        keep = keep.at[i].set(k)
        sup = jnp.logical_and(jnp.logical_and(k, iou_hi[i]), idxs > i)
        return jnp.logical_or(suppressed, sup), keep

    _, keep = jax.lax.fori_loop(0, n, body, (jnp.zeros(n, bool), jnp.zeros(n, bool)))
    s_final = jnp.where(keep, s, -jnp.inf)
    top_s, top_i = jax.lax.top_k(s_final, POST_NMS_TOP_N)
    ok = jnp.isfinite(top_s)
    out_b = jnp.where(ok[:, None], b[top_i], 0.0)
    out_s = jnp.where(ok, top_s, 0.0)
    return out_b, out_s


def _rpn_forward(images, feats, conv_w, conv_b, cls_w, cls_b, bbox_w, bbox_b):
    anchors = _make_anchors()
    bsz = images.shape[0]
    sc_l, bx_l, lv_l = [], [], []
    for lvl, (f, anch) in enumerate(zip(feats, anchors)):
        t = jax.nn.relu(_conv(f, conv_w, conv_b, 1))
        logits = _conv(t, cls_w, cls_b, 0)
        deltas = _conv(t, bbox_w, bbox_b, 0)
        _, a, hh, ww_ = logits.shape
        obj = jnp.transpose(logits, (0, 2, 3, 1)).reshape(bsz, -1)
        dl = jnp.transpose(deltas.reshape(bsz, a, 4, hh, ww_), (0, 3, 4, 1, 2)).reshape(bsz, -1, 4)
        props = _decode(dl, anch)
        k = min(PRE_NMS_TOP_N, obj.shape[1])
        top_s, top_i = jax.lax.top_k(obj, k)
        top_b = jnp.take_along_axis(props, top_i[..., None], axis=1)
        sc_l.append(top_s)
        bx_l.append(top_b)
        lv_l.append(jnp.full((bsz, k), float(lvl), dtype=jnp.float32))
    scores = jax.nn.sigmoid(jnp.concatenate(sc_l, axis=1))
    boxes = jnp.concatenate(bx_l, axis=1)
    levels = jnp.concatenate(lv_l, axis=1)
    boxes = jnp.stack([jnp.clip(boxes[..., 0], 0.0, float(IMG)), jnp.clip(boxes[..., 1], 0.0, float(IMG)), jnp.clip(boxes[..., 2], 0.0, float(IMG)), jnp.clip(boxes[..., 3], 0.0, float(IMG))], axis=-1)
    valid = jnp.logical_and(boxes[..., 2] - boxes[..., 0] >= MIN_SIZE, boxes[..., 3] - boxes[..., 1] >= MIN_SIZE)
    boxes_off = boxes + (levels * (IMG + 1.0))[..., None]
    out_b, out_s = [], []
    for i in range(bsz):
        ob, os_ = _nms_image(boxes_off[i], boxes[i], scores[i], valid[i])
        out_b.append(ob)
        out_s.append(os_)
    return jnp.stack(out_b), jnp.stack(out_s)


def setup_inputs(seed: int = 0):
    key = jax.random.key(seed)
    ks = jax.random.split(key, 12)
    return {
        'images': jax.random.normal(ks[0], (2, 3, IMG, IMG), dtype=jnp.float32),
        'feat0': jax.random.normal(ks[1], (2, 256, 128, 128), dtype=jnp.float32),
        'feat1': jax.random.normal(ks[2], (2, 256, 64, 64), dtype=jnp.float32),
        'feat2': jax.random.normal(ks[3], (2, 256, 32, 32), dtype=jnp.float32),
        'feat3': jax.random.normal(ks[4], (2, 256, 16, 16), dtype=jnp.float32),
        'feat4': jax.random.normal(ks[5], (2, 256, 8, 8), dtype=jnp.float32),
        'conv_w': jax.random.normal(ks[6], (256, 256, 3, 3), dtype=jnp.float32) * 0.01,
        'conv_b': jnp.zeros((256,), jnp.float32),
        'cls_w': jax.random.normal(ks[7], (3, 256, 1, 1), dtype=jnp.float32) * 0.01,
        'cls_b': jnp.zeros((3,), jnp.float32),
        'bbox_w': jax.random.normal(ks[8], (12, 256, 1, 1), dtype=jnp.float32) * 0.01,
        'bbox_b': jnp.zeros((12,), jnp.float32),
    }


def reference(images, feat0, feat1, feat2, feat3, feat4, conv_w, conv_b, cls_w, cls_b, bbox_w, bbox_b):
    return _rpn_forward(images, [feat0, feat1, feat2, feat3, feat4], conv_w, conv_b, cls_w, cls_b, bbox_w, bbox_b)

if __name__ == "__main__":
    import jax
    _d = setup_inputs()
    print(jax.jit(kernel)(*tuple(_d.values())))

</pallas_src>

<mosaic_0001>
module attributes {stable_mosaic.version = 14 : i64} {
  func.func @_nms_kernel(%arg0: i32, %arg1: i32, %arg2: memref<1x4096x8xf32, #tpu.memory_space<vmem>>, %arg3: memref<1x8x4096xf32, #tpu.memory_space<vmem>>, %arg4: memref<1x4096x1xf32, #tpu.memory_space<vmem>>, %arg5: memref<1x1024x8xf32, #tpu.memory_space<vmem>>, %arg6: memref<128x128xf32, #tpu.memory_space<vmem>>, %arg7: memref<1x4096xf32, #tpu.memory_space<vmem>>, %arg8: memref<1x4096xf32, #tpu.memory_space<vmem>>) attributes {dimension_semantics = [#tpu.dimension_semantics<arbitrary>, #tpu.dimension_semantics<arbitrary>], iteration_bounds = array<i64: 2, 32>, scalar_prefetch = 0 : i64, scratch_operands = 3 : i64, tpu.core_type = #tpu.core_type<tc>, window_params = [{transform_indices = @transform_0, window_bounds = array<i64: 1, 4096, 8>}, {transform_indices = @transform_1, window_bounds = array<i64: 1, 8, 4096>}, {transform_indices = @transform_2, window_bounds = array<i64: 1, 4096, 1>}, {transform_indices = @transform_3, window_bounds = array<i64: 1, 1024, 8>}]} {
    %mul3A = arith.constant 128 : i32
    %mul3A_0 = arith.muli %arg1, %mul3A : i32
    %multiple_of3A = tpu.assume_multiple %mul3A_0, 128 : i32
    %iota3A = tpu.iota {dimensions = array<i32: 1>} : vector<1x128xi32>
    %eq3A = arith.constant 0 : i32
    %eq3A_1 = arith.cmpi eq, %arg1, %eq3A : i32
    %convert_element_type3A = arith.extui %eq3A_1 : i1 to i32
    %cond3A = arith.constant 0 : i32
    %cond3A_2 = arith.cmpi ne, %convert_element_type3A, %cond3A : i32
    scf.if %cond3A_2 {
      %broadcast_in_dim3A_116 = arith.constant 0.000000e+00 : f32
      %broadcast_in_dim3A_117 = vector.broadcast %broadcast_in_dim3A_116 : f32 to vector<1x4096xf32>
      %swap3A_118 = arith.constant 0 : index
      %swap3A_119 = arith.constant 0 : index
      %swap3A_120 = vector.load %arg7[%swap3A_118, %swap3A_119] : memref<1x4096xf32, #tpu.memory_space<vmem>>, vector<1x4096xf32>
      tpu.vector_store %arg7[%swap3A_118, %swap3A_119], %broadcast_in_dim3A_117 {strides = array<i32>} : memref<1x4096xf32, #tpu.memory_space<vmem>>, vector<1x4096xf32>,
      %broadcast_in_dim3A_121 = arith.constant 0.000000e+00 : f32
      %broadcast_in_dim3A_122 = vector.broadcast %broadcast_in_dim3A_121 : f32 to vector<1x4096xf32>
      %swap3A_123 = arith.constant 0 : index
      %swap3A_124 = arith.constant 0 : index
      %swap3A_125 = vector.load %arg8[%swap3A_123, %swap3A_124] : memref<1x4096xf32, #tpu.memory_space<vmem>>, vector<1x4096xf32>
      tpu.vector_store %arg8[%swap3A_123, %swap3A_124], %broadcast_in_dim3A_122 {strides = array<i32>} : memref<1x4096xf32, #tpu.memory_space<vmem>>, vector<1x4096xf32>,
    } else {
    }
    %get3A = arith.constant 0 : index
    %get3A_3 = arith.index_cast %multiple_of3A : i32 to index
    %get3A_4 = arith.constant 0 : index
    %get3A_5 = vector.load %arg2[%get3A, %get3A_3, %get3A_4] : memref<1x4096x8xf32, #tpu.memory_space<vmem>>, vector<1x128x8xf32>
    %get3A_6 = vector.shape_cast %get3A_5 : vector<1x128x8xf32> to vector<128x8xf32>
    %slice3A = vector.extract_strided_slice %get3A_6 {offsets = [0, 4], sizes = [128, 1], strides = [1, 1]} : vector<128x8xf32> to vector<128x1xf32>
    %slice3A_7 = vector.extract_strided_slice %get3A_6 {offsets = [0, 5], sizes = [128, 1], strides = [1, 1]} : vector<128x8xf32> to vector<128x1xf32>
    %slice3A_8 = vector.extract_strided_slice %get3A_6 {offsets = [0, 6], sizes = [128, 1], strides = [1, 1]} : vector<128x8xf32> to vector<128x1xf32>
    %slice3A_9 = vector.extract_strided_slice %get3A_6 {offsets = [0, 7], sizes = [128, 1], strides = [1, 1]} : vector<128x8xf32> to vector<128x1xf32>
    %get3A_10 = arith.constant 0 : index
    %get3A_11 = arith.constant 4 : index
    %get3A_12 = arith.index_cast %multiple_of3A : i32 to index
    %get3A_13 = vector.load %arg3[%get3A_10, %get3A_11, %get3A_12] : memref<1x8x4096xf32, #tpu.memory_space<vmem>>, vector<1x1x128xf32>
    %get3A_14 = vector.shape_cast %get3A_13 : vector<1x1x128xf32> to vector<1x128xf32>
    %get3A_15 = arith.constant 0 : index
    %get3A_16 = arith.constant 5 : index
    %get3A_17 = arith.index_cast %multiple_of3A : i32 to index
    %get3A_18 = vector.load %arg3[%get3A_15, %get3A_16, %get3A_17] : memref<1x8x4096xf32, #tpu.memory_space<vmem>>, vector<1x1x128xf32>
    %get3A_19 = vector.shape_cast %get3A_18 : vector<1x1x128xf32> to vector<1x128xf32>
    %get3A_20 = arith.constant 0 : index
    %get3A_21 = arith.constant 6 : index
    %get3A_22 = arith.index_cast %multiple_of3A : i32 to index
    %get3A_23 = vector.load %arg3[%get3A_20, %get3A_21, %get3A_22] : memref<1x8x4096xf32, #tpu.memory_space<vmem>>, vector<1x1x128xf32>
    %get3A_24 = vector.shape_cast %get3A_23 : vector<1x1x128xf32> to vector<1x128xf32>
    %get3A_25 = arith.constant 0 : index
    %get3A_26 = arith.constant 7 : index
    %get3A_27 = arith.index_cast %multiple_of3A : i32 to index
    %get3A_28 = vector.load %arg3[%get3A_25, %get3A_26, %get3A_27] : memref<1x8x4096xf32, #tpu.memory_space<vmem>>, vector<1x1x128xf32>
    %get3A_29 = vector.shape_cast %get3A_28 : vector<1x1x128xf32> to vector<1x128xf32>
    %sub3A = arith.subf %slice3A_8, %slice3A : vector<128x1xf32>
    %sub3A_30 = arith.subf %slice3A_9, %slice3A_7 : vector<128x1xf32>
    %mul3A_31 = arith.mulf %sub3A, %sub3A_30 : vector<128x1xf32>
    %sub3A_32 = arith.subf %get3A_24, %get3A_14 : vector<1x128xf32>
    %sub3A_33 = arith.subf %get3A_29, %get3A_19 : vector<1x128xf32>
    %mul3A_34 = arith.mulf %sub3A_32, %sub3A_33 : vector<1x128xf32>
    %max3A = vector.broadcast %slice3A : vector<128x1xf32> to vector<128x128xf32>
    %max3A_35 = vector.broadcast %get3A_14 : vector<1x128xf32> to vector<128x128xf32>
    %max3A_36 = arith.maximumf %max3A, %max3A_35 : vector<128x128xf32>
    %max3A_37 = vector.broadcast %slice3A_7 : vector<128x1xf32> to vector<128x128xf32>
    %max3A_38 = vector.broadcast %get3A_19 : vector<1x128xf32> to vector<128x128xf32>
    %max3A_39 = arith.maximumf %max3A_37, %max3A_38 : vector<128x128xf32>
    %min3A = vector.broadcast %slice3A_8 : vector<128x1xf32> to vector<128x128xf32>
    %min3A_40 = vector.broadcast %get3A_24 : vector<1x128xf32> to vector<128x128xf32>
    %min3A_41 = arith.minimumf %min3A, %min3A_40 : vector<128x128xf32>
    %min3A_42 = vector.broadcast %slice3A_9 : vector<128x1xf32> to vector<128x128xf32>
    %min3A_43 = vector.broadcast %get3A_29 : vector<1x128xf32> to vector<128x128xf32>
    %min3A_44 = arith.minimumf %min3A_42, %min3A_43 : vector<128x128xf32>
    %sub3A_45 = arith.subf %min3A_41, %max3A_36 : vector<128x128xf32>
    %jit3A = arith.constant 0.000000e+00 : f32
    %max3A_46 = vector.broadcast %jit3A : f32 to vector<128x128xf32>
    %max3A_47 = arith.maximumf %max3A_46, %sub3A_45 : vector<128x128xf32>
    %sub3A_48 = arith.subf %min3A_44, %max3A_39 : vector<128x128xf32>
    %jit3A_49 = arith.constant 0.000000e+00 : f32
    %max3A_50 = vector.broadcast %jit3A_49 : f32 to vector<128x128xf32>
    %max3A_51 = arith.maximumf %max3A_50, %sub3A_48 : vector<128x128xf32>
    %mul3A_52 = arith.mulf %max3A_47, %max3A_51 : vector<128x128xf32>
    %add3A = vector.broadcast %mul3A_31 : vector<128x1xf32> to vector<128x128xf32>
    %add3A_53 = vector.broadcast %mul3A_34 : vector<1x128xf32> to vector<128x128xf32>
    %add3A_54 = arith.addf %add3A, %add3A_53 : vector<128x128xf32>
    %sub3A_55 = arith.subf %add3A_54, %mul3A_52 : vector<128x128xf32>
    %add3A_56 = arith.constant 9.99999971E-10 : f32
    %add3A_57 = vector.broadcast %add3A_56 : f32 to vector<128x128xf32>
    %add3A_58 = arith.addf %sub3A_55, %add3A_57 : vector<128x128xf32>
    %div3A = arith.divf %mul3A_52, %add3A_58 : vector<128x128xf32>
    %gt3A = arith.constant 0.699999988 : f32
    %gt3A_59 = vector.broadcast %gt3A : f32 to vector<128x128xf32>
    %gt3A_60 = arith.cmpf ogt, %div3A, %gt3A_59 : vector<128x128xf32>
    %convert_element_type3A_61 = arith.extui %gt3A_60 : vector<128x128xi1> to vector<128x128xi32>
    %convert_element_type3A_62 = arith.sitofp %convert_element_type3A_61 : vector<128x128xi32> to vector<128x128xf32>
    %swap3A = arith.constant 0 : index
    %swap3A_63 = arith.constant 0 : index
    %swap3A_64 = vector.load %arg6[%swap3A, %swap3A_63] : memref<128x128xf32, #tpu.memory_space<vmem>>, vector<128x128xf32>
    tpu.vector_store %arg6[%swap3A, %swap3A_63], %convert_element_type3A_62 {strides = array<i32>} : memref<128x128xf32, #tpu.memory_space<vmem>>, vector<128x128xf32>,
    %get3A_65 = arith.constant 0 : index
    %get3A_66 = arith.constant 0 : index
    %get3A_67 = arith.index_cast %multiple_of3A : i32 to index
    %get3A_68 = vector.load %arg3[%get3A_65, %get3A_66, %get3A_67] : memref<1x8x4096xf32, #tpu.memory_space<vmem>>, vector<1x1x128xf32>
    %get3A_69 = vector.shape_cast %get3A_68 : vector<1x1x128xf32> to vector<1x128xf32>
    %get3A_70 = arith.constant 0 : index
    %get3A_71 = arith.constant 1 : index
    %get3A_72 = arith.index_cast %multiple_of3A : i32 to index
    %get3A_73 = vector.load %arg3[%get3A_70, %get3A_71, %get3A_72] : memref<1x8x4096xf32, #tpu.memory_space<vmem>>, vector<1x1x128xf32>
    %get3A_74 = vector.shape_cast %get3A_73 : vector<1x1x128xf32> to vector<1x128xf32>
    %get3A_75 = arith.constant 0 : index
    %get3A_76 = arith.constant 2 : index
    %get3A_77 = arith.index_cast %multiple_of3A : i32 to index
    %get3A_78 = vector.load %arg3[%get3A_75, %get3A_76, %get3A_77] : memref<1x8x4096xf32, #tpu.memory_space<vmem>>, vector<1x1x128xf32>
    %get3A_79 = vector.shape_cast %get3A_78 : vector<1x1x128xf32> to vector<1x128xf32>
    %get3A_80 = arith.constant 0 : index
    %get3A_81 = arith.constant 3 : index
    %get3A_82 = arith.index_cast %multiple_of3A : i32 to index
    %get3A_83 = vector.load %arg3[%get3A_80, %get3A_81, %get3A_82] : memref<1x8x4096xf32, #tpu.memory_space<vmem>>, vector<1x1x128xf32>
    %get3A_84 = vector.shape_cast %get3A_83 : vector<1x1x128xf32> to vector<1x128xf32>
    %sub3A_85 = arith.subf %get3A_79, %get3A_69 : vector<1x128xf32>
    %ge3A = arith.constant 1.000000e-03 : f32
    %ge3A_86 = vector.broadcast %ge3A : f32 to vector<1x128xf32>
    %ge3A_87 = arith.cmpf oge, %sub3A_85, %ge3A_86 : vector<1x128xf32>
    %sub3A_88 = arith.subf %get3A_84, %get3A_74 : vector<1x128xf32>
    %ge3A_89 = arith.constant 1.000000e-03 : f32
    %ge3A_90 = vector.broadcast %ge3A_89 : f32 to vector<1x128xf32>
    %ge3A_91 = arith.cmpf oge, %sub3A_88, %ge3A_90 : vector<1x128xf32>
    %and3A = arith.andi %ge3A_87, %ge3A_91 : vector<1x128xi1>
    %convert_element_type3A_92 = arith.extui %and3A : vector<1x128xi1> to vector<1x128xi32>
    %convert_element_type3A_93 = arith.sitofp %convert_element_type3A_92 : vector<1x128xi32> to vector<1x128xf32>
    %get3A_94 = arith.constant 0 : index
    %get3A_95 = arith.index_cast %multiple_of3A : i32 to index
    %get3A_96 = vector.load %arg7[%get3A_94, %get3A_95] : memref<1x4096xf32, #tpu.memory_space<vmem>>, vector<1x128xf32>
    %broadcast_in_dim3A = arith.constant 0.000000e+00 : f32
    %broadcast_in_dim3A_97 = vector.broadcast %broadcast_in_dim3A : f32 to vector<1x128xf32>
    %scan3A = arith.constant 0 : i32
    %scan3A_98 = arith.constant 128 : i32
    %scan3A_99 = arith.addi %scan3A, %scan3A_98 : i32
    %scan3A_100 = arith.constant 1 : i32
    %scan3A_101:2 = scf.for %scan3A_116 = %scan3A to %scan3A_99 step %scan3A_100 iter_args(%scan3A_117 = %get3A_96, %scan3A_118 = %broadcast_in_dim3A_97) -> (vector<1x128xf32>, vector<1x128xf32>)  : i32 {
      %eq3A_119 = vector.broadcast %scan3A_116 : i32 to vector<1x128xi32>
      %eq3A_120 = arith.cmpi eq, %iota3A, %eq3A_119 : vector<1x128xi32>
      %convert_element_type3A_121 = arith.extui %eq3A_120 : vector<1x128xi1> to vector<1x128xi32>
      %convert_element_type3A_122 = arith.sitofp %convert_element_type3A_121 : vector<1x128xi32> to vector<1x128xf32>
      %mul3A_123 = arith.mulf %convert_element_type3A_122, %convert_element_type3A_93 : vector<1x128xf32>
      %sub3A_124 = arith.constant 1.000000e+00 : f32
      %sub3A_125 = vector.broadcast %sub3A_124 : f32 to vector<1x128xf32>
      %sub3A_126 = arith.subf %sub3A_125, %scan3A_117 : vector<1x128xf32>
      %mul3A_127 = arith.mulf %mul3A_123, %sub3A_126 : vector<1x128xf32>
      %reduce_sum3A = vector.shape_cast %mul3A_127 : vector<1x128xf32> to vector<1x1x128xf32>
      %reduce_sum3A_128 = arith.constant dense<0.000000e+00> : vector<1xf32>
      %reduce_sum3A_129 = vector.multi_reduction <add>, %reduce_sum3A, %reduce_sum3A_128 [1, 2] : vector<1x1x128xf32> to vector<1xf32>
      %reduce_sum3A_130 = vector.shape_cast %reduce_sum3A_129 : vector<1xf32> to vector<1x1x1xf32>
      %reduce_sum3A_131 = vector.extract %reduce_sum3A_130[0, 0, 0] : f32 from vector<1x1x1xf32>
      %mul3A_132 = vector.broadcast %reduce_sum3A_131 : f32 to vector<1x128xf32>
      %mul3A_133 = arith.mulf %convert_element_type3A_122, %mul3A_132 : vector<1x128xf32>
      %add3A_134 = arith.addf %scan3A_118, %mul3A_133 : vector<1x128xf32>
      %get3A_135 = arith.constant 0 : index
      %get3A_136 = arith.constant 0 : index
      %get3A_137 = vector.load %arg6[%get3A_135, %get3A_136] : memref<128x128xf32, #tpu.memory_space<vmem>>, vector<128x128xf32>
      %dot_general3A = arith.constant dense<0.000000e+00> : vector<1x128xf32>
      %dot_general3A_138 = tpu.matmul %convert_element_type3A_122, %get3A_137, %dot_general3A {dimension_numbers = #tpu.dot_dimension_numbers<[1], [0], [0], [1], [0, 0, 1, 1], [], []>, precision = #tpu.contract_precision<fp32>, transpose_lhs_hint = false} : vector<1x128xf32>, vector<128x128xf32>, vector<1x128xf32> -> vector<1x128xf32>
      %gt3A_139 = vector.broadcast %scan3A_116 : i32 to vector<1x128xi32>
      %gt3A_140 = arith.cmpi sgt, %iota3A, %gt3A_139 : vector<1x128xi32>
      %convert_element_type3A_141 = arith.extui %gt3A_140 : vector<1x128xi1> to vector<1x128xi32>
      %convert_element_type3A_142 = arith.sitofp %convert_element_type3A_141 : vector<1x128xi32> to vector<1x128xf32>
      %mul3A_143 = vector.broadcast %reduce_sum3A_131 : f32 to vector<1x128xf32>
      %mul3A_144 = arith.mulf %mul3A_143, %convert_element_type3A_142 : vector<1x128xf32>
      %mul3A_145 = arith.mulf %dot_general3A_138, %mul3A_144 : vector<1x128xf32>
      %max3A_146 = arith.maximumf %scan3A_117, %mul3A_145 : vector<1x128xf32>
      scf.yield %max3A_146, %add3A_134 : vector<1x128xf32>, vector<1x128xf32>
    }
    %scan3A_102 = arith.constant 128 : i32
    %swap3A_103 = arith.constant 0 : index
    %swap3A_104 = arith.index_cast %multiple_of3A : i32 to index
    %swap3A_105 = vector.load %arg8[%swap3A_103, %swap3A_104] : memref<1x4096xf32, #tpu.memory_space<vmem>>, vector<1x128xf32>
    tpu.vector_store %arg8[%swap3A_103, %swap3A_104], %scan3A_101#1 {strides = array<i32>} : memref<1x4096xf32, #tpu.memory_space<vmem>>, vector<1x128xf32>,
    %scan3A_106 = arith.constant 0 : i32
    %scan3A_107 = arith.constant 4 : i32
    %scan3A_108 = arith.addi %scan3A_106, %scan3A_107 : i32
    %scan3A_109 = arith.constant 1 : i32
    scf.for %scan3A_116 = %scan3A_106 to %scan3A_108 step %scan3A_109  : i32 {
      %mul3A_117 = arith.constant 1024 : i32
      %mul3A_118 = arith.muli %scan3A_116, %mul3A_117 : i32
      %add3A_119 = arith.constant 1024 : i32
      %add3A_120 = arith.addi %mul3A_118, %add3A_119 : i32
      %add3A_121 = arith.constant 128 : i32
      %add3A_122 = arith.addi %multiple_of3A, %add3A_121 : i32
      %gt3A_123 = arith.cmpi sgt, %add3A_120, %add3A_122 : i32
      %convert_element_type3A_124 = arith.extui %gt3A_123 : i1 to i32
      %cond3A_125 = arith.constant 0 : i32
      %cond3A_126 = arith.cmpi ne, %convert_element_type3A_124, %cond3A_125 : i32
      scf.if %cond3A_126 {
        %mul3A_127 = arith.constant 1024 : i32
        %mul3A_128 = arith.muli %scan3A_116, %mul3A_127 : i32
        %multiple_of3A_129 = tpu.assume_multiple %mul3A_128, 1024 : i32
        %get3A_130 = arith.constant 0 : index
        %get3A_131 = arith.constant 4 : index
        %get3A_132 = arith.index_cast %multiple_of3A_129 : i32 to index
        %get3A_133 = vector.load %arg3[%get3A_130, %get3A_131, %get3A_132] : memref<1x8x4096xf32, #tpu.memory_space<vmem>>, vector<1x1x1024xf32>
        %get3A_134 = vector.shape_cast %get3A_133 : vector<1x1x1024xf32> to vector<1x1024xf32>
        %get3A_135 = arith.constant 0 : index
        %get3A_136 = arith.constant 5 : index
        %get3A_137 = arith.index_cast %multiple_of3A_129 : i32 to index
        %get3A_138 = vector.load %arg3[%get3A_135, %get3A_136, %get3A_137] : memref<1x8x4096xf32, #tpu.memory_space<vmem>>, vector<1x1x1024xf32>
        %get3A_139 = vector.shape_cast %get3A_138 : vector<1x1x1024xf32> to vector<1x1024xf32>
        %get3A_140 = arith.constant 0 : index
        %get3A_141 = arith.constant 6 : index
        %get3A_142 = arith.index_cast %multiple_of3A_129 : i32 to index
        %get3A_143 = vector.load %arg3[%get3A_140, %get3A_141, %get3A_142] : memref<1x8x4096xf32, #tpu.memory_space<vmem>>, vector<1x1x1024xf32>
        %get3A_144 = vector.shape_cast %get3A_143 : vector<1x1x1024xf32> to vector<1x1024xf32>
        %get3A_145 = arith.constant 0 : index
        %get3A_146 = arith.constant 7 : index
        %get3A_147 = arith.index_cast %multiple_of3A_129 : i32 to index
        %get3A_148 = vector.load %arg3[%get3A_145, %get3A_146, %get3A_147] : memref<1x8x4096xf32, #tpu.memory_space<vmem>>, vector<1x1x1024xf32>
        %get3A_149 = vector.shape_cast %get3A_148 : vector<1x1x1024xf32> to vector<1x1024xf32>
        %sub3A_150 = arith.subf %get3A_144, %get3A_134 : vector<1x1024xf32>
        %sub3A_151 = arith.subf %get3A_149, %get3A_139 : vector<1x1024xf32>
        %mul3A_152 = arith.mulf %sub3A_150, %sub3A_151 : vector<1x1024xf32>
        %max3A_153 = vector.broadcast %slice3A : vector<128x1xf32> to vector<128x1024xf32>
        %max3A_154 = vector.broadcast %get3A_134 : vector<1x1024xf32> to vector<128x1024xf32>
        %max3A_155 = arith.maximumf %max3A_153, %max3A_154 : vector<128x1024xf32>
        %max3A_156 = vector.broadcast %slice3A_7 : vector<128x1xf32> to vector<128x1024xf32>
        %max3A_157 = vector.broadcast %get3A_139 : vector<1x1024xf32> to vector<128x1024xf32>
        %max3A_158 = arith.maximumf %max3A_156, %max3A_157 : vector<128x1024xf32>
        %min3A_159 = vector.broadcast %slice3A_8 : vector<128x1xf32> to vector<128x1024xf32>
        %min3A_160 = vector.broadcast %get3A_144 : vector<1x1024xf32> to vector<128x1024xf32>
        %min3A_161 = arith.minimumf %min3A_159, %min3A_160 : vector<128x1024xf32>
        %min3A_162 = vector.broadcast %slice3A_9 : vector<128x1xf32> to vector<128x1024xf32>
        %min3A_163 = vector.broadcast %get3A_149 : vector<1x1024xf32> to vector<128x1024xf32>
        %min3A_164 = arith.minimumf %min3A_162, %min3A_163 : vector<128x1024xf32>
        %sub3A_165 = arith.subf %min3A_161, %max3A_155 : vector<128x1024xf32>
        %jit3A_166 = arith.constant 0.000000e+00 : f32
        %max3A_167 = vector.broadcast %jit3A_166 : f32 to vector<128x1024xf32>
        %max3A_168 = arith.maximumf %max3A_167, %sub3A_165 : vector<128x1024xf32>
        %sub3A_169 = arith.subf %min3A_164, %max3A_158 : vector<128x1024xf32>
        %jit3A_170 = arith.constant 0.000000e+00 : f32
        %max3A_171 = vector.broadcast %jit3A_170 : f32 to vector<128x1024xf32>
        %max3A_172 = arith.maximumf %max3A_171, %sub3A_169 : vector<128x1024xf32>
        %mul3A_173 = arith.mulf %max3A_168, %max3A_172 : vector<128x1024xf32>
        %add3A_174 = vector.broadcast %mul3A_31 : vector<128x1xf32> to vector<128x1024xf32>
        %add3A_175 = vector.broadcast %mul3A_152 : vector<1x1024xf32> to vector<128x1024xf32>
        %add3A_176 = arith.addf %add3A_174, %add3A_175 : vector<128x1024xf32>
        %sub3A_177 = arith.subf %add3A_176, %mul3A_173 : vector<128x1024xf32>
        %add3A_178 = arith.constant 9.99999971E-10 : f32
        %add3A_179 = vector.broadcast %add3A_178 : f32 to vector<128x1024xf32>
        %add3A_180 = arith.addf %sub3A_177, %add3A_179 : vector<128x1024xf32>
        %div3A_181 = arith.divf %mul3A_173, %add3A_180 : vector<128x1024xf32>
        %gt3A_182 = arith.constant 0.699999988 : f32
        %gt3A_183 = vector.broadcast %gt3A_182 : f32 to vector<128x1024xf32>
        %gt3A_184 = arith.cmpf ogt, %div3A_181, %gt3A_183 : vector<128x1024xf32>
        %convert_element_type3A_185 = arith.extui %gt3A_184 : vector<128x1024xi1> to vector<128x1024xi32>
        %convert_element_type3A_186 = arith.sitofp %convert_element_type3A_185 : vector<128x1024xi32> to vector<128x1024xf32>
        %dot_general3A = arith.constant dense<0.000000e+00> : vector<1x1024xf32>
        %dot_general3A_187 = tpu.matmul %scan3A_101#1, %convert_element_type3A_186, %dot_general3A {dimension_numbers = #tpu.dot_dimension_numbers<[1], [0], [0], [1], [0, 0, 1, 1], [], []>, precision = #tpu.contract_precision<fp32>, transpose_lhs_hint = false} : vector<1x128xf32>, vector<128x1024xf32>, vector<1x1024xf32> -> vector<1x1024xf32>
        %iota3A_188 = tpu.iota {dimensions = array<i32: 1>} : vector<1x1024xi32>
        %add3A_189 = vector.broadcast %multiple_of3A_129 : i32 to vector<1x1024xi32>
        %add3A_190 = arith.addi %iota3A_188, %add3A_189 : vector<1x1024xi32>
        %add3A_191 = arith.constant 127 : i32
        %add3A_192 = arith.addi %multiple_of3A, %add3A_191 : i32
        %gt3A_193 = vector.broadcast %add3A_192 : i32 to vector<1x1024xi32>
        %gt3A_194 = arith.cmpi sgt, %add3A_190, %gt3A_193 : vector<1x1024xi32>
        %convert_element_type3A_195 = arith.extui %gt3A_194 : vector<1x1024xi1> to vector<1x1024xi32>
        %convert_element_type3A_196 = arith.sitofp %convert_element_type3A_195 : vector<1x1024xi32> to vector<1x1024xf32>
        %min3A_197 = arith.constant 1.000000e+00 : f32
        %min3A_198 = vector.broadcast %min3A_197 : f32 to vector<1x1024xf32>
        %min3A_199 = arith.minimumf %dot_general3A_187, %min3A_198 : vector<1x1024xf32>
        %mul3A_200 = arith.mulf %min3A_199, %convert_element_type3A_196 : vector<1x1024xf32>
        %get3A_201 = arith.constant 0 : index
        %get3A_202 = arith.index_cast %multiple_of3A_129 : i32 to index
        %get3A_203 = vector.load %arg7[%get3A_201, %get3A_202] : memref<1x4096xf32, #tpu.memory_space<vmem>>, vector<1x1024xf32>
        %max3A_204 = arith.maximumf %get3A_203, %mul3A_200 : vector<1x1024xf32>
        %swap3A_205 = arith.constant 0 : index
        %swap3A_206 = arith.index_cast %multiple_of3A_129 : i32 to index
        %swap3A_207 = vector.load %arg7[%swap3A_205, %swap3A_206] : memref<1x4096xf32, #tpu.memory_space<vmem>>, vector<1x1024xf32>
        tpu.vector_store %arg7[%swap3A_205, %swap3A_206], %max3A_204 {strides = array<i32>} : memref<1x4096xf32, #tpu.memory_space<vmem>>, vector<1x1024xf32>,
      } else {
      }
    }
    %scan3A_110 = arith.constant 4 : i32
    %eq3A_111 = arith.constant 31 : i32
    %eq3A_112 = arith.cmpi eq, %arg1, %eq3A_111 : i32
    %convert_element_type3A_113 = arith.extui %eq3A_112 : i1 to i32
    %cond3A_114 = arith.constant 0 : i32
    %cond3A_115 = arith.cmpi ne, %convert_element_type3A_113, %cond3A_114 : i32
    scf.if %cond3A_115 {
      %get3A_116 = arith.constant 0 : index
      %get3A_117 = arith.constant 0 : index
      %get3A_118 = vector.load %arg8[%get3A_116, %get3A_117] : memref<1x4096xf32, #tpu.memory_space<vmem>>, vector<1x128xf32>
      %get3A_119 = arith.constant 0 : index
      %get3A_120 = arith.constant 128 : index
      %get3A_121 = vector.load %arg8[%get3A_119, %get3A_120] : memref<1x4096xf32, #tpu.memory_space<vmem>>, vector<1x128xf32>
      %get3A_122 = arith.constant 0 : index
      %get3A_123 = arith.constant 256 : index
      %get3A_124 = vector.load %arg8[%get3A_122, %get3A_123] : memref<1x4096xf32, #tpu.memory_space<vmem>>, vector<1x128xf32>
      %get3A_125 = arith.constant 0 : index
      %get3A_126 = arith.constant 384 : index
      %get3A_127 = vector.load %arg8[%get3A_125, %get3A_126] : memref<1x4096xf32, #tpu.memory_space<vmem>>, vector<1x128xf32>
      %get3A_128 = arith.constant 0 : index
      %get3A_129 = arith.constant 512 : index
      %get3A_130 = vector.load %arg8[%get3A_128, %get3A_129] : memref<1x4096xf32, #tpu.memory_space<vmem>>, vector<1x128xf32>
      %get3A_131 = arith.constant 0 : index
      %get3A_132 = arith.constant 640 : index
      %get3A_133 = vector.load %arg8[%get3A_131, %get3A_132] : memref<1x4096xf32, #tpu.memory_space<vmem>>, vector<1x128xf32>
      %get3A_134 = arith.constant 0 : index
      %get3A_135 = arith.constant 768 : index
      %get3A_136 = vector.load %arg8[%get3A_134, %get3A_135] : memref<1x4096xf32, #tpu.memory_space<vmem>>, vector<1x128xf32>
      %get3A_137 = arith.constant 0 : index
      %get3A_138 = arith.constant 896 : index
      %get3A_139 = vector.load %arg8[%get3A_137, %get3A_138] : memref<1x4096xf32, #tpu.memory_space<vmem>>, vector<1x128xf32>
      %get3A_140 = arith.constant 0 : index
      %get3A_141 = arith.constant 1024 : index
      %get3A_142 = vector.load %arg8[%get3A_140, %get3A_141] : memref<1x4096xf32, #tpu.memory_space<vmem>>, vector<1x128xf32>
      %get3A_143 = arith.constant 0 : index
      %get3A_144 = arith.constant 1152 : index
      %get3A_145 = vector.load %arg8[%get3A_143, %get3A_144] : memref<1x4096xf32, #tpu.memory_space<vmem>>, vector<1x128xf32>
      %get3A_146 = arith.constant 0 : index
      %get3A_147 = arith.constant 1280 : index
      %get3A_148 = vector.load %arg8[%get3A_146, %get3A_147] : memref<1x4096xf32, #tpu.memory_space<vmem>>, vector<1x128xf32>
      %get3A_149 = arith.constant 0 : index
      %get3A_150 = arith.constant 1408 : index
      %get3A_151 = vector.load %arg8[%get3A_149, %get3A_150] : memref<1x4096xf32, #tpu.memory_space<vmem>>, vector<1x128xf32>
      %get3A_152 = arith.constant 0 : index
      %get3A_153 = arith.constant 1536 : index
      %get3A_154 = vector.load %arg8[%get3A_152, %get3A_153] : memref<1x4096xf32, #tpu.memory_space<vmem>>, vector<1x128xf32>
      %get3A_155 = arith.constant 0 : index
      %get3A_156 = arith.constant 1664 : index
      %get3A_157 = vector.load %arg8[%get3A_155, %get3A_156] : memref<1x4096xf32, #tpu.memory_space<vmem>>, vector<1x128xf32>
      %get3A_158 = arith.constant 0 : index
      %get3A_159 = arith.constant 1792 : index
      %get3A_160 = vector.load %arg8[%get3A_158, %get3A_159] : memref<1x4096xf32, #tpu.memory_space<vmem>>, vector<1x128xf32>
      %get3A_161 = arith.constant 0 : index
      %get3A_162 = arith.constant 1920 : index
      %get3A_163 = vector.load %arg8[%get3A_161, %get3A_162] : memref<1x4096xf32, #tpu.memory_space<vmem>>, vector<1x128xf32>
      %get3A_164 = arith.constant 0 : index
      %get3A_165 = arith.constant 2048 : index
      %get3A_166 = vector.load %arg8[%get3A_164, %get3A_165] : memref<1x4096xf32, #tpu.memory_space<vmem>>, vector<1x128xf32>
      %get3A_167 = arith.constant 0 : index
      %get3A_168 = arith.constant 2176 : index
      %get3A_169 = vector.load %arg8[%get3A_167, %get3A_168] : memref<1x4096xf32, #tpu.memory_space<vmem>>, vector<1x128xf32>
      %get3A_170 = arith.constant 0 : index
      %get3A_171 = arith.constant 2304 : index
      %get3A_172 = vector.load %arg8[%get3A_170, %get3A_171] : memref<1x4096xf32, #tpu.memory_space<vmem>>, vector<1x128xf32>
      %get3A_173 = arith.constant 0 : index
      %get3A_174 = arith.constant 2432 : index
      %get3A_175 = vector.load %arg8[%get3A_173, %get3A_174] : memref<1x4096xf32, #tpu.memory_space<vmem>>, vector<1x128xf32>
      %get3A_176 = arith.constant 0 : index
      %get3A_177 = arith.constant 2560 : index
      %get3A_178 = vector.load %arg8[%get3A_176, %get3A_177] : memref<1x4096xf32, #tpu.memory_space<vmem>>, vector<1x128xf32>
      %get3A_179 = arith.constant 0 : index
      %get3A_180 = arith.constant 2688 : index
      %get3A_181 = vector.load %arg8[%get3A_179, %get3A_180] : memref<1x4096xf32, #tpu.memory_space<vmem>>, vector<1x128xf32>
      %get3A_182 = arith.constant 0 : index
      %get3A_183 = arith.constant 2816 : index
      %get3A_184 = vector.load %arg8[%get3A_182, %get3A_183] : memref<1x4096xf32, #tpu.memory_space<vmem>>, vector<1x128xf32>
      %get3A_185 = arith.constant 0 : index
      %get3A_186 = arith.constant 2944 : index
      %get3A_187 = vector.load %arg8[%get3A_185, %get3A_186] : memref<1x4096xf32, #tpu.memory_space<vmem>>, vector<1x128xf32>
      %get3A_188 = arith.constant 0 : index
      %get3A_189 = arith.constant 3072 : index
      %get3A_190 = vector.load %arg8[%get3A_188, %get3A_189] : memref<1x4096xf32, #tpu.memory_space<vmem>>, vector<1x128xf32>
      %get3A_191 = arith.constant 0 : index
      %get3A_192 = arith.constant 3200 : index
      %get3A_193 = vector.load %arg8[%get3A_191, %get3A_192] : memref<1x4096xf32, #tpu.memory_space<vmem>>, vector<1x128xf32>
      %get3A_194 = arith.constant 0 : index
      %get3A_195 = arith.constant 3328 : index
      %get3A_196 = vector.load %arg8[%get3A_194, %get3A_195] : memref<1x4096xf32, #tpu.memory_space<vmem>>, vector<1x128xf32>
      %get3A_197 = arith.constant 0 : index
      %get3A_198 = arith.constant 3456 : index
      %get3A_199 = vector.load %arg8[%get3A_197, %get3A_198] : memref<1x4096xf32, #tpu.memory_space<vmem>>, vector<1x128xf32>
      %get3A_200 = arith.constant 0 : index
      %get3A_201 = arith.constant 3584 : index
      %get3A_202 = vector.load %arg8[%get3A_200, %get3A_201] : memref<1x4096xf32, #tpu.memory_space<vmem>>, vector<1x128xf32>
      %get3A_203 = arith.constant 0 : index
      %get3A_204 = arith.constant 3712 : index
      %get3A_205 = vector.load %arg8[%get3A_203, %get3A_204] : memref<1x4096xf32, #tpu.memory_space<vmem>>, vector<1x128xf32>
      %get3A_206 = arith.constant 0 : index
      %get3A_207 = arith.constant 3840 : index
      %get3A_208 = vector.load %arg8[%get3A_206, %get3A_207] : memref<1x4096xf32, #tpu.memory_space<vmem>>, vector<1x128xf32>
      %get3A_209 = arith.constant 0 : index
      %get3A_210 = arith.constant 3968 : index
      %get3A_211 = vector.load %arg8[%get3A_209, %get3A_210] : memref<1x4096xf32, #tpu.memory_space<vmem>>, vector<1x128xf32>
      %concatenate3A = tpu.concatenate %get3A_118, %get3A_121, %get3A_124, %get3A_127, %get3A_130, %get3A_133, %get3A_136, %get3A_139, %get3A_142, %get3A_145, %get3A_148, %get3A_151, %get3A_154, %get3A_157, %get3A_160, %get3A_163, %get3A_166, %get3A_169, %get3A_172, %get3A_175, %get3A_178, %get3A_181, %get3A_184, %get3A_187, %get3A_190, %get3A_193, %get3A_196, %get3A_199, %get3A_202, %get3A_205, %get3A_208, %get3A_211 in 0 : vector<1x128xf32>, vector<1x128xf32>, vector<1x128xf32>, vector<1x128xf32>, vector<1x128xf32>, vector<1x128xf32>, vector<1x128xf32>, vector<1x128xf32>, vector<1x128xf32>, vector<1x128xf32>, vector<1x128xf32>, vector<1x128xf32>, vector<1x128xf32>, vector<1x128xf32>, vector<1x128xf32>, vector<1x128xf32>, vector<1x128xf32>, vector<1x128xf32>, vector<1x128xf32>, vector<1x128xf32>, vector<1x128xf32>, vector<1x128xf32>, vector<1x128xf32>, vector<1x128xf32>, vector<1x128xf32>, vector<1x128xf32>, vector<1x128xf32>, vector<1x128xf32>, vector<1x128xf32>, vector<1x128xf32>, vector<1x128xf32>, vector<1x128xf32> -> vector<32x128xf32>
      %iota3A_212 = tpu.iota {dimensions = array<i32: 0>} : vector<128x128xi32>
      %iota3A_213 = tpu.iota {dimensions = array<i32: 1>} : vector<128x128xi32>
      %le3A = arith.cmpi sle, %iota3A_212, %iota3A_213 : vector<128x128xi32>
      %convert_element_type3A_214 = arith.extui %le3A : vector<128x128xi1> to vector<128x128xi32>
      %convert_element_type3A_215 = arith.sitofp %convert_element_type3A_214 : vector<128x128xi32> to vector<128x128xf32>
      %dot_general3A = arith.constant dense<0.000000e+00> : vector<32x128xf32>
      %dot_general3A_216 = tpu.matmul %concatenate3A, %convert_element_type3A_215, %dot_general3A {dimension_numbers = #tpu.dot_dimension_numbers<[1], [0], [0], [1], [0, 0, 1, 1], [], []>, precision = #tpu.contract_precision<fp32>, transpose_lhs_hint = false} : vector<32x128xf32>, vector<128x128xf32>, vector<32x128xf32> -> vector<32x128xf32>
      %slice3A_217 = vector.extract_strided_slice %dot_general3A_216 {offsets = [0, 127], sizes = [32, 1], strides = [1, 1]} : vector<32x128xf32> to vector<32x1xf32>
      %iota3A_218 = tpu.iota {dimensions = array<i32: 0>} : vector<32x32xi32>
      %iota3A_219 = tpu.iota {dimensions = array<i32: 1>} : vector<32x32xi32>
      %lt3A = arith.cmpi slt, %iota3A_219, %iota3A_218 : vector<32x32xi32>
      %convert_element_type3A_220 = arith.extui %lt3A : vector<32x32xi1> to vector<32x32xi32>
      %convert_element_type3A_221 = arith.sitofp %convert_element_type3A_220 : vector<32x32xi32> to vector<32x32xf32>
      %dot_general3A_222 = arith.constant dense<0.000000e+00> : vector<32x1xf32>
      %dot_general3A_223 = tpu.matmul %convert_element_type3A_221, %slice3A_217, %dot_general3A_222 {dimension_numbers = #tpu.dot_dimension_numbers<[1], [0], [0], [1], [0, 0, 1, 1], [], []>, precision = #tpu.contract_precision<fp32>, transpose_lhs_hint = false} : vector<32x32xf32>, vector<32x1xf32>, vector<32x1xf32> -> vector<32x1xf32>
      %add3A_224 = vector.broadcast %dot_general3A_223 : vector<32x1xf32> to vector<32x128xf32>
      %add3A_225 = arith.addf %add3A_224, %dot_general3A_216 : vector<32x128xf32>
      %sub3A_226 = arith.constant 1.000000e+00 : f32
      %sub3A_227 = vector.broadcast %sub3A_226 : f32 to vector<32x128xf32>
      %sub3A_228 = arith.subf %add3A_225, %sub3A_227 : vector<32x128xf32>
      %iota3A_229 = tpu.iota {dimensions = array<i32: 0>} : vector<1024x128xi32>
      %convert_element_type3A_230 = arith.sitofp %iota3A_229 : vector<1024x128xi32> to vector<1024x128xf32>
      %broadcast_in_dim3A_231 = arith.constant 0.000000e+00 : f32
      %broadcast_in_dim3A_232 = vector.broadcast %broadcast_in_dim3A_231 : f32 to vector<1024x8xf32>
      %slice3A_233 = vector.extract_strided_slice %sub3A_228 {offsets = [0, 0], sizes = [1, 128], strides = [1, 1]} : vector<32x128xf32> to vector<1x128xf32>
      %slice3A_234 = vector.extract_strided_slice %concatenate3A {offsets = [0, 0], sizes = [1, 128], strides = [1, 1]} : vector<32x128xf32> to vector<1x128xf32>
      %eq3A_235 = vector.broadcast %slice3A_233 : vector<1x128xf32> to vector<1024x128xf32>
      %eq3A_236 = arith.cmpf oeq, %convert_element_type3A_230, %eq3A_235 : vector<1024x128xf32>
      %convert_element_type3A_237 = arith.extui %eq3A_236 : vector<1024x128xi1> to vector<1024x128xi32>
      %convert_element_type3A_238 = arith.sitofp %convert_element_type3A_237 : vector<1024x128xi32> to vector<1024x128xf32>
      %mul3A_239 = vector.broadcast %slice3A_234 : vector<1x128xf32> to vector<1024x128xf32>
      %mul3A_240 = arith.mulf %convert_element_type3A_238, %mul3A_239 : vector<1024x128xf32>
      %get3A_241 = arith.constant 0 : index
      %get3A_242 = arith.constant 0 : index
      %get3A_243 = arith.constant 0 : index
      %get3A_244 = vector.load %arg2[%get3A_241, %get3A_242, %get3A_243] : memref<1x4096x8xf32, #tpu.memory_space<vmem>>, vector<1x128x4xf32>
      %get3A_245 = vector.shape_cast %get3A_244 : vector<1x128x4xf32> to vector<128x4xf32>
      %get3A_246 = arith.constant 0 : index
      %get3A_247 = arith.constant 0 : index
      %get3A_248 = arith.constant 0 : index
      %get3A_249 = vector.load %arg4[%get3A_246, %get3A_247, %get3A_248] : memref<1x4096x1xf32, #tpu.memory_space<vmem>>, vector<1x128x1xf32>
      %get3A_250 = vector.shape_cast %get3A_249 : vector<1x128x1xf32> to vector<128x1xf32>
      %broadcast_in_dim3A_251 = arith.constant 0.000000e+00 : f32
      %broadcast_in_dim3A_252 = vector.broadcast %broadcast_in_dim3A_251 : f32 to vector<128x3xf32>
      %concatenate3A_253 = tpu.concatenate %get3A_245, %get3A_250, %broadcast_in_dim3A_252 in 1 : vector<128x4xf32>, vector<128x1xf32>, vector<128x3xf32> -> vector<128x8xf32>
      %dot_general3A_254 = arith.constant dense<0.000000e+00> : vector<1024x8xf32>
      %dot_general3A_255 = tpu.matmul %mul3A_240, %concatenate3A_253, %dot_general3A_254 {dimension_numbers = #tpu.dot_dimension_numbers<[1], [0], [0], [1], [0, 0, 1, 1], [], []>, precision = #tpu.contract_precision<fp32>, transpose_lhs_hint = false} : vector<1024x128xf32>, vector<128x8xf32>, vector<1024x8xf32> -> vector<1024x8xf32>
      %add3A_256 = arith.addf %broadcast_in_dim3A_232, %dot_general3A_255 : vector<1024x8xf32>
      %slice3A_257 = vector.extract_strided_slice %sub3A_228 {offsets = [1, 0], sizes = [1, 128], strides = [1, 1]} : vector<32x128xf32> to vector<1x128xf32>
      %slice3A_258 = vector.extract_strided_slice %concatenate3A {offsets = [1, 0], sizes = [1, 128], strides = [1, 1]} : vector<32x128xf32> to vector<1x128xf32>
      %eq3A_259 = vector.broadcast %slice3A_257 : vector<1x128xf32> to vector<1024x128xf32>
      %eq3A_260 = arith.cmpf oeq, %convert_element_type3A_230, %eq3A_259 : vector<1024x128xf32>
      %convert_element_type3A_261 = arith.extui %eq3A_260 : vector<1024x128xi1> to vector<1024x128xi32>
      %convert_element_type3A_262 = arith.sitofp %convert_element_type3A_261 : vector<1024x128xi32> to vector<1024x128xf32>
      %mul3A_263 = vector.broadcast %slice3A_258 : vector<1x128xf32> to vector<1024x128xf32>
      %mul3A_264 = arith.mulf %convert_element_type3A_262, %mul3A_263 : vector<1024x128xf32>
      %get3A_265 = arith.constant 0 : index
      %get3A_266 = arith.constant 128 : index
      %get3A_267 = arith.constant 0 : index
      %get3A_268 = vector.load %arg2[%get3A_265, %get3A_266, %get3A_267] : memref<1x4096x8xf32, #tpu.memory_space<vmem>>, vector<1x128x4xf32>
      %get3A_269 = vector.shape_cast %get3A_268 : vector<1x128x4xf32> to vector<128x4xf32>
      %get3A_270 = arith.constant 0 : index
      %get3A_271 = arith.constant 128 : index
      %get3A_272 = arith.constant 0 : index
      %get3A_273 = vector.load %arg4[%get3A_270, %get3A_271, %get3A_272] : memref<1x4096x1xf32, #tpu.memory_space<vmem>>, vector<1x128x1xf32>
      %get3A_274 = vector.shape_cast %get3A_273 : vector<1x128x1xf32> to vector<128x1xf32>
      %broadcast_in_dim3A_275 = arith.constant 0.000000e+00 : f32
      %broadcast_in_dim3A_276 = vector.broadcast %broadcast_in_dim3A_275 : f32 to vector<128x3xf32>
      %concatenate3A_277 = tpu.concatenate %get3A_269, %get3A_274, %broadcast_in_dim3A_276 in 1 : vector<128x4xf32>, vector<128x1xf32>, vector<128x3xf32> -> vector<128x8xf32>
      %dot_general3A_278 = arith.constant dense<0.000000e+00> : vector<1024x8xf32>
      %dot_general3A_279 = tpu.matmul %mul3A_264, %concatenate3A_277, %dot_general3A_278 {dimension_numbers = #tpu.dot_dimension_numbers<[1], [0], [0], [1], [0, 0, 1, 1], [], []>, precision = #tpu.contract_precision<fp32>, transpose_lhs_hint = false} : vector<1024x128xf32>, vector<128x8xf32>, vector<1024x8xf32> -> vector<1024x8xf32>
      %add3A_280 = arith.addf %add3A_256, %dot_general3A_279 : vector<1024x8xf32>
      %slice3A_281 = vector.extract_strided_slice %sub3A_228 {offsets = [2, 0], sizes = [1, 128], strides = [1, 1]} : vector<32x128xf32> to vector<1x128xf32>
      %slice3A_282 = vector.extract_strided_slice %concatenate3A {offsets = [2, 0], sizes = [1, 128], strides = [1, 1]} : vector<32x128xf32> to vector<1x128xf32>
      %eq3A_283 = vector.broadcast %slice3A_281 : vector<1x128xf32> to vector<1024x128xf32>
      %eq3A_284 = arith.cmpf oeq, %convert_element_type3A_230, %eq3A_283 : vector<1024x128xf32>
      %convert_element_type3A_285 = arith.extui %eq3A_284 : vector<1024x128xi1> to vector<1024x128xi32>
      %convert_element_type3A_286 = arith.sitofp %convert_element_type3A_285 : vector<1024x128xi32> to vector<1024x128xf32>
      %mul3A_287 = vector.broadcast %slice3A_282 : vector<1x128xf32> to vector<1024x128xf32>
      %mul3A_288 = arith.mulf %convert_element_type3A_286, %mul3A_287 : vector<1024x128xf32>
      %get3A_289 = arith.constant 0 : index
      %get3A_290 = arith.constant 256 : index
      %get3A_291 = arith.constant 0 : index
      %get3A_292 = vector.load %arg2[%get3A_289, %get3A_290, %get3A_291] : memref<1x4096x8xf32, #tpu.memory_space<vmem>>, vector<1x128x4xf32>
      %get3A_293 = vector.shape_cast %get3A_292 : vector<1x128x4xf32> to vector<128x4xf32>
      %get3A_294 = arith.constant 0 : index
      %get3A_295 = arith.constant 256 : index
      %get3A_296 = arith.constant 0 : index
      %get3A_297 = vector.load %arg4[%get3A_294, %get3A_295, %get3A_296] : memref<1x4096x1xf32, #tpu.memory_space<vmem>>, vector<1x128x1xf32>
      %get3A_298 = vector.shape_cast %get3A_297 : vector<1x128x1xf32> to vector<128x1xf32>
      %broadcast_in_dim3A_299 = arith.constant 0.000000e+00 : f32
      %broadcast_in_dim3A_300 = vector.broadcast %broadcast_in_dim3A_299 : f32 to vector<128x3xf32>
      %concatenate3A_301 = tpu.concatenate %get3A_293, %get3A_298, %broadcast_in_dim3A_300 in 1 : vector<128x4xf32>, vector<128x1xf32>, vector<128x3xf32> -> vector<128x8xf32>
      %dot_general3A_302 = arith.constant dense<0.000000e+00> : vector<1024x8xf32>
      %dot_general3A_303 = tpu.matmul %mul3A_288, %concatenate3A_301, %dot_general3A_302 {dimension_numbers = #tpu.dot_dimension_numbers<[1], [0], [0], [1], [0, 0, 1, 1], [], []>, precision = #tpu.contract_precision<fp32>, transpose_lhs_hint = false} : vector<1024x128xf32>, vector<128x8xf32>, vector<1024x8xf32> -> vector<1024x8xf32>
      %add3A_304 = arith.addf %add3A_280, %dot_general3A_303 : vector<1024x8xf32>
      %slice3A_305 = vector.extract_strided_slice %sub3A_228 {offsets = [3, 0], sizes = [1, 128], strides = [1, 1]} : vector<32x128xf32> to vector<1x128xf32>
      %slice3A_306 = vector.extract_strided_slice %concatenate3A {offsets = [3, 0], sizes = [1, 128], strides = [1, 1]} : vector<32x128xf32> to vector<1x128xf32>
      %eq3A_307 = vector.broadcast %slice3A_305 : vector<1x128xf32> to vector<1024x128xf32>
      %eq3A_308 = arith.cmpf oeq, %convert_element_type3A_230, %eq3A_307 : vector<1024x128xf32>
      %convert_element_type3A_309 = arith.extui %eq3A_308 : vector<1024x128xi1> to vector<1024x128xi32>
      %convert_element_type3A_310 = arith.sitofp %convert_element_type3A_309 : vector<1024x128xi32> to vector<1024x128xf32>
      %mul3A_311 = vector.broadcast %slice3A_306 : vector<1x128xf32> to vector<1024x128xf32>
      %mul3A_312 = arith.mulf %convert_element_type3A_310, %mul3A_311 : vector<1024x128xf32>
      %get3A_313 = arith.constant 0 : index
      %get3A_314 = arith.constant 384 : index
      %get3A_315 = arith.constant 0 : index
      %get3A_316 = vector.load %arg2[%get3A_313, %get3A_314, %get3A_315] : memref<1x4096x8xf32, #tpu.memory_space<vmem>>, vector<1x128x4xf32>
      %get3A_317 = vector.shape_cast %get3A_316 : vector<1x128x4xf32> to vector<128x4xf32>
      %get3A_318 = arith.constant 0 : index
      %get3A_319 = arith.constant 384 : index
      %get3A_320 = arith.constant 0 : index
      %get3A_321 = vector.load %arg4[%get3A_318, %get3A_319, %get3A_320] : memref<1x4096x1xf32, #tpu.memory_space<vmem>>, vector<1x128x1xf32>
      %get3A_322 = vector.shape_cast %get3A_321 : vector<1x128x1xf32> to vector<128x1xf32>
      %broadcast_in_dim3A_323 = arith.constant 0.000000e+00 : f32
      %broadcast_in_dim3A_324 = vector.broadcast %broadcast_in_dim3A_323 : f32 to vector<128x3xf32>
      %concatenate3A_325 = tpu.concatenate %get3A_317, %get3A_322, %broadcast_in_dim3A_324 in 1 : vector<128x4xf32>, vector<128x1xf32>, vector<128x3xf32> -> vector<128x8xf32>
      %dot_general3A_326 = arith.constant dense<0.000000e+00> : vector<1024x8xf32>
      %dot_general3A_327 = tpu.matmul %mul3A_312, %concatenate3A_325, %dot_general3A_326 {dimension_numbers = #tpu.dot_dimension_numbers<[1], [0], [0], [1], [0, 0, 1, 1], [], []>, precision = #tpu.contract_precision<fp32>, transpose_lhs_hint = false} : vector<1024x128xf32>, vector<128x8xf32>, vector<1024x8xf32> -> vector<1024x8xf32>
      %add3A_328 = arith.addf %add3A_304, %dot_general3A_327 : vector<1024x8xf32>
      %slice3A_329 = vector.extract_strided_slice %sub3A_228 {offsets = [4, 0], sizes = [1, 128], strides = [1, 1]} : vector<32x128xf32> to vector<1x128xf32>
      %slice3A_330 = vector.extract_strided_slice %concatenate3A {offsets = [4, 0], sizes = [1, 128], strides = [1, 1]} : vector<32x128xf32> to vector<1x128xf32>
      %eq3A_331 = vector.broadcast %slice3A_329 : vector<1x128xf32> to vector<1024x128xf32>
      %eq3A_332 = arith.cmpf oeq, %convert_element_type3A_230, %eq3A_331 : vector<1024x128xf32>
      %convert_element_type3A_333 = arith.extui %eq3A_332 : vector<1024x128xi1> to vector<1024x128xi32>
      %convert_element_type3A_334 = arith.sitofp %convert_element_type3A_333 : vector<1024x128xi32> to vector<1024x128xf32>
      %mul3A_335 = vector.broadcast %slice3A_330 : vector<1x128xf32> to vector<1024x128xf32>
      %mul3A_336 = arith.mulf %convert_element_type3A_334, %mul3A_335 : vector<1024x128xf32>
      %get3A_337 = arith.constant 0 : index
      %get3A_338 = arith.constant 512 : index
      %get3A_339 = arith.constant 0 : index
      %get3A_340 = vector.load %arg2[%get3A_337, %get3A_338, %get3A_339] : memref<1x4096x8xf32, #tpu.memory_space<vmem>>, vector<1x128x4xf32>
      %get3A_341 = vector.shape_cast %get3A_340 : vector<1x128x4xf32> to vector<128x4xf32>
      %get3A_342 = arith.constant 0 : index
      %get3A_343 = arith.constant 512 : index
      %get3A_344 = arith.constant 0 : index
      %get3A_345 = vector.load %arg4[%get3A_342, %get3A_343, %get3A_344] : memref<1x4096x1xf32, #tpu.memory_space<vmem>>, vector<1x128x1xf32>
      %get3A_346 = vector.shape_cast %get3A_345 : vector<1x128x1xf32> to vector<128x1xf32>
      %broadcast_in_dim3A_347 = arith.constant 0.000000e+00 : f32
      %broadcast_in_dim3A_348 = vector.broadcast %broadcast_in_dim3A_347 : f32 to vector<128x3xf32>
      %concatenate3A_349 = tpu.concatenate %get3A_341, %get3A_346, %broadcast_in_dim3A_348 in 1 : vector<128x4xf32>, vector<128x1xf32>, vector<128x3xf32> -> vector<128x8xf32>
      %dot_general3A_350 = arith.constant dense<0.000000e+00> : vector<1024x8xf32>
      %dot_general3A_351 = tpu.matmul %mul3A_336, %concatenate3A_349, %dot_general3A_350 {dimension_numbers = #tpu.dot_dimension_numbers<[1], [0], [0], [1], [0, 0, 1, 1], [], []>, precision = #tpu.contract_precision<fp32>, transpose_lhs_hint = false} : vector<1024x128xf32>, vector<128x8xf32>, vector<1024x8xf32> -> vector<1024x8xf32>
      %add3A_352 = arith.addf %add3A_328, %dot_general3A_351 : vector<1024x8xf32>
      %slice3A_353 = vector.extract_strided_slice %sub3A_228 {offsets = [5, 0], sizes = [1, 128], strides = [1, 1]} : vector<32x128xf32> to vector<1x128xf32>
      %slice3A_354 = vector.extract_strided_slice %concatenate3A {offsets = [5, 0], sizes = [1, 128], strides = [1, 1]} : vector<32x128xf32> to vector<1x128xf32>
      %eq3A_355 = vector.broadcast %slice3A_353 : vector<1x128xf32> to vector<1024x128xf32>
      %eq3A_356 = arith.cmpf oeq, %convert_element_type3A_230, %eq3A_355 : vector<1024x128xf32>
      %convert_element_type3A_357 = arith.extui %eq3A_356 : vector<1024x128xi1> to vector<1024x128xi32>
      %convert_element_type3A_358 = arith.sitofp %convert_element_type3A_357 : vector<1024x128xi32> to vector<1024x128xf32>
      %mul3A_359 = vector.broadcast %slice3A_354 : vector<1x128xf32> to vector<1024x128xf32>
      %mul3A_360 = arith.mulf %convert_element_type3A_358, %mul3A_359 : vector<1024x128xf32>
      %get3A_361 = arith.constant 0 : index
      %get3A_362 = arith.constant 640 : index
      %get3A_363 = arith.constant 0 : index
      %get3A_364 = vector.load %arg2[%get3A_361, %get3A_362, %get3A_363] : memref<1x4096x8xf32, #tpu.memory_space<vmem>>, vector<1x128x4xf32>
      %get3A_365 = vector.shape_cast %get3A_364 : vector<1x128x4xf32> to vector<128x4xf32>
      %get3A_366 = arith.constant 0 : index
      %get3A_367 = arith.constant 640 : index
      %get3A_368 = arith.constant 0 : index
      %get3A_369 = vector.load %arg4[%get3A_366, %get3A_367, %get3A_368] : memref<1x4096x1xf32, #tpu.memory_space<vmem>>, vector<1x128x1xf32>
      %get3A_370 = vector.shape_cast %get3A_369 : vector<1x128x1xf32> to vector<128x1xf32>
      %broadcast_in_dim3A_371 = arith.constant 0.000000e+00 : f32
      %broadcast_in_dim3A_372 = vector.broadcast %broadcast_in_dim3A_371 : f32 to vector<128x3xf32>
      %concatenate3A_373 = tpu.concatenate %get3A_365, %get3A_370, %broadcast_in_dim3A_372 in 1 : vector<128x4xf32>, vector<128x1xf32>, vector<128x3xf32> -> vector<128x8xf32>
      %dot_general3A_374 = arith.constant dense<0.000000e+00> : vector<1024x8xf32>
      %dot_general3A_375 = tpu.matmul %mul3A_360, %concatenate3A_373, %dot_general3A_374 {dimension_numbers = #tpu.dot_dimension_numbers<[1], [0], [0], [1], [0, 0, 1, 1], [], []>, precision = #tpu.contract_precision<fp32>, transpose_lhs_hint = false} : vector<1024x128xf32>, vector<128x8xf32>, vector<1024x8xf32> -> vector<1024x8xf32>
      %add3A_376 = arith.addf %add3A_352, %dot_general3A_375 : vector<1024x8xf32>
      %slice3A_377 = vector.extract_strided_slice %sub3A_228 {offsets = [6, 0], sizes = [1, 128], strides = [1, 1]} : vector<32x128xf32> to vector<1x128xf32>
      %slice3A_378 = vector.extract_strided_slice %concatenate3A {offsets = [6, 0], sizes = [1, 128], strides = [1, 1]} : vector<32x128xf32> to vector<1x128xf32>
      %eq3A_379 = vector.broadcast %slice3A_377 : vector<1x128xf32> to vector<1024x128xf32>
      %eq3A_380 = arith.cmpf oeq, %convert_element_type3A_230, %eq3A_379 : vector<1024x128xf32>
      %convert_element_type3A_381 = arith.extui %eq3A_380 : vector<1024x128xi1> to vector<1024x128xi32>
      %convert_element_type3A_382 = arith.sitofp %convert_element_type3A_381 : vector<1024x128xi32> to vector<1024x128xf32>
      %mul3A_383 = vector.broadcast %slice3A_378 : vector<1x128xf32> to vector<1024x128xf32>
      %mul3A_384 = arith.mulf %convert_element_type3A_382, %mul3A_383 : vector<1024x128xf32>
      %get3A_385 = arith.constant 0 : index
      %get3A_386 = arith.constant 768 : index
      %get3A_387 = arith.constant 0 : index
      %get3A_388 = vector.load %arg2[%get3A_385, %get3A_386, %get3A_387] : memref<1x4096x8xf32, #tpu.memory_space<vmem>>, vector<1x128x4xf32>
      %get3A_389 = vector.shape_cast %get3A_388 : vector<1x128x4xf32> to vector<128x4xf32>
      %get3A_390 = arith.constant 0 : index
      %get3A_391 = arith.constant 768 : index
      %get3A_392 = arith.constant 0 : index
      %get3A_393 = vector.load %arg4[%get3A_390, %get3A_391, %get3A_392] : memref<1x4096x1xf32, #tpu.memory_space<vmem>>, vector<1x128x1xf32>
      %get3A_394 = vector.shape_cast %get3A_393 : vector<1x128x1xf32> to vector<128x1xf32>
      %broadcast_in_dim3A_395 = arith.constant 0.000000e+00 : f32
      %broadcast_in_dim3A_396 = vector.broadcast %broadcast_in_dim3A_395 : f32 to vector<128x3xf32>
      %concatenate3A_397 = tpu.concatenate %get3A_389, %get3A_394, %broadcast_in_dim3A_396 in 1 : vector<128x4xf32>, vector<128x1xf32>, vector<128x3xf32> -> vector<128x8xf32>
      %dot_general3A_398 = arith.constant dense<0.000000e+00> : vector<1024x8xf32>
      %dot_general3A_399 = tpu.matmul %mul3A_384, %concatenate3A_397, %dot_general3A_398 {dimension_numbers = #tpu.dot_dimension_numbers<[1], [0], [0], [1], [0, 0, 1, 1], [], []>, precision = #tpu.contract_precision<fp32>, transpose_lhs_hint = false} : vector<1024x128xf32>, vector<128x8xf32>, vector<1024x8xf32> -> vector<1024x8xf32>
      %add3A_400 = arith.addf %add3A_376, %dot_general3A_399 : vector<1024x8xf32>
      %slice3A_401 = vector.extract_strided_slice %sub3A_228 {offsets = [7, 0], sizes = [1, 128], strides = [1, 1]} : vector<32x128xf32> to vector<1x128xf32>
      %slice3A_402 = vector.extract_strided_slice %concatenate3A {offsets = [7, 0], sizes = [1, 128], strides = [1, 1]} : vector<32x128xf32> to vector<1x128xf32>
      %eq3A_403 = vector.broadcast %slice3A_401 : vector<1x128xf32> to vector<1024x128xf32>
      %eq3A_404 = arith.cmpf oeq, %convert_element_type3A_230, %eq3A_403 : vector<1024x128xf32>
      %convert_element_type3A_405 = arith.extui %eq3A_404 : vector<1024x128xi1> to vector<1024x128xi32>
      %convert_element_type3A_406 = arith.sitofp %convert_element_type3A_405 : vector<1024x128xi32> to vector<1024x128xf32>
      %mul3A_407 = vector.broadcast %slice3A_402 : vector<1x128xf32> to vector<1024x128xf32>
      %mul3A_408 = arith.mulf %convert_element_type3A_406, %mul3A_407 : vector<1024x128xf32>
      %get3A_409 = arith.constant 0 : index
      %get3A_410 = arith.constant 896 : index
      %get3A_411 = arith.constant 0 : index
      %get3A_412 = vector.load %arg2[%get3A_409, %get3A_410, %get3A_411] : memref<1x4096x8xf32, #tpu.memory_space<vmem>>, vector<1x128x4xf32>
      %get3A_413 = vector.shape_cast %get3A_412 : vector<1x128x4xf32> to vector<128x4xf32>
      %get3A_414 = arith.constant 0 : index
      %get3A_415 = arith.constant 896 : index
      %get3A_416 = arith.constant 0 : index
      %get3A_417 = vector.load %arg4[%get3A_414, %get3A_415, %get3A_416] : memref<1x4096x1xf32, #tpu.memory_space<vmem>>, vector<1x128x1xf32>
      %get3A_418 = vector.shape_cast %get3A_417 : vector<1x128x1xf32> to vector<128x1xf32>
      %broadcast_in_dim3A_419 = arith.constant 0.000000e+00 : f32
      %broadcast_in_dim3A_420 = vector.broadcast %broadcast_in_dim3A_419 : f32 to vector<128x3xf32>
      %concatenate3A_421 = tpu.concatenate %get3A_413, %get3A_418, %broadcast_in_dim3A_420 in 1 : vector<128x4xf32>, vector<128x1xf32>, vector<128x3xf32> -> vector<128x8xf32>
      %dot_general3A_422 = arith.constant dense<0.000000e+00> : vector<1024x8xf32>
      %dot_general3A_423 = tpu.matmul %mul3A_408, %concatenate3A_421, %dot_general3A_422 {dimension_numbers = #tpu.dot_dimension_numbers<[1], [0], [0], [1], [0, 0, 1, 1], [], []>, precision = #tpu.contract_precision<fp32>, transpose_lhs_hint = false} : vector<1024x128xf32>, vector<128x8xf32>, vector<1024x8xf32> -> vector<1024x8xf32>
      %add3A_424 = arith.addf %add3A_400, %dot_general3A_423 : vector<1024x8xf32>
      %slice3A_425 = vector.extract_strided_slice %sub3A_228 {offsets = [8, 0], sizes = [1, 128], strides = [1, 1]} : vector<32x128xf32> to vector<1x128xf32>
      %slice3A_426 = vector.extract_strided_slice %concatenate3A {offsets = [8, 0], sizes = [1, 128], strides = [1, 1]} : vector<32x128xf32> to vector<1x128xf32>
      %eq3A_427 = vector.broadcast %slice3A_425 : vector<1x128xf32> to vector<1024x128xf32>
      %eq3A_428 = arith.cmpf oeq, %convert_element_type3A_230, %eq3A_427 : vector<1024x128xf32>
      %convert_element_type3A_429 = arith.extui %eq3A_428 : vector<1024x128xi1> to vector<1024x128xi32>
      %convert_element_type3A_430 = arith.sitofp %convert_element_type3A_429 : vector<1024x128xi32> to vector<1024x128xf32>
      %mul3A_431 = vector.broadcast %slice3A_426 : vector<1x128xf32> to vector<1024x128xf32>
      %mul3A_432 = arith.mulf %convert_element_type3A_430, %mul3A_431 : vector<1024x128xf32>
      %get3A_433 = arith.constant 0 : index
      %get3A_434 = arith.constant 1024 : index
      %get3A_435 = arith.constant 0 : index
      %get3A_436 = vector.load %arg2[%get3A_433, %get3A_434, %get3A_435] : memref<1x4096x8xf32, #tpu.memory_space<vmem>>, vector<1x128x4xf32>
      %get3A_437 = vector.shape_cast %get3A_436 : vector<1x128x4xf32> to vector<128x4xf32>
      %get3A_438 = arith.constant 0 : index
      %get3A_439 = arith.constant 1024 : index
      %get3A_440 = arith.constant 0 : index
      %get3A_441 = vector.load %arg4[%get3A_438, %get3A_439, %get3A_440] : memref<1x4096x1xf32, #tpu.memory_space<vmem>>, vector<1x128x1xf32>
      %get3A_442 = vector.shape_cast %get3A_441 : vector<1x128x1xf32> to vector<128x1xf32>
      %broadcast_in_dim3A_443 = arith.constant 0.000000e+00 : f32
      %broadcast_in_dim3A_444 = vector.broadcast %broadcast_in_dim3A_443 : f32 to vector<128x3xf32>
      %concatenate3A_445 = tpu.concatenate %get3A_437, %get3A_442, %broadcast_in_dim3A_444 in 1 : vector<128x4xf32>, vector<128x1xf32>, vector<128x3xf32> -> vector<128x8xf32>
      %dot_general3A_446 = arith.constant dense<0.000000e+00> : vector<1024x8xf32>
      %dot_general3A_447 = tpu.matmul %mul3A_432, %concatenate3A_445, %dot_general3A_446 {dimension_numbers = #tpu.dot_dimension_numbers<[1], [0], [0], [1], [0, 0, 1, 1], [], []>, precision = #tpu.contract_precision<fp32>, transpose_lhs_hint = false} : vector<1024x128xf32>, vector<128x8xf32>, vector<1024x8xf32> -> vector<1024x8xf32>
      %add3A_448 = arith.addf %add3A_424, %dot_general3A_447 : vector<1024x8xf32>
      %slice3A_449 = vector.extract_strided_slice %sub3A_228 {offsets = [9, 0], sizes = [1, 128], strides = [1, 1]} : vector<32x128xf32> to vector<1x128xf32>
      %slice3A_450 = vector.extract_strided_slice %concatenate3A {offsets = [9, 0], sizes = [1, 128], strides = [1, 1]} : vector<32x128xf32> to vector<1x128xf32>
      %eq3A_451 = vector.broadcast %slice3A_449 : vector<1x128xf32> to vector<1024x128xf32>
      %eq3A_452 = arith.cmpf oeq, %convert_element_type3A_230, %eq3A_451 : vector<1024x128xf32>
      %convert_element_type3A_453 = arith.extui %eq3A_452 : vector<1024x128xi1> to vector<1024x128xi32>
      %convert_element_type3A_454 = arith.sitofp %convert_element_type3A_453 : vector<1024x128xi32> to vector<1024x128xf32>
      %mul3A_455 = vector.broadcast %slice3A_450 : vector<1x128xf32> to vector<1024x128xf32>
      %mul3A_456 = arith.mulf %convert_element_type3A_454, %mul3A_455 : vector<1024x128xf32>
      %get3A_457 = arith.constant 0 : index
      %get3A_458 = arith.constant 1152 : index
      %get3A_459 = arith.constant 0 : index
      %get3A_460 = vector.load %arg2[%get3A_457, %get3A_458, %get3A_459] : memref<1x4096x8xf32, #tpu.memory_space<vmem>>, vector<1x128x4xf32>
      %get3A_461 = vector.shape_cast %get3A_460 : vector<1x128x4xf32> to vector<128x4xf32>
      %get3A_462 = arith.constant 0 : index
      %get3A_463 = arith.constant 1152 : index
      %get3A_464 = arith.constant 0 : index
      %get3A_465 = vector.load %arg4[%get3A_462, %get3A_463, %get3A_464] : memref<1x4096x1xf32, #tpu.memory_space<vmem>>, vector<1x128x1xf32>
      %get3A_466 = vector.shape_cast %get3A_465 : vector<1x128x1xf32> to vector<128x1xf32>
      %broadcast_in_dim3A_467 = arith.constant 0.000000e+00 : f32
      %broadcast_in_dim3A_468 = vector.broadcast %broadcast_in_dim3A_467 : f32 to vector<128x3xf32>
      %concatenate3A_469 = tpu.concatenate %get3A_461, %get3A_466, %broadcast_in_dim3A_468 in 1 : vector<128x4xf32>, vector<128x1xf32>, vector<128x3xf32> -> vector<128x8xf32>
      %dot_general3A_470 = arith.constant dense<0.000000e+00> : vector<1024x8xf32>
      %dot_general3A_471 = tpu.matmul %mul3A_456, %concatenate3A_469, %dot_general3A_470 {dimension_numbers = #tpu.dot_dimension_numbers<[1], [0], [0], [1], [0, 0, 1, 1], [], []>, precision = #tpu.contract_precision<fp32>, transpose_lhs_hint = false} : vector<1024x128xf32>, vector<128x8xf32>, vector<1024x8xf32> -> vector<1024x8xf32>
      %add3A_472 = arith.addf %add3A_448, %dot_general3A_471 : vector<1024x8xf32>
      %slice3A_473 = vector.extract_strided_slice %sub3A_228 {offsets = [10, 0], sizes = [1, 128], strides = [1, 1]} : vector<32x128xf32> to vector<1x128xf32>
      %slice3A_474 = vector.extract_strided_slice %concatenate3A {offsets = [10, 0], sizes = [1, 128], strides = [1, 1]} : vector<32x128xf32> to vector<1x128xf32>
      %eq3A_475 = vector.broadcast %slice3A_473 : vector<1x128xf32> to vector<1024x128xf32>
      %eq3A_476 = arith.cmpf oeq, %convert_element_type3A_230, %eq3A_475 : vector<1024x128xf32>
      %convert_element_type3A_477 = arith.extui %eq3A_476 : vector<1024x128xi1> to vector<1024x128xi32>
      %convert_element_type3A_478 = arith.sitofp %convert_element_type3A_477 : vector<1024x128xi32> to vector<1024x128xf32>
      %mul3A_479 = vector.broadcast %slice3A_474 : vector<1x128xf32> to vector<1024x128xf32>
      %mul3A_480 = arith.mulf %convert_element_type3A_478, %mul3A_479 : vector<1024x128xf32>
      %get3A_481 = arith.constant 0 : index
      %get3A_482 = arith.constant 1280 : index
      %get3A_483 = arith.constant 0 : index
      %get3A_484 = vector.load %arg2[%get3A_481, %get3A_482, %get3A_483] : memref<1x4096x8xf32, #tpu.memory_space<vmem>>, vector<1x128x4xf32>
      %get3A_485 = vector.shape_cast %get3A_484 : vector<1x128x4xf32> to vector<128x4xf32>
      %get3A_486 = arith.constant 0 : index
      %get3A_487 = arith.constant 1280 : index
      %get3A_488 = arith.constant 0 : index
      %get3A_489 = vector.load %arg4[%get3A_486, %get3A_487, %get3A_488] : memref<1x4096x1xf32, #tpu.memory_space<vmem>>, vector<1x128x1xf32>
      %get3A_490 = vector.shape_cast %get3A_489 : vector<1x128x1xf32> to vector<128x1xf32>
      %broadcast_in_dim3A_491 = arith.constant 0.000000e+00 : f32
      %broadcast_in_dim3A_492 = vector.broadcast %broadcast_in_dim3A_491 : f32 to vector<128x3xf32>
      %concatenate3A_493 = tpu.concatenate %get3A_485, %get3A_490, %broadcast_in_dim3A_492 in 1 : vector<128x4xf32>, vector<128x1xf32>, vector<128x3xf32> -> vector<128x8xf32>
      %dot_general3A_494 = arith.constant dense<0.000000e+00> : vector<1024x8xf32>
      %dot_general3A_495 = tpu.matmul %mul3A_480, %concatenate3A_493, %dot_general3A_494 {dimension_numbers = #tpu.dot_dimension_numbers<[1], [0], [0], [1], [0, 0, 1, 1], [], []>, precision = #tpu.contract_precision<fp32>, transpose_lhs_hint = false} : vector<1024x128xf32>, vector<128x8xf32>, vector<1024x8xf32> -> vector<1024x8xf32>
      %add3A_496 = arith.addf %add3A_472, %dot_general3A_495 : vector<1024x8xf32>
      %slice3A_497 = vector.extract_strided_slice %sub3A_228 {offsets = [11, 0], sizes = [1, 128], strides = [1, 1]} : vector<32x128xf32> to vector<1x128xf32>
      %slice3A_498 = vector.extract_strided_slice %concatenate3A {offsets = [11, 0], sizes = [1, 128], strides = [1, 1]} : vector<32x128xf32> to vector<1x128xf32>
      %eq3A_499 = vector.broadcast %slice3A_497 : vector<1x128xf32> to vector<1024x128xf32>
      %eq3A_500 = arith.cmpf oeq, %convert_element_type3A_230, %eq3A_499 : vector<1024x128xf32>
      %convert_element_type3A_501 = arith.extui %eq3A_500 : vector<1024x128xi1> to vector<1024x128xi32>
      %convert_element_type3A_502 = arith.sitofp %convert_element_type3A_501 : vector<1024x128xi32> to vector<1024x128xf32>
      %mul3A_503 = vector.broadcast %slice3A_498 : vector<1x128xf32> to vector<1024x128xf32>
      %mul3A_504 = arith.mulf %convert_element_type3A_502, %mul3A_503 : vector<1024x128xf32>
      %get3A_505 = arith.constant 0 : index
      %get3A_506 = arith.constant 1408 : index
      %get3A_507 = arith.constant 0 : index
      %get3A_508 = vector.load %arg2[%get3A_505, %get3A_506, %get3A_507] : memref<1x4096x8xf32, #tpu.memory_space<vmem>>, vector<1x128x4xf32>
      %get3A_509 = vector.shape_cast %get3A_508 : vector<1x128x4xf32> to vector<128x4xf32>
      %get3A_510 = arith.constant 0 : index
      %get3A_511 = arith.constant 1408 : index
      %get3A_512 = arith.constant 0 : index
      %get3A_513 = vector.load %arg4[%get3A_510, %get3A_511, %get3A_512] : memref<1x4096x1xf32, #tpu.memory_space<vmem>>, vector<1x128x1xf32>
      %get3A_514 = vector.shape_cast %get3A_513 : vector<1x128x1xf32> to vector<128x1xf32>
      %broadcast_in_dim3A_515 = arith.constant 0.000000e+00 : f32
      %broadcast_in_dim3A_516 = vector.broadcast %broadcast_in_dim3A_515 : f32 to vector<128x3xf32>
      %concatenate3A_517 = tpu.concatenate %get3A_509, %get3A_514, %broadcast_in_dim3A_516 in 1 : vector<128x4xf32>, vector<128x1xf32>, vector<128x3xf32> -> vector<128x8xf32>
      %dot_general3A_518 = arith.constant dense<0.000000e+00> : vector<1024x8xf32>
      %dot_general3A_519 = tpu.matmul %mul3A_504, %concatenate3A_517, %dot_general3A_518 {dimension_numbers = #tpu.dot_dimension_numbers<[1], [0], [0], [1], [0, 0, 1, 1], [], []>, precision = #tpu.contract_precision<fp32>, transpose_lhs_hint = false} : vector<1024x128xf32>, vector<128x8xf32>, vector<1024x8xf32> -> vector<1024x8xf32>
      %add3A_520 = arith.addf %add3A_496, %dot_general3A_519 : vector<1024x8xf32>
      %slice3A_521 = vector.extract_strided_slice %sub3A_228 {offsets = [12, 0], sizes = [1, 128], strides = [1, 1]} : vector<32x128xf32> to vector<1x128xf32>
      %slice3A_522 = vector.extract_strided_slice %concatenate3A {offsets = [12, 0], sizes = [1, 128], strides = [1, 1]} : vector<32x128xf32> to vector<1x128xf32>
      %eq3A_523 = vector.broadcast %slice3A_521 : vector<1x128xf32> to vector<1024x128xf32>
      %eq3A_524 = arith.cmpf oeq, %convert_element_type3A_230, %eq3A_523 : vector<1024x128xf32>
      %convert_element_type3A_525 = arith.extui %eq3A_524 : vector<1024x128xi1> to vector<1024x128xi32>
      %convert_element_type3A_526 = arith.sitofp %convert_element_type3A_525 : vector<1024x128xi32> to vector<1024x128xf32>
      %mul3A_527 = vector.broadcast %slice3A_522 : vector<1x128xf32> to vector<1024x128xf32>
      %mul3A_528 = arith.mulf %convert_element_type3A_526, %mul3A_527 : vector<1024x128xf32>
      %get3A_529 = arith.constant 0 : index
      %get3A_530 = arith.constant 1536 : index
      %get3A_531 = arith.constant 0 : index
      %get3A_532 = vector.load %arg2[%get3A_529, %get3A_530, %get3A_531] : memref<1x4096x8xf32, #tpu.memory_space<vmem>>, vector<1x128x4xf32>
      %get3A_533 = vector.shape_cast %get3A_532 : vector<1x128x4xf32> to vector<128x4xf32>
      %get3A_534 = arith.constant 0 : index
      %get3A_535 = arith.constant 1536 : index
      %get3A_536 = arith.constant 0 : index
      %get3A_537 = vector.load %arg4[%get3A_534, %get3A_535, %get3A_536] : memref<1x4096x1xf32, #tpu.memory_space<vmem>>, vector<1x128x1xf32>
      %get3A_538 = vector.shape_cast %get3A_537 : vector<1x128x1xf32> to vector<128x1xf32>
      %broadcast_in_dim3A_539 = arith.constant 0.000000e+00 : f32
      %broadcast_in_dim3A_540 = vector.broadcast %broadcast_in_dim3A_539 : f32 to vector<128x3xf32>
      %concatenate3A_541 = tpu.concatenate %get3A_533, %get3A_538, %broadcast_in_dim3A_540 in 1 : vector<128x4xf32>, vector<128x1xf32>, vector<128x3xf32> -> vector<128x8xf32>
      %dot_general3A_542 = arith.constant dense<0.000000e+00> : vector<1024x8xf32>
      %dot_general3A_543 = tpu.matmul %mul3A_528, %concatenate3A_541, %dot_general3A_542 {dimension_numbers = #tpu.dot_dimension_numbers<[1], [0], [0], [1], [0, 0, 1, 1], [], []>, precision = #tpu.contract_precision<fp32>, transpose_lhs_hint = false} : vector<1024x128xf32>, vector<128x8xf32>, vector<1024x8xf32> -> vector<1024x8xf32>
      %add3A_544 = arith.addf %add3A_520, %dot_general3A_543 : vector<1024x8xf32>
      %slice3A_545 = vector.extract_strided_slice %sub3A_228 {offsets = [13, 0], sizes = [1, 128], strides = [1, 1]} : vector<32x128xf32> to vector<1x128xf32>
      %slice3A_546 = vector.extract_strided_slice %concatenate3A {offsets = [13, 0], sizes = [1, 128], strides = [1, 1]} : vector<32x128xf32> to vector<1x128xf32>
      %eq3A_547 = vector.broadcast %slice3A_545 : vector<1x128xf32> to vector<1024x128xf32>
      %eq3A_548 = arith.cmpf oeq, %convert_element_type3A_230, %eq3A_547 : vector<1024x128xf32>
      %convert_element_type3A_549 = arith.extui %eq3A_548 : vector<1024x128xi1> to vector<1024x128xi32>
      %convert_element_type3A_550 = arith.sitofp %convert_element_type3A_549 : vector<1024x128xi32> to vector<1024x128xf32>
      %mul3A_551 = vector.broadcast %slice3A_546 : vector<1x128xf32> to vector<1024x128xf32>
      %mul3A_552 = arith.mulf %convert_element_type3A_550, %mul3A_551 : vector<1024x128xf32>
      %get3A_553 = arith.constant 0 : index
      %get3A_554 = arith.constant 1664 : index
      %get3A_555 = arith.constant 0 : index
      %get3A_556 = vector.load %arg2[%get3A_553, %get3A_554, %get3A_555] : memref<1x4096x8xf32, #tpu.memory_space<vmem>>, vector<1x128x4xf32>
      %get3A_557 = vector.shape_cast %get3A_556 : vector<1x128x4xf32> to vector<128x4xf32>
      %get3A_558 = arith.constant 0 : index
      %get3A_559 = arith.constant 1664 : index
      %get3A_560 = arith.constant 0 : index
      %get3A_561 = vector.load %arg4[%get3A_558, %get3A_559, %get3A_560] : memref<1x4096x1xf32, #tpu.memory_space<vmem>>, vector<1x128x1xf32>
      %get3A_562 = vector.shape_cast %get3A_561 : vector<1x128x1xf32> to vector<128x1xf32>
      %broadcast_in_dim3A_563 = arith.constant 0.000000e+00 : f32
      %broadcast_in_dim3A_564 = vector.broadcast %broadcast_in_dim3A_563 : f32 to vector<128x3xf32>
      %concatenate3A_565 = tpu.concatenate %get3A_557, %get3A_562, %broadcast_in_dim3A_564 in 1 : vector<128x4xf32>, vector<128x1xf32>, vector<128x3xf32> -> vector<128x8xf32>
      %dot_general3A_566 = arith.constant dense<0.000000e+00> : vector<1024x8xf32>
      %dot_general3A_567 = tpu.matmul %mul3A_552, %concatenate3A_565, %dot_general3A_566 {dimension_numbers = #tpu.dot_dimension_numbers<[1], [0], [0], [1], [0, 0, 1, 1], [], []>, precision = #tpu.contract_precision<fp32>, transpose_lhs_hint = false} : vector<1024x128xf32>, vector<128x8xf32>, vector<1024x8xf32> -> vector<1024x8xf32>
      %add3A_568 = arith.addf %add3A_544, %dot_general3A_567 : vector<1024x8xf32>
      %slice3A_569 = vector.extract_strided_slice %sub3A_228 {offsets = [14, 0], sizes = [1, 128], strides = [1, 1]} : vector<32x128xf32> to vector<1x128xf32>
      %slice3A_570 = vector.extract_strided_slice %concatenate3A {offsets = [14, 0], sizes = [1, 128], strides = [1, 1]} : vector<32x128xf32> to vector<1x128xf32>
      %eq3A_571 = vector.broadcast %slice3A_569 : vector<1x128xf32> to vector<1024x128xf32>
      %eq3A_572 = arith.cmpf oeq, %convert_element_type3A_230, %eq3A_571 : vector<1024x128xf32>
      %convert_element_type3A_573 = arith.extui %eq3A_572 : vector<1024x128xi1> to vector<1024x128xi32>
      %convert_element_type3A_574 = arith.sitofp %convert_element_type3A_573 : vector<1024x128xi32> to vector<1024x128xf32>
      %mul3A_575 = vector.broadcast %slice3A_570 : vector<1x128xf32> to vector<1024x128xf32>
      %mul3A_576 = arith.mulf %convert_element_type3A_574, %mul3A_575 : vector<1024x128xf32>
      %get3A_577 = arith.constant 0 : index
      %get3A_578 = arith.constant 1792 : index
      %get3A_579 = arith.constant 0 : index
      %get3A_580 = vector.load %arg2[%get3A_577, %get3A_578, %get3A_579] : memref<1x4096x8xf32, #tpu.memory_space<vmem>>, vector<1x128x4xf32>
      %get3A_581 = vector.shape_cast %get3A_580 : vector<1x128x4xf32> to vector<128x4xf32>
      %get3A_582 = arith.constant 0 : index
      %get3A_583 = arith.constant 1792 : index
      %get3A_584 = arith.constant 0 : index
      %get3A_585 = vector.load %arg4[%get3A_582, %get3A_583, %get3A_584] : memref<1x4096x1xf32, #tpu.memory_space<vmem>>, vector<1x128x1xf32>
      %get3A_586 = vector.shape_cast %get3A_585 : vector<1x128x1xf32> to vector<128x1xf32>
      %broadcast_in_dim3A_587 = arith.constant 0.000000e+00 : f32
      %broadcast_in_dim3A_588 = vector.broadcast %broadcast_in_dim3A_587 : f32 to vector<128x3xf32>
      %concatenate3A_589 = tpu.concatenate %get3A_581, %get3A_586, %broadcast_in_dim3A_588 in 1 : vector<128x4xf32>, vector<128x1xf32>, vector<128x3xf32> -> vector<128x8xf32>
      %dot_general3A_590 = arith.constant dense<0.000000e+00> : vector<1024x8xf32>
      %dot_general3A_591 = tpu.matmul %mul3A_576, %concatenate3A_589, %dot_general3A_590 {dimension_numbers = #tpu.dot_dimension_numbers<[1], [0], [0], [1], [0, 0, 1, 1], [], []>, precision = #tpu.contract_precision<fp32>, transpose_lhs_hint = false} : vector<1024x128xf32>, vector<128x8xf32>, vector<1024x8xf32> -> vector<1024x8xf32>
      %add3A_592 = arith.addf %add3A_568, %dot_general3A_591 : vector<1024x8xf32>
      %slice3A_593 = vector.extract_strided_slice %sub3A_228 {offsets = [15, 0], sizes = [1, 128], strides = [1, 1]} : vector<32x128xf32> to vector<1x128xf32>
      %slice3A_594 = vector.extract_strided_slice %concatenate3A {offsets = [15, 0], sizes = [1, 128], strides = [1, 1]} : vector<32x128xf32> to vector<1x128xf32>
      %eq3A_595 = vector.broadcast %slice3A_593 : vector<1x128xf32> to vector<1024x128xf32>
      %eq3A_596 = arith.cmpf oeq, %convert_element_type3A_230, %eq3A_595 : vector<1024x128xf32>
      %convert_element_type3A_597 = arith.extui %eq3A_596 : vector<1024x128xi1> to vector<1024x128xi32>
      %convert_element_type3A_598 = arith.sitofp %convert_element_type3A_597 : vector<1024x128xi32> to vector<1024x128xf32>
      %mul3A_599 = vector.broadcast %slice3A_594 : vector<1x128xf32> to vector<1024x128xf32>
      %mul3A_600 = arith.mulf %convert_element_type3A_598, %mul3A_599 : vector<1024x128xf32>
      %get3A_601 = arith.constant 0 : index
      %get3A_602 = arith.constant 1920 : index
      %get3A_603 = arith.constant 0 : index
      %get3A_604 = vector.load %arg2[%get3A_601, %get3A_602, %get3A_603] : memref<1x4096x8xf32, #tpu.memory_space<vmem>>, vector<1x128x4xf32>
      %get3A_605 = vector.shape_cast %get3A_604 : vector<1x128x4xf32> to vector<128x4xf32>
      %get3A_606 = arith.constant 0 : index
      %get3A_607 = arith.constant 1920 : index
      %get3A_608 = arith.constant 0 : index
      %get3A_609 = vector.load %arg4[%get3A_606, %get3A_607, %get3A_608] : memref<1x4096x1xf32, #tpu.memory_space<vmem>>, vector<1x128x1xf32>
      %get3A_610 = vector.shape_cast %get3A_609 : vector<1x128x1xf32> to vector<128x1xf32>
      %broadcast_in_dim3A_611 = arith.constant 0.000000e+00 : f32
      %broadcast_in_dim3A_612 = vector.broadcast %broadcast_in_dim3A_611 : f32 to vector<128x3xf32>
      %concatenate3A_613 = tpu.concatenate %get3A_605, %get3A_610, %broadcast_in_dim3A_612 in 1 : vector<128x4xf32>, vector<128x1xf32>, vector<128x3xf32> -> vector<128x8xf32>
      %dot_general3A_614 = arith.constant dense<0.000000e+00> : vector<1024x8xf32>
      %dot_general3A_615 = tpu.matmul %mul3A_600, %concatenate3A_613, %dot_general3A_614 {dimension_numbers = #tpu.dot_dimension_numbers<[1], [0], [0], [1], [0, 0, 1, 1], [], []>, precision = #tpu.contract_precision<fp32>, transpose_lhs_hint = false} : vector<1024x128xf32>, vector<128x8xf32>, vector<1024x8xf32> -> vector<1024x8xf32>
      %add3A_616 = arith.addf %add3A_592, %dot_general3A_615 : vector<1024x8xf32>
      %slice3A_617 = vector.extract_strided_slice %sub3A_228 {offsets = [16, 0], sizes = [1, 128], strides = [1, 1]} : vector<32x128xf32> to vector<1x128xf32>
      %slice3A_618 = vector.extract_strided_slice %concatenate3A {offsets = [16, 0], sizes = [1, 128], strides = [1, 1]} : vector<32x128xf32> to vector<1x128xf32>
      %eq3A_619 = vector.broadcast %slice3A_617 : vector<1x128xf32> to vector<1024x128xf32>
      %eq3A_620 = arith.cmpf oeq, %convert_element_type3A_230, %eq3A_619 : vector<1024x128xf32>
      %convert_element_type3A_621 = arith.extui %eq3A_620 : vector<1024x128xi1> to vector<1024x128xi32>
      %convert_element_type3A_622 = arith.sitofp %convert_element_type3A_621 : vector<1024x128xi32> to vector<1024x128xf32>
      %mul3A_623 = vector.broadcast %slice3A_618 : vector<1x128xf32> to vector<1024x128xf32>
      %mul3A_624 = arith.mulf %convert_element_type3A_622, %mul3A_623 : vector<1024x128xf32>
      %get3A_625 = arith.constant 0 : index
      %get3A_626 = arith.constant 2048 : index
      %get3A_627 = arith.constant 0 : index
      %get3A_628 = vector.load %arg2[%get3A_625, %get3A_626, %get3A_627] : memref<1x4096x8xf32, #tpu.memory_space<vmem>>, vector<1x128x4xf32>
      %get3A_629 = vector.shape_cast %get3A_628 : vector<1x128x4xf32> to vector<128x4xf32>
      %get3A_630 = arith.constant 0 : index
      %get3A_631 = arith.constant 2048 : index
      %get3A_632 = arith.constant 0 : index
      %get3A_633 = vector.load %arg4[%get3A_630, %get3A_631, %get3A_632] : memref<1x4096x1xf32, #tpu.memory_space<vmem>>, vector<1x128x1xf32>
      %get3A_634 = vector.shape_cast %get3A_633 : vector<1x128x1xf32> to vector<128x1xf32>
      %broadcast_in_dim3A_635 = arith.constant 0.000000e+00 : f32
      %broadcast_in_dim3A_636 = vector.broadcast %broadcast_in_dim3A_635 : f32 to vector<128x3xf32>
      %concatenate3A_637 = tpu.concatenate %get3A_629, %get3A_634, %broadcast_in_dim3A_636 in 1 : vector<128x4xf32>, vector<128x1xf32>, vector<128x3xf32> -> vector<128x8xf32>
      %dot_general3A_638 = arith.constant dense<0.000000e+00> : vector<1024x8xf32>
      %dot_general3A_639 = tpu.matmul %mul3A_624, %concatenate3A_637, %dot_general3A_638 {dimension_numbers = #tpu.dot_dimension_numbers<[1], [0], [0], [1], [0, 0, 1, 1], [], []>, precision = #tpu.contract_precision<fp32>, transpose_lhs_hint = false} : vector<1024x128xf32>, vector<128x8xf32>, vector<1024x8xf32> -> vector<1024x8xf32>
      %add3A_640 = arith.addf %add3A_616, %dot_general3A_639 : vector<1024x8xf32>
      %slice3A_641 = vector.extract_strided_slice %sub3A_228 {offsets = [17, 0], sizes = [1, 128], strides = [1, 1]} : vector<32x128xf32> to vector<1x128xf32>
      %slice3A_642 = vector.extract_strided_slice %concatenate3A {offsets = [17, 0], sizes = [1, 128], strides = [1, 1]} : vector<32x128xf32> to vector<1x128xf32>
      %eq3A_643 = vector.broadcast %slice3A_641 : vector<1x128xf32> to vector<1024x128xf32>
      %eq3A_644 = arith.cmpf oeq, %convert_element_type3A_230, %eq3A_643 : vector<1024x128xf32>
      %convert_element_type3A_645 = arith.extui %eq3A_644 : vector<1024x128xi1> to vector<1024x128xi32>
      %convert_element_type3A_646 = arith.sitofp %convert_element_type3A_645 : vector<1024x128xi32> to vector<1024x128xf32>
      %mul3A_647 = vector.broadcast %slice3A_642 : vector<1x128xf32> to vector<1024x128xf32>
      %mul3A_648 = arith.mulf %convert_element_type3A_646, %mul3A_647 : vector<1024x128xf32>
      %get3A_649 = arith.constant 0 : index
      %get3A_650 = arith.constant 2176 : index
      %get3A_651 = arith.constant 0 : index
      %get3A_652 = vector.load %arg2[%get3A_649, %get3A_650, %get3A_651] : memref<1x4096x8xf32, #tpu.memory_space<vmem>>, vector<1x128x4xf32>
      %get3A_653 = vector.shape_cast %get3A_652 : vector<1x128x4xf32> to vector<128x4xf32>
      %get3A_654 = arith.constant 0 : index
      %get3A_655 = arith.constant 2176 : index
      %get3A_656 = arith.constant 0 : index
      %get3A_657 = vector.load %arg4[%get3A_654, %get3A_655, %get3A_656] : memref<1x4096x1xf32, #tpu.memory_space<vmem>>, vector<1x128x1xf32>
      %get3A_658 = vector.shape_cast %get3A_657 : vector<1x128x1xf32> to vector<128x1xf32>
      %broadcast_in_dim3A_659 = arith.constant 0.000000e+00 : f32
      %broadcast_in_dim3A_660 = vector.broadcast %broadcast_in_dim3A_659 : f32 to vector<128x3xf32>
      %concatenate3A_661 = tpu.concatenate %get3A_653, %get3A_658, %broadcast_in_dim3A_660 in 1 : vector<128x4xf32>, vector<128x1xf32>, vector<128x3xf32> -> vector<128x8xf32>
      %dot_general3A_662 = arith.constant dense<0.000000e+00> : vector<1024x8xf32>
      %dot_general3A_663 = tpu.matmul %mul3A_648, %concatenate3A_661, %dot_general3A_662 {dimension_numbers = #tpu.dot_dimension_numbers<[1], [0], [0], [1], [0, 0, 1, 1], [], []>, precision = #tpu.contract_precision<fp32>, transpose_lhs_hint = false} : vector<1024x128xf32>, vector<128x8xf32>, vector<1024x8xf32> -> vector<1024x8xf32>
      %add3A_664 = arith.addf %add3A_640, %dot_general3A_663 : vector<1024x8xf32>
      %slice3A_665 = vector.extract_strided_slice %sub3A_228 {offsets = [18, 0], sizes = [1, 128], strides = [1, 1]} : vector<32x128xf32> to vector<1x128xf32>
      %slice3A_666 = vector.extract_strided_slice %concatenate3A {offsets = [18, 0], sizes = [1, 128], strides = [1, 1]} : vector<32x128xf32> to vector<1x128xf32>
      %eq3A_667 = vector.broadcast %slice3A_665 : vector<1x128xf32> to vector<1024x128xf32>
      %eq3A_668 = arith.cmpf oeq, %convert_element_type3A_230, %eq3A_667 : vector<1024x128xf32>
      %convert_element_type3A_669 = arith.extui %eq3A_668 : vector<1024x128xi1> to vector<1024x128xi32>
      %convert_element_type3A_670 = arith.sitofp %convert_element_type3A_669 : vector<1024x128xi32> to vector<1024x128xf32>
      %mul3A_671 = vector.broadcast %slice3A_666 : vector<1x128xf32> to vector<1024x128xf32>
      %mul3A_672 = arith.mulf %convert_element_type3A_670, %mul3A_671 : vector<1024x128xf32>
      %get3A_673 = arith.constant 0 : index
      %get3A_674 = arith.constant 2304 : index
      %get3A_675 = arith.constant 0 : index
      %get3A_676 = vector.load %arg2[%get3A_673, %get3A_674, %get3A_675] : memref<1x4096x8xf32, #tpu.memory_space<vmem>>, vector<1x128x4xf32>
      %get3A_677 = vector.shape_cast %get3A_676 : vector<1x128x4xf32> to vector<128x4xf32>
      %get3A_678 = arith.constant 0 : index
      %get3A_679 = arith.constant 2304 : index
      %get3A_680 = arith.constant 0 : index
      %get3A_681 = vector.load %arg4[%get3A_678, %get3A_679, %get3A_680] : memref<1x4096x1xf32, #tpu.memory_space<vmem>>, vector<1x128x1xf32>
      %get3A_682 = vector.shape_cast %get3A_681 : vector<1x128x1xf32> to vector<128x1xf32>
      %broadcast_in_dim3A_683 = arith.constant 0.000000e+00 : f32
      %broadcast_in_dim3A_684 = vector.broadcast %broadcast_in_dim3A_683 : f32 to vector<128x3xf32>
      %concatenate3A_685 = tpu.concatenate %get3A_677, %get3A_682, %broadcast_in_dim3A_684 in 1 : vector<128x4xf32>, vector<128x1xf32>, vector<128x3xf32> -> vector<128x8xf32>
      %dot_general3A_686 = arith.constant dense<0.000000e+00> : vector<1024x8xf32>
      %dot_general3A_687 = tpu.matmul %mul3A_672, %concatenate3A_685, %dot_general3A_686 {dimension_numbers = #tpu.dot_dimension_numbers<[1], [0], [0], [1], [0, 0, 1, 1], [], []>, precision = #tpu.contract_precision<fp32>, transpose_lhs_hint = false} : vector<1024x128xf32>, vector<128x8xf32>, vector<1024x8xf32> -> vector<1024x8xf32>
      %add3A_688 = arith.addf %add3A_664, %dot_general3A_687 : vector<1024x8xf32>
      %slice3A_689 = vector.extract_strided_slice %sub3A_228 {offsets = [19, 0], sizes = [1, 128], strides = [1, 1]} : vector<32x128xf32> to vector<1x128xf32>
      %slice3A_690 = vector.extract_strided_slice %concatenate3A {offsets = [19, 0], sizes = [1, 128], strides = [1, 1]} : vector<32x128xf32> to vector<1x128xf32>
      %eq3A_691 = vector.broadcast %slice3A_689 : vector<1x128xf32> to vector<1024x128xf32>
      %eq3A_692 = arith.cmpf oeq, %convert_element_type3A_230, %eq3A_691 : vector<1024x128xf32>
      %convert_element_type3A_693 = arith.extui %eq3A_692 : vector<1024x128xi1> to vector<1024x128xi32>
      %convert_element_type3A_694 = arith.sitofp %convert_element_type3A_693 : vector<1024x128xi32> to vector<1024x128xf32>
      %mul3A_695 = vector.broadcast %slice3A_690 : vector<1x128xf32> to vector<1024x128xf32>
      %mul3A_696 = arith.mulf %convert_element_type3A_694, %mul3A_695 : vector<1024x128xf32>
      %get3A_697 = arith.constant 0 : index
      %get3A_698 = arith.constant 2432 : index
      %get3A_699 = arith.constant 0 : index
      %get3A_700 = vector.load %arg2[%get3A_697, %get3A_698, %get3A_699] : memref<1x4096x8xf32, #tpu.memory_space<vmem>>, vector<1x128x4xf32>
      %get3A_701 = vector.shape_cast %get3A_700 : vector<1x128x4xf32> to vector<128x4xf32>
      %get3A_702 = arith.constant 0 : index
      %get3A_703 = arith.constant 2432 : index
      %get3A_704 = arith.constant 0 : index
      %get3A_705 = vector.load %arg4[%get3A_702, %get3A_703, %get3A_704] : memref<1x4096x1xf32, #tpu.memory_space<vmem>>, vector<1x128x1xf32>
      %get3A_706 = vector.shape_cast %get3A_705 : vector<1x128x1xf32> to vector<128x1xf32>
      %broadcast_in_dim3A_707 = arith.constant 0.000000e+00 : f32
      %broadcast_in_dim3A_708 = vector.broadcast %broadcast_in_dim3A_707 : f32 to vector<128x3xf32>
      %concatenate3A_709 = tpu.concatenate %get3A_701, %get3A_706, %broadcast_in_dim3A_708 in 1 : vector<128x4xf32>, vector<128x1xf32>, vector<128x3xf32> -> vector<128x8xf32>
      %dot_general3A_710 = arith.constant dense<0.000000e+00> : vector<1024x8xf32>
      %dot_general3A_711 = tpu.matmul %mul3A_696, %concatenate3A_709, %dot_general3A_710 {dimension_numbers = #tpu.dot_dimension_numbers<[1], [0], [0], [1], [0, 0, 1, 1], [], []>, precision = #tpu.contract_precision<fp32>, transpose_lhs_hint = false} : vector<1024x128xf32>, vector<128x8xf32>, vector<1024x8xf32> -> vector<1024x8xf32>
      %add3A_712 = arith.addf %add3A_688, %dot_general3A_711 : vector<1024x8xf32>
      %slice3A_713 = vector.extract_strided_slice %sub3A_228 {offsets = [20, 0], sizes = [1, 128], strides = [1, 1]} : vector<32x128xf32> to vector<1x128xf32>
      %slice3A_714 = vector.extract_strided_slice %concatenate3A {offsets = [20, 0], sizes = [1, 128], strides = [1, 1]} : vector<32x128xf32> to vector<1x128xf32>
      %eq3A_715 = vector.broadcast %slice3A_713 : vector<1x128xf32> to vector<1024x128xf32>
      %eq3A_716 = arith.cmpf oeq, %convert_element_type3A_230, %eq3A_715 : vector<1024x128xf32>
      %convert_element_type3A_717 = arith.extui %eq3A_716 : vector<1024x128xi1> to vector<1024x128xi32>
      %convert_element_type3A_718 = arith.sitofp %convert_element_type3A_717 : vector<1024x128xi32> to vector<1024x128xf32>
      %mul3A_719 = vector.broadcast %slice3A_714 : vector<1x128xf32> to vector<1024x128xf32>
      %mul3A_720 = arith.mulf %convert_element_type3A_718, %mul3A_719 : vector<1024x128xf32>
      %get3A_721 = arith.constant 0 : index
      %get3A_722 = arith.constant 2560 : index
      %get3A_723 = arith.constant 0 : index
      %get3A_724 = vector.load %arg2[%get3A_721, %get3A_722, %get3A_723] : memref<1x4096x8xf32, #tpu.memory_space<vmem>>, vector<1x128x4xf32>
      %get3A_725 = vector.shape_cast %get3A_724 : vector<1x128x4xf32> to vector<128x4xf32>
      %get3A_726 = arith.constant 0 : index
      %get3A_727 = arith.constant 2560 : index
      %get3A_728 = arith.constant 0 : index
      %get3A_729 = vector.load %arg4[%get3A_726, %get3A_727, %get3A_728] : memref<1x4096x1xf32, #tpu.memory_space<vmem>>, vector<1x128x1xf32>
      %get3A_730 = vector.shape_cast %get3A_729 : vector<1x128x1xf32> to vector<128x1xf32>
      %broadcast_in_dim3A_731 = arith.constant 0.000000e+00 : f32
      %broadcast_in_dim3A_732 = vector.broadcast %broadcast_in_dim3A_731 : f32 to vector<128x3xf32>
      %concatenate3A_733 = tpu.concatenate %get3A_725, %get3A_730, %broadcast_in_dim3A_732 in 1 : vector<128x4xf32>, vector<128x1xf32>, vector<128x3xf32> -> vector<128x8xf32>
      %dot_general3A_734 = arith.constant dense<0.000000e+00> : vector<1024x8xf32>
      %dot_general3A_735 = tpu.matmul %mul3A_720, %concatenate3A_733, %dot_general3A_734 {dimension_numbers = #tpu.dot_dimension_numbers<[1], [0], [0], [1], [0, 0, 1, 1], [], []>, precision = #tpu.contract_precision<fp32>, transpose_lhs_hint = false} : vector<1024x128xf32>, vector<128x8xf32>, vector<1024x8xf32> -> vector<1024x8xf32>
      %add3A_736 = arith.addf %add3A_712, %dot_general3A_735 : vector<1024x8xf32>
      %slice3A_737 = vector.extract_strided_slice %sub3A_228 {offsets = [21, 0], sizes = [1, 128], strides = [1, 1]} : vector<32x128xf32> to vector<1x128xf32>
      %slice3A_738 = vector.extract_strided_slice %concatenate3A {offsets = [21, 0], sizes = [1, 128], strides = [1, 1]} : vector<32x128xf32> to vector<1x128xf32>
      %eq3A_739 = vector.broadcast %slice3A_737 : vector<1x128xf32> to vector<1024x128xf32>
      %eq3A_740 = arith.cmpf oeq, %convert_element_type3A_230, %eq3A_739 : vector<1024x128xf32>
      %convert_element_type3A_741 = arith.extui %eq3A_740 : vector<1024x128xi1> to vector<1024x128xi32>
      %convert_element_type3A_742 = arith.sitofp %convert_element_type3A_741 : vector<1024x128xi32> to vector<1024x128xf32>
      %mul3A_743 = vector.broadcast %slice3A_738 : vector<1x128xf32> to vector<1024x128xf32>
      %mul3A_744 = arith.mulf %convert_element_type3A_742, %mul3A_743 : vector<1024x128xf32>
      %get3A_745 = arith.constant 0 : index
      %get3A_746 = arith.constant 2688 : index
      %get3A_747 = arith.constant 0 : index
      %get3A_748 = vector.load %arg2[%get3A_745, %get3A_746, %get3A_747] : memref<1x4096x8xf32, #tpu.memory_space<vmem>>, vector<1x128x4xf32>
      %get3A_749 = vector.shape_cast %get3A_748 : vector<1x128x4xf32> to vector<128x4xf32>
      %get3A_750 = arith.constant 0 : index
      %get3A_751 = arith.constant 2688 : index
      %get3A_752 = arith.constant 0 : index
      %get3A_753 = vector.load %arg4[%get3A_750, %get3A_751, %get3A_752] : memref<1x4096x1xf32, #tpu.memory_space<vmem>>, vector<1x128x1xf32>
      %get3A_754 = vector.shape_cast %get3A_753 : vector<1x128x1xf32> to vector<128x1xf32>
      %broadcast_in_dim3A_755 = arith.constant 0.000000e+00 : f32
      %broadcast_in_dim3A_756 = vector.broadcast %broadcast_in_dim3A_755 : f32 to vector<128x3xf32>
      %concatenate3A_757 = tpu.concatenate %get3A_749, %get3A_754, %broadcast_in_dim3A_756 in 1 : vector<128x4xf32>, vector<128x1xf32>, vector<128x3xf32> -> vector<128x8xf32>
      %dot_general3A_758 = arith.constant dense<0.000000e+00> : vector<1024x8xf32>
      %dot_general3A_759 = tpu.matmul %mul3A_744, %concatenate3A_757, %dot_general3A_758 {dimension_numbers = #tpu.dot_dimension_numbers<[1], [0], [0], [1], [0, 0, 1, 1], [], []>, precision = #tpu.contract_precision<fp32>, transpose_lhs_hint = false} : vector<1024x128xf32>, vector<128x8xf32>, vector<1024x8xf32> -> vector<1024x8xf32>
      %add3A_760 = arith.addf %add3A_736, %dot_general3A_759 : vector<1024x8xf32>
      %slice3A_761 = vector.extract_strided_slice %sub3A_228 {offsets = [22, 0], sizes = [1, 128], strides = [1, 1]} : vector<32x128xf32> to vector<1x128xf32>
      %slice3A_762 = vector.extract_strided_slice %concatenate3A {offsets = [22, 0], sizes = [1, 128], strides = [1, 1]} : vector<32x128xf32> to vector<1x128xf32>
      %eq3A_763 = vector.broadcast %slice3A_761 : vector<1x128xf32> to vector<1024x128xf32>
      %eq3A_764 = arith.cmpf oeq, %convert_element_type3A_230, %eq3A_763 : vector<1024x128xf32>
      %convert_element_type3A_765 = arith.extui %eq3A_764 : vector<1024x128xi1> to vector<1024x128xi32>
      %convert_element_type3A_766 = arith.sitofp %convert_element_type3A_765 : vector<1024x128xi32> to vector<1024x128xf32>
      %mul3A_767 = vector.broadcast %slice3A_762 : vector<1x128xf32> to vector<1024x128xf32>
      %mul3A_768 = arith.mulf %convert_element_type3A_766, %mul3A_767 : vector<1024x128xf32>
      %get3A_769 = arith.constant 0 : index
      %get3A_770 = arith.constant 2816 : index
      %get3A_771 = arith.constant 0 : index
      %get3A_772 = vector.load %arg2[%get3A_769, %get3A_770, %get3A_771] : memref<1x4096x8xf32, #tpu.memory_space<vmem>>, vector<1x128x4xf32>
      %get3A_773 = vector.shape_cast %get3A_772 : vector<1x128x4xf32> to vector<128x4xf32>
      %get3A_774 = arith.constant 0 : index
      %get3A_775 = arith.constant 2816 : index
      %get3A_776 = arith.constant 0 : index
      %get3A_777 = vector.load %arg4[%get3A_774, %get3A_775, %get3A_776] : memref<1x4096x1xf32, #tpu.memory_space<vmem>>, vector<1x128x1xf32>
      %get3A_778 = vector.shape_cast %get3A_777 : vector<1x128x1xf32> to vector<128x1xf32>
      %broadcast_in_dim3A_779 = arith.constant 0.000000e+00 : f32
      %broadcast_in_dim3A_780 = vector.broadcast %broadcast_in_dim3A_779 : f32 to vector<128x3xf32>
      %concatenate3A_781 = tpu.concatenate %get3A_773, %get3A_778, %broadcast_in_dim3A_780 in 1 : vector<128x4xf32>, vector<128x1xf32>, vector<128x3xf32> -> vector<128x8xf32>
      %dot_general3A_782 = arith.constant dense<0.000000e+00> : vector<1024x8xf32>
      %dot_general3A_783 = tpu.matmul %mul3A_768, %concatenate3A_781, %dot_general3A_782 {dimension_numbers = #tpu.dot_dimension_numbers<[1], [0], [0], [1], [0, 0, 1, 1], [], []>, precision = #tpu.contract_precision<fp32>, transpose_lhs_hint = false} : vector<1024x128xf32>, vector<128x8xf32>, vector<1024x8xf32> -> vector<1024x8xf32>
      %add3A_784 = arith.addf %add3A_760, %dot_general3A_783 : vector<1024x8xf32>
      %slice3A_785 = vector.extract_strided_slice %sub3A_228 {offsets = [23, 0], sizes = [1, 128], strides = [1, 1]} : vector<32x128xf32> to vector<1x128xf32>
      %slice3A_786 = vector.extract_strided_slice %concatenate3A {offsets = [23, 0], sizes = [1, 128], strides = [1, 1]} : vector<32x128xf32> to vector<1x128xf32>
      %eq3A_787 = vector.broadcast %slice3A_785 : vector<1x128xf32> to vector<1024x128xf32>
      %eq3A_788 = arith.cmpf oeq, %convert_element_type3A_230, %eq3A_787 : vector<1024x128xf32>
      %convert_element_type3A_789 = arith.extui %eq3A_788 : vector<1024x128xi1> to vector<1024x128xi32>
      %convert_element_type3A_790 = arith.sitofp %convert_element_type3A_789 : vector<1024x128xi32> to vector<1024x128xf32>
      %mul3A_791 = vector.broadcast %slice3A_786 : vector<1x128xf32> to vector<1024x128xf32>
      %mul3A_792 = arith.mulf %convert_element_type3A_790, %mul3A_791 : vector<1024x128xf32>
      %get3A_793 = arith.constant 0 : index
      %get3A_794 = arith.constant 2944 : index
      %get3A_795 = arith.constant 0 : index
      %get3A_796 = vector.load %arg2[%get3A_793, %get3A_794, %get3A_795] : memref<1x4096x8xf32, #tpu.memory_space<vmem>>, vector<1x128x4xf32>
      %get3A_797 = vector.shape_cast %get3A_796 : vector<1x128x4xf32> to vector<128x4xf32>
      %get3A_798 = arith.constant 0 : index
      %get3A_799 = arith.constant 2944 : index
      %get3A_800 = arith.constant 0 : index
      %get3A_801 = vector.load %arg4[%get3A_798, %get3A_799, %get3A_800] : memref<1x4096x1xf32, #tpu.memory_space<vmem>>, vector<1x128x1xf32>
      %get3A_802 = vector.shape_cast %get3A_801 : vector<1x128x1xf32> to vector<128x1xf32>
      %broadcast_in_dim3A_803 = arith.constant 0.000000e+00 : f32
      %broadcast_in_dim3A_804 = vector.broadcast %broadcast_in_dim3A_803 : f32 to vector<128x3xf32>
      %concatenate3A_805 = tpu.concatenate %get3A_797, %get3A_802, %broadcast_in_dim3A_804 in 1 : vector<128x4xf32>, vector<128x1xf32>, vector<128x3xf32> -> vector<128x8xf32>
      %dot_general3A_806 = arith.constant dense<0.000000e+00> : vector<1024x8xf32>
      %dot_general3A_807 = tpu.matmul %mul3A_792, %concatenate3A_805, %dot_general3A_806 {dimension_numbers = #tpu.dot_dimension_numbers<[1], [0], [0], [1], [0, 0, 1, 1], [], []>, precision = #tpu.contract_precision<fp32>, transpose_lhs_hint = false} : vector<1024x128xf32>, vector<128x8xf32>, vector<1024x8xf32> -> vector<1024x8xf32>
      %add3A_808 = arith.addf %add3A_784, %dot_general3A_807 : vector<1024x8xf32>
      %slice3A_809 = vector.extract_strided_slice %sub3A_228 {offsets = [24, 0], sizes = [1, 128], strides = [1, 1]} : vector<32x128xf32> to vector<1x128xf32>
      %slice3A_810 = vector.extract_strided_slice %concatenate3A {offsets = [24, 0], sizes = [1, 128], strides = [1, 1]} : vector<32x128xf32> to vector<1x128xf32>
      %eq3A_811 = vector.broadcast %slice3A_809 : vector<1x128xf32> to vector<1024x128xf32>
      %eq3A_812 = arith.cmpf oeq, %convert_element_type3A_230, %eq3A_811 : vector<1024x128xf32>
      %convert_element_type3A_813 = arith.extui %eq3A_812 : vector<1024x128xi1> to vector<1024x128xi32>
      %convert_element_type3A_814 = arith.sitofp %convert_element_type3A_813 : vector<1024x128xi32> to vector<1024x128xf32>
      %mul3A_815 = vector.broadcast %slice3A_810 : vector<1x128xf32> to vector<1024x128xf32>
      %mul3A_816 = arith.mulf %convert_element_type3A_814, %mul3A_815 : vector<1024x128xf32>
      %get3A_817 = arith.constant 0 : index
      %get3A_818 = arith.constant 3072 : index
      %get3A_819 = arith.constant 0 : index
      %get3A_820 = vector.load %arg2[%get3A_817, %get3A_818, %get3A_819] : memref<1x4096x8xf32, #tpu.memory_space<vmem>>, vector<1x128x4xf32>
      %get3A_821 = vector.shape_cast %get3A_820 : vector<1x128x4xf32> to vector<128x4xf32>
      %get3A_822 = arith.constant 0 : index
      %get3A_823 = arith.constant 3072 : index
      %get3A_824 = arith.constant 0 : index
      %get3A_825 = vector.load %arg4[%get3A_822, %get3A_823, %get3A_824] : memref<1x4096x1xf32, #tpu.memory_space<vmem>>, vector<1x128x1xf32>
      %get3A_826 = vector.shape_cast %get3A_825 : vector<1x128x1xf32> to vector<128x1xf32>
      %broadcast_in_dim3A_827 = arith.constant 0.000000e+00 : f32
      %broadcast_in_dim3A_828 = vector.broadcast %broadcast_in_dim3A_827 : f32 to vector<128x3xf32>
      %concatenate3A_829 = tpu.concatenate %get3A_821, %get3A_826, %broadcast_in_dim3A_828 in 1 : vector<128x4xf32>, vector<128x1xf32>, vector<128x3xf32> -> vector<128x8xf32>
      %dot_general3A_830 = arith.constant dense<0.000000e+00> : vector<1024x8xf32>
      %dot_general3A_831 = tpu.matmul %mul3A_816, %concatenate3A_829, %dot_general3A_830 {dimension_numbers = #tpu.dot_dimension_numbers<[1], [0], [0], [1], [0, 0, 1, 1], [], []>, precision = #tpu.contract_precision<fp32>, transpose_lhs_hint = false} : vector<1024x128xf32>, vector<128x8xf32>, vector<1024x8xf32> -> vector<1024x8xf32>
      %add3A_832 = arith.addf %add3A_808, %dot_general3A_831 : vector<1024x8xf32>
      %slice3A_833 = vector.extract_strided_slice %sub3A_228 {offsets = [25, 0], sizes = [1, 128], strides = [1, 1]} : vector<32x128xf32> to vector<1x128xf32>
      %slice3A_834 = vector.extract_strided_slice %concatenate3A {offsets = [25, 0], sizes = [1, 128], strides = [1, 1]} : vector<32x128xf32> to vector<1x128xf32>
      %eq3A_835 = vector.broadcast %slice3A_833 : vector<1x128xf32> to vector<1024x128xf32>
      %eq3A_836 = arith.cmpf oeq, %convert_element_type3A_230, %eq3A_835 : vector<1024x128xf32>
      %convert_element_type3A_837 = arith.extui %eq3A_836 : vector<1024x128xi1> to vector<1024x128xi32>
      %convert_element_type3A_838 = arith.sitofp %convert_element_type3A_837 : vector<1024x128xi32> to vector<1024x128xf32>
      %mul3A_839 = vector.broadcast %slice3A_834 : vector<1x128xf32> to vector<1024x128xf32>
      %mul3A_840 = arith.mulf %convert_element_type3A_838, %mul3A_839 : vector<1024x128xf32>
      %get3A_841 = arith.constant 0 : index
      %get3A_842 = arith.constant 3200 : index
      %get3A_843 = arith.constant 0 : index
      %get3A_844 = vector.load %arg2[%get3A_841, %get3A_842, %get3A_843] : memref<1x4096x8xf32, #tpu.memory_space<vmem>>, vector<1x128x4xf32>
      %get3A_845 = vector.shape_cast %get3A_844 : vector<1x128x4xf32> to vector<128x4xf32>
      %get3A_846 = arith.constant 0 : index
      %get3A_847 = arith.constant 3200 : index
      %get3A_848 = arith.constant 0 : index
      %get3A_849 = vector.load %arg4[%get3A_846, %get3A_847, %get3A_848] : memref<1x4096x1xf32, #tpu.memory_space<vmem>>, vector<1x128x1xf32>
      %get3A_850 = vector.shape_cast %get3A_849 : vector<1x128x1xf32> to vector<128x1xf32>
      %broadcast_in_dim3A_851 = arith.constant 0.000000e+00 : f32
      %broadcast_in_dim3A_852 = vector.broadcast %broadcast_in_dim3A_851 : f32 to vector<128x3xf32>
      %concatenate3A_853 = tpu.concatenate %get3A_845, %get3A_850, %broadcast_in_dim3A_852 in 1 : vector<128x4xf32>, vector<128x1xf32>, vector<128x3xf32> -> vector<128x8xf32>
      %dot_general3A_854 = arith.constant dense<0.000000e+00> : vector<1024x8xf32>
      %dot_general3A_855 = tpu.matmul %mul3A_840, %concatenate3A_853, %dot_general3A_854 {dimension_numbers = #tpu.dot_dimension_numbers<[1], [0], [0], [1], [0, 0, 1, 1], [], []>, precision = #tpu.contract_precision<fp32>, transpose_lhs_hint = false} : vector<1024x128xf32>, vector<128x8xf32>, vector<1024x8xf32> -> vector<1024x8xf32>
      %add3A_856 = arith.addf %add3A_832, %dot_general3A_855 : vector<1024x8xf32>
      %slice3A_857 = vector.extract_strided_slice %sub3A_228 {offsets = [26, 0], sizes = [1, 128], strides = [1, 1]} : vector<32x128xf32> to vector<1x128xf32>
      %slice3A_858 = vector.extract_strided_slice %concatenate3A {offsets = [26, 0], sizes = [1, 128], strides = [1, 1]} : vector<32x128xf32> to vector<1x128xf32>
      %eq3A_859 = vector.broadcast %slice3A_857 : vector<1x128xf32> to vector<1024x128xf32>
      %eq3A_860 = arith.cmpf oeq, %convert_element_type3A_230, %eq3A_859 : vector<1024x128xf32>
      %convert_element_type3A_861 = arith.extui %eq3A_860 : vector<1024x128xi1> to vector<1024x128xi32>
      %convert_element_type3A_862 = arith.sitofp %convert_element_type3A_861 : vector<1024x128xi32> to vector<1024x128xf32>
      %mul3A_863 = vector.broadcast %slice3A_858 : vector<1x128xf32> to vector<1024x128xf32>
      %mul3A_864 = arith.mulf %convert_element_type3A_862, %mul3A_863 : vector<1024x128xf32>
      %get3A_865 = arith.constant 0 : index
      %get3A_866 = arith.constant 3328 : index
      %get3A_867 = arith.constant 0 : index
      %get3A_868 = vector.load %arg2[%get3A_865, %get3A_866, %get3A_867] : memref<1x4096x8xf32, #tpu.memory_space<vmem>>, vector<1x128x4xf32>
      %get3A_869 = vector.shape_cast %get3A_868 : vector<1x128x4xf32> to vector<128x4xf32>
      %get3A_870 = arith.constant 0 : index
      %get3A_871 = arith.constant 3328 : index
      %get3A_872 = arith.constant 0 : index
      %get3A_873 = vector.load %arg4[%get3A_870, %get3A_871, %get3A_872] : memref<1x4096x1xf32, #tpu.memory_space<vmem>>, vector<1x128x1xf32>
      %get3A_874 = vector.shape_cast %get3A_873 : vector<1x128x1xf32> to vector<128x1xf32>
      %broadcast_in_dim3A_875 = arith.constant 0.000000e+00 : f32
      %broadcast_in_dim3A_876 = vector.broadcast %broadcast_in_dim3A_875 : f32 to vector<128x3xf32>
      %concatenate3A_877 = tpu.concatenate %get3A_869, %get3A_874, %broadcast_in_dim3A_876 in 1 : vector<128x4xf32>, vector<128x1xf32>, vector<128x3xf32> -> vector<128x8xf32>
      %dot_general3A_878 = arith.constant dense<0.000000e+00> : vector<1024x8xf32>
      %dot_general3A_879 = tpu.matmul %mul3A_864, %concatenate3A_877, %dot_general3A_878 {dimension_numbers = #tpu.dot_dimension_numbers<[1], [0], [0], [1], [0, 0, 1, 1], [], []>, precision = #tpu.contract_precision<fp32>, transpose_lhs_hint = false} : vector<1024x128xf32>, vector<128x8xf32>, vector<1024x8xf32> -> vector<1024x8xf32>
      %add3A_880 = arith.addf %add3A_856, %dot_general3A_879 : vector<1024x8xf32>
      %slice3A_881 = vector.extract_strided_slice %sub3A_228 {offsets = [27, 0], sizes = [1, 128], strides = [1, 1]} : vector<32x128xf32> to vector<1x128xf32>
      %slice3A_882 = vector.extract_strided_slice %concatenate3A {offsets = [27, 0], sizes = [1, 128], strides = [1, 1]} : vector<32x128xf32> to vector<1x128xf32>
      %eq3A_883 = vector.broadcast %slice3A_881 : vector<1x128xf32> to vector<1024x128xf32>
      %eq3A_884 = arith.cmpf oeq, %convert_element_type3A_230, %eq3A_883 : vector<1024x128xf32>
      %convert_element_type3A_885 = arith.extui %eq3A_884 : vector<1024x128xi1> to vector<1024x128xi32>
      %convert_element_type3A_886 = arith.sitofp %convert_element_type3A_885 : vector<1024x128xi32> to vector<1024x128xf32>
      %mul3A_887 = vector.broadcast %slice3A_882 : vector<1x128xf32> to vector<1024x128xf32>
      %mul3A_888 = arith.mulf %convert_element_type3A_886, %mul3A_887 : vector<1024x128xf32>
      %get3A_889 = arith.constant 0 : index
      %get3A_890 = arith.constant 3456 : index
      %get3A_891 = arith.constant 0 : index
      %get3A_892 = vector.load %arg2[%get3A_889, %get3A_890, %get3A_891] : memref<1x4096x8xf32, #tpu.memory_space<vmem>>, vector<1x128x4xf32>
      %get3A_893 = vector.shape_cast %get3A_892 : vector<1x128x4xf32> to vector<128x4xf32>
      %get3A_894 = arith.constant 0 : index
      %get3A_895 = arith.constant 3456 : index
      %get3A_896 = arith.constant 0 : index
      %get3A_897 = vector.load %arg4[%get3A_894, %get3A_895, %get3A_896] : memref<1x4096x1xf32, #tpu.memory_space<vmem>>, vector<1x128x1xf32>
      %get3A_898 = vector.shape_cast %get3A_897 : vector<1x128x1xf32> to vector<128x1xf32>
      %broadcast_in_dim3A_899 = arith.constant 0.000000e+00 : f32
      %broadcast_in_dim3A_900 = vector.broadcast %broadcast_in_dim3A_899 : f32 to vector<128x3xf32>
      %concatenate3A_901 = tpu.concatenate %get3A_893, %get3A_898, %broadcast_in_dim3A_900 in 1 : vector<128x4xf32>, vector<128x1xf32>, vector<128x3xf32> -> vector<128x8xf32>
      %dot_general3A_902 = arith.constant dense<0.000000e+00> : vector<1024x8xf32>
      %dot_general3A_903 = tpu.matmul %mul3A_888, %concatenate3A_901, %dot_general3A_902 {dimension_numbers = #tpu.dot_dimension_numbers<[1], [0], [0], [1], [0, 0, 1, 1], [], []>, precision = #tpu.contract_precision<fp32>, transpose_lhs_hint = false} : vector<1024x128xf32>, vector<128x8xf32>, vector<1024x8xf32> -> vector<1024x8xf32>
      %add3A_904 = arith.addf %add3A_880, %dot_general3A_903 : vector<1024x8xf32>
      %slice3A_905 = vector.extract_strided_slice %sub3A_228 {offsets = [28, 0], sizes = [1, 128], strides = [1, 1]} : vector<32x128xf32> to vector<1x128xf32>
      %slice3A_906 = vector.extract_strided_slice %concatenate3A {offsets = [28, 0], sizes = [1, 128], strides = [1, 1]} : vector<32x128xf32> to vector<1x128xf32>
      %eq3A_907 = vector.broadcast %slice3A_905 : vector<1x128xf32> to vector<1024x128xf32>
      %eq3A_908 = arith.cmpf oeq, %convert_element_type3A_230, %eq3A_907 : vector<1024x128xf32>
      %convert_element_type3A_909 = arith.extui %eq3A_908 : vector<1024x128xi1> to vector<1024x128xi32>
      %convert_element_type3A_910 = arith.sitofp %convert_element_type3A_909 : vector<1024x128xi32> to vector<1024x128xf32>
      %mul3A_911 = vector.broadcast %slice3A_906 : vector<1x128xf32> to vector<1024x128xf32>
      %mul3A_912 = arith.mulf %convert_element_type3A_910, %mul3A_911 : vector<1024x128xf32>
      %get3A_913 = arith.constant 0 : index
      %get3A_914 = arith.constant 3584 : index
      %get3A_915 = arith.constant 0 : index
      %get3A_916 = vector.load %arg2[%get3A_913, %get3A_914, %get3A_915] : memref<1x4096x8xf32, #tpu.memory_space<vmem>>, vector<1x128x4xf32>
      %get3A_917 = vector.shape_cast %get3A_916 : vector<1x128x4xf32> to vector<128x4xf32>
      %get3A_918 = arith.constant 0 : index
      %get3A_919 = arith.constant 3584 : index
      %get3A_920 = arith.constant 0 : index
      %get3A_921 = vector.load %arg4[%get3A_918, %get3A_919, %get3A_920] : memref<1x4096x1xf32, #tpu.memory_space<vmem>>, vector<1x128x1xf32>
      %get3A_922 = vector.shape_cast %get3A_921 : vector<1x128x1xf32> to vector<128x1xf32>
      %broadcast_in_dim3A_923 = arith.constant 0.000000e+00 : f32
      %broadcast_in_dim3A_924 = vector.broadcast %broadcast_in_dim3A_923 : f32 to vector<128x3xf32>
      %concatenate3A_925 = tpu.concatenate %get3A_917, %get3A_922, %broadcast_in_dim3A_924 in 1 : vector<128x4xf32>, vector<128x1xf32>, vector<128x3xf32> -> vector<128x8xf32>
      %dot_general3A_926 = arith.constant dense<0.000000e+00> : vector<1024x8xf32>
      %dot_general3A_927 = tpu.matmul %mul3A_912, %concatenate3A_925, %dot_general3A_926 {dimension_numbers = #tpu.dot_dimension_numbers<[1], [0], [0], [1], [0, 0, 1, 1], [], []>, precision = #tpu.contract_precision<fp32>, transpose_lhs_hint = false} : vector<1024x128xf32>, vector<128x8xf32>, vector<1024x8xf32> -> vector<1024x8xf32>
      %add3A_928 = arith.addf %add3A_904, %dot_general3A_927 : vector<1024x8xf32>
      %slice3A_929 = vector.extract_strided_slice %sub3A_228 {offsets = [29, 0], sizes = [1, 128], strides = [1, 1]} : vector<32x128xf32> to vector<1x128xf32>
      %slice3A_930 = vector.extract_strided_slice %concatenate3A {offsets = [29, 0], sizes = [1, 128], strides = [1, 1]} : vector<32x128xf32> to vector<1x128xf32>
      %eq3A_931 = vector.broadcast %slice3A_929 : vector<1x128xf32> to vector<1024x128xf32>
      %eq3A_932 = arith.cmpf oeq, %convert_element_type3A_230, %eq3A_931 : vector<1024x128xf32>
      %convert_element_type3A_933 = arith.extui %eq3A_932 : vector<1024x128xi1> to vector<1024x128xi32>
      %convert_element_type3A_934 = arith.sitofp %convert_element_type3A_933 : vector<1024x128xi32> to vector<1024x128xf32>
      %mul3A_935 = vector.broadcast %slice3A_930 : vector<1x128xf32> to vector<1024x128xf32>
      %mul3A_936 = arith.mulf %convert_element_type3A_934, %mul3A_935 : vector<1024x128xf32>
      %get3A_937 = arith.constant 0 : index
      %get3A_938 = arith.constant 3712 : index
      %get3A_939 = arith.constant 0 : index
      %get3A_940 = vector.load %arg2[%get3A_937, %get3A_938, %get3A_939] : memref<1x4096x8xf32, #tpu.memory_space<vmem>>, vector<1x128x4xf32>
      %get3A_941 = vector.shape_cast %get3A_940 : vector<1x128x4xf32> to vector<128x4xf32>
      %get3A_942 = arith.constant 0 : index
      %get3A_943 = arith.constant 3712 : index
      %get3A_944 = arith.constant 0 : index
      %get3A_945 = vector.load %arg4[%get3A_942, %get3A_943, %get3A_944] : memref<1x4096x1xf32, #tpu.memory_space<vmem>>, vector<1x128x1xf32>
      %get3A_946 = vector.shape_cast %get3A_945 : vector<1x128x1xf32> to vector<128x1xf32>
      %broadcast_in_dim3A_947 = arith.constant 0.000000e+00 : f32
      %broadcast_in_dim3A_948 = vector.broadcast %broadcast_in_dim3A_947 : f32 to vector<128x3xf32>
      %concatenate3A_949 = tpu.concatenate %get3A_941, %get3A_946, %broadcast_in_dim3A_948 in 1 : vector<128x4xf32>, vector<128x1xf32>, vector<128x3xf32> -> vector<128x8xf32>
      %dot_general3A_950 = arith.constant dense<0.000000e+00> : vector<1024x8xf32>
      %dot_general3A_951 = tpu.matmul %mul3A_936, %concatenate3A_949, %dot_general3A_950 {dimension_numbers = #tpu.dot_dimension_numbers<[1], [0], [0], [1], [0, 0, 1, 1], [], []>, precision = #tpu.contract_precision<fp32>, transpose_lhs_hint = false} : vector<1024x128xf32>, vector<128x8xf32>, vector<1024x8xf32> -> vector<1024x8xf32>
      %add3A_952 = arith.addf %add3A_928, %dot_general3A_951 : vector<1024x8xf32>
      %slice3A_953 = vector.extract_strided_slice %sub3A_228 {offsets = [30, 0], sizes = [1, 128], strides = [1, 1]} : vector<32x128xf32> to vector<1x128xf32>
      %slice3A_954 = vector.extract_strided_slice %concatenate3A {offsets = [30, 0], sizes = [1, 128], strides = [1, 1]} : vector<32x128xf32> to vector<1x128xf32>
      %eq3A_955 = vector.broadcast %slice3A_953 : vector<1x128xf32> to vector<1024x128xf32>
      %eq3A_956 = arith.cmpf oeq, %convert_element_type3A_230, %eq3A_955 : vector<1024x128xf32>
      %convert_element_type3A_957 = arith.extui %eq3A_956 : vector<1024x128xi1> to vector<1024x128xi32>
      %convert_element_type3A_958 = arith.sitofp %convert_element_type3A_957 : vector<1024x128xi32> to vector<1024x128xf32>
      %mul3A_959 = vector.broadcast %slice3A_954 : vector<1x128xf32> to vector<1024x128xf32>
      %mul3A_960 = arith.mulf %convert_element_type3A_958, %mul3A_959 : vector<1024x128xf32>
      %get3A_961 = arith.constant 0 : index
      %get3A_962 = arith.constant 3840 : index
      %get3A_963 = arith.constant 0 : index
      %get3A_964 = vector.load %arg2[%get3A_961, %get3A_962, %get3A_963] : memref<1x4096x8xf32, #tpu.memory_space<vmem>>, vector<1x128x4xf32>
      %get3A_965 = vector.shape_cast %get3A_964 : vector<1x128x4xf32> to vector<128x4xf32>
      %get3A_966 = arith.constant 0 : index
      %get3A_967 = arith.constant 3840 : index
      %get3A_968 = arith.constant 0 : index
      %get3A_969 = vector.load %arg4[%get3A_966, %get3A_967, %get3A_968] : memref<1x4096x1xf32, #tpu.memory_space<vmem>>, vector<1x128x1xf32>
      %get3A_970 = vector.shape_cast %get3A_969 : vector<1x128x1xf32> to vector<128x1xf32>
      %broadcast_in_dim3A_971 = arith.constant 0.000000e+00 : f32
      %broadcast_in_dim3A_972 = vector.broadcast %broadcast_in_dim3A_971 : f32 to vector<128x3xf32>
      %concatenate3A_973 = tpu.concatenate %get3A_965, %get3A_970, %broadcast_in_dim3A_972 in 1 : vector<128x4xf32>, vector<128x1xf32>, vector<128x3xf32> -> vector<128x8xf32>
      %dot_general3A_974 = arith.constant dense<0.000000e+00> : vector<1024x8xf32>
      %dot_general3A_975 = tpu.matmul %mul3A_960, %concatenate3A_973, %dot_general3A_974 {dimension_numbers = #tpu.dot_dimension_numbers<[1], [0], [0], [1], [0, 0, 1, 1], [], []>, precision = #tpu.contract_precision<fp32>, transpose_lhs_hint = false} : vector<1024x128xf32>, vector<128x8xf32>, vector<1024x8xf32> -> vector<1024x8xf32>
      %add3A_976 = arith.addf %add3A_952, %dot_general3A_975 : vector<1024x8xf32>
      %slice3A_977 = vector.extract_strided_slice %sub3A_228 {offsets = [31, 0], sizes = [1, 128], strides = [1, 1]} : vector<32x128xf32> to vector<1x128xf32>
      %slice3A_978 = vector.extract_strided_slice %concatenate3A {offsets = [31, 0], sizes = [1, 128], strides = [1, 1]} : vector<32x128xf32> to vector<1x128xf32>
      %eq3A_979 = vector.broadcast %slice3A_977 : vector<1x128xf32> to vector<1024x128xf32>
      %eq3A_980 = arith.cmpf oeq, %convert_element_type3A_230, %eq3A_979 : vector<1024x128xf32>
      %convert_element_type3A_981 = arith.extui %eq3A_980 : vector<1024x128xi1> to vector<1024x128xi32>
      %convert_element_type3A_982 = arith.sitofp %convert_element_type3A_981 : vector<1024x128xi32> to vector<1024x128xf32>
      %mul3A_983 = vector.broadcast %slice3A_978 : vector<1x128xf32> to vector<1024x128xf32>
      %mul3A_984 = arith.mulf %convert_element_type3A_982, %mul3A_983 : vector<1024x128xf32>
      %get3A_985 = arith.constant 0 : index
      %get3A_986 = arith.constant 3968 : index
      %get3A_987 = arith.constant 0 : index
      %get3A_988 = vector.load %arg2[%get3A_985, %get3A_986, %get3A_987] : memref<1x4096x8xf32, #tpu.memory_space<vmem>>, vector<1x128x4xf32>
      %get3A_989 = vector.shape_cast %get3A_988 : vector<1x128x4xf32> to vector<128x4xf32>
      %get3A_990 = arith.constant 0 : index
      %get3A_991 = arith.constant 3968 : index
      %get3A_992 = arith.constant 0 : index
      %get3A_993 = vector.load %arg4[%get3A_990, %get3A_991, %get3A_992] : memref<1x4096x1xf32, #tpu.memory_space<vmem>>, vector<1x128x1xf32>
      %get3A_994 = vector.shape_cast %get3A_993 : vector<1x128x1xf32> to vector<128x1xf32>
      %broadcast_in_dim3A_995 = arith.constant 0.000000e+00 : f32
      %broadcast_in_dim3A_996 = vector.broadcast %broadcast_in_dim3A_995 : f32 to vector<128x3xf32>
      %concatenate3A_997 = tpu.concatenate %get3A_989, %get3A_994, %broadcast_in_dim3A_996 in 1 : vector<128x4xf32>, vector<128x1xf32>, vector<128x3xf32> -> vector<128x8xf32>
      %dot_general3A_998 = arith.constant dense<0.000000e+00> : vector<1024x8xf32>
      %dot_general3A_999 = tpu.matmul %mul3A_984, %concatenate3A_997, %dot_general3A_998 {dimension_numbers = #tpu.dot_dimension_numbers<[1], [0], [0], [1], [0, 0, 1, 1], [], []>, precision = #tpu.contract_precision<fp32>, transpose_lhs_hint = false} : vector<1024x128xf32>, vector<128x8xf32>, vector<1024x8xf32> -> vector<1024x8xf32>
      %add3A_1000 = arith.addf %add3A_976, %dot_general3A_999 : vector<1024x8xf32>
      %swap3A_1001 = arith.constant 0 : index
      %swap3A_1002 = arith.constant 0 : index
      %swap3A_1003 = arith.constant 0 : index
      %swap3A_1004 = vector.load %arg5[%swap3A_1001, %swap3A_1002, %swap3A_1003] : memref<1x1024x8xf32, #tpu.memory_space<vmem>>, vector<1x1024x8xf32>
      %swap3A_1005 = vector.shape_cast %swap3A_1004 : vector<1x1024x8xf32> to vector<1024x8xf32>
      %swap3A_1006 = vector.shape_cast %add3A_1000 : vector<1024x8xf32> to vector<1x1024x8xf32>
      tpu.vector_store %arg5[%swap3A_1001, %swap3A_1002, %swap3A_1003], %swap3A_1006 {strides = array<i32>} : memref<1x1024x8xf32, #tpu.memory_space<vmem>>, vector<1x1024x8xf32>,
    } else {
    }
    return
  }
  func.func @transform_0(%arg0: i32, %arg1: i32) -> (i32, i32, i32) {
    %c0_i32 = arith.constant 0 : i32
    %c0_i32_0 = arith.constant 0 : i32
    %c0_i32_1 = arith.constant 0 : i32
    return %arg0, %c0_i32, %c0_i32_0 : i32, i32, i32
  }
  func.func @transform_1(%arg0: i32, %arg1: i32) -> (i32, i32, i32) {
    %c0_i32 = arith.constant 0 : i32
    %c0_i32_0 = arith.constant 0 : i32
    %c0_i32_1 = arith.constant 0 : i32
    return %arg0, %c0_i32, %c0_i32_0 : i32, i32, i32
  }
  func.func @transform_2(%arg0: i32, %arg1: i32) -> (i32, i32, i32) {
    %c0_i32 = arith.constant 0 : i32
    %c0_i32_0 = arith.constant 0 : i32
    %c0_i32_1 = arith.constant 0 : i32
    return %arg0, %c0_i32, %c0_i32_0 : i32, i32, i32
  }
  func.func @transform_3(%arg0: i32, %arg1: i32) -> (i32, i32, i32) {
    %c0_i32 = arith.constant 0 : i32
    %c0_i32_0 = arith.constant 0 : i32
    %c0_i32_1 = arith.constant 0 : i32
    return %arg0, %c0_i32, %c0_i32_0 : i32, i32, i32
  }
}

</mosaic_0001>

<sc_bundles>
// kernel: gather_offload_async_start.1
scs
__scs_entry_jumppad:
0x0: {  	(pc) =	sbr.rel $0x88, $3  }
0x1: {  	(tag) =	ssettag $0x0;
	lr =	simm.s32 $0x1  }
0x2: {  	[smem:$0x3F96] =	sst lr;
	_ =	strace $0xD0000000  }
0x3: {  	_ = 	snop  }
0x4: {  	_ = 	snop  }
0x5: {  	_ = 	snop  }
0x6: {  	_ = 	snop  }
0x7: {  	_ = 	snop  }
__scs_overlays_trampoline_lowered:
0x8: {  	[smem:$0x3FA5] =	sst s0  }
0x9: {  	[smem:$0x3FA6] =	sst s1  }
0xa: {  	[smem:$0x3FA7] =	sst s2  }
0xb: {  	[smem:$0x3FA8] =	sst s3  }
0xc: {  	[smem:$0x3FA9] =	sst s4  }
0xd: {  	[smem:$0x3FAA] =	sst s5  }
0xe: {  	[smem:$0x3FAB] =	sst s6  }
0xf: {  	[smem:$0x3FAC] =	sst s7  }
0x10: {  	[smem:$0x3FAD] =	sst s8  }
0x11: {  	[smem:$0x3FAE] =	sst s9;
	s0 =	simm.s32 @!p0 $0x0  }
0x12: {  	s1 =	sld [smem:$0x3F94];
	s0 =	simm.s32 @p0 $0x1  }
0x13: {  	[smem:$0x3FAF] =	sst s0;
	s0 =	simm.s32 @!p1 $0x0  }
0x14: {  	s2 =	sld [smem:$0x3F93];
	s0 =	simm.s32 @p1 $0x1  }
0x15: {  	[smem:$0x3FB0] =	sst s0;
	s0 =	simm.s32 @!p2 $0x0  }
0x16: {  	s3 =	sld [smem:$0x3FDB];
	s0 =	simm.s32 @p2 $0x1  }
0x17: {  	s4 =	simm.s32 $0x1BF5;
	[smem:$0x3FB2] =	sst s0  }
0x18: {  	s0 =	sld [smem:$0x3F95];
	_ =	swait.ge [sflag:s4], $0x0  }
0x19: {  	s7 =	sld [smem:$0x3F96]  }
0x1a: {  	s8 =	sadd.s32 $0xFFFFE003, lr  }
0x1b: {  	s9 =	sadd.s32 $0xFFFFFEF7, lr;
	s5 =	simm.s32 $0xFFFFFFFF;
	p2 =	slt.u32 s8, $0xFFFFF086  }
0x1c: {  	p1 =	slt.u32 s9, $0xF7A;
	s5 =	simm.s32 @!p2 $0x0  }
0x1d: {  	s5 =	simm.s32 @p1 $0x1;
	p0 =	seq.s32 s7, s2  }
0x1e: {  	s7 =	smul.u32 @!p0 $0xF7A, s2;
	p2 =	seq.s32 @!p0 s5, $0x0  }
0x1f: {  	s9 =	smul.u32 $0xF7A, s1;
	s8 =	simm.s32 @!p0 $0x1BF5;
	p2 =	por !p2, p0  }
0x20: {  	[sflag:s8] =	ssyncset.s32 @!p0 $0xFFFFF086;
	s6 =	sadd.s32 @!p0 s3, s7;
	s7 =	simm.s32 @!p0 $0x108  }
0x21: {  	s3 =	sadd.s32 s3, s9;
	s6 =	sadd.s32 @!p0 $0x88, s6;
	s7 =	simm.s32 @p2 $0x1082  }
0x22: {  	[simem:s7], [sflag:s8] =	dma.local @!p0 [hbm:s6], $0xF7A  }
0x23: {  	s9 =	sor.u32 $0xD0000000, s2;
	s6 =	simm.s32 $0x108;
	_ =	swait.ge @!p0 [sflag:s8], $0x0  }
0x24: {  	s3 =	sadd.s32 $0x88, s3;
	s6 =	simm.s32 @!p1 $0x1082;
	[sflag:s4] =	ssyncset.s32 $0xFFFFF086  }
0x25: {  	[simem:s6], [sflag:s4] =	dma.local [hbm:s3], $0xF7A  }
0x26: {  	[smem:$0x3F96] =	sst s1;
	(tag) =	ssettag s2;
	_ =	strace s9  }
0x27: {  	s1 =	sld [smem:$0x3FA6]  }
0x28: {  	s2 =	sld [smem:$0x3FA7]  }
0x29: {  	s4 =	sld [smem:$0x3FA9]  }
0x2a: {  	p0 =	seq.s32 s5, $0x0;
	s5 =	sld [smem:$0x3FAA]  }
0x2b: {  	s6 =	sld [smem:$0x3FAB]  }
0x2c: {  	s7 =	sld [smem:$0x3FAC]  }
0x2d: {  	s3 =	simm.s32 $0x108;
	s8 =	sld [smem:$0x3FAD]  }
0x2e: {  	s3 =	simm.s32 @!p0 $0x1082;
	s9 =	sld [smem:$0x3FAE]  }
0x2f: {  	lr =	sadd.s32 s0, s3;
	s0 =	sld [smem:$0x3FA5]  }
0x30: {  	s3 =	sld [smem:$0x3FA8]  }
0x31: {  	[smem:$0x3FB1] =	sst s10  }
0x32: {  	s10 =	sld [smem:$0x3FAF];
	_ =	sdelay $0x3  }
0x33: {  	p0 =	seq.s32 s10, $0x1;
	s10 =	sld [smem:$0x3FB1];
	_ =	sdelay $0x3  }
0x34: {  	[smem:$0x3FB1] =	sst s10  }
0x35: {  	s10 =	sld [smem:$0x3FB0];
	_ =	sdelay $0x3  }
0x36: {  	p1 =	seq.s32 s10, $0x1;
	s10 =	sld [smem:$0x3FB1];
	_ =	sdelay $0x3  }
0x37: {  	[smem:$0x3FB1] =	sst s10  }
0x38: {  	s10 =	sld [smem:$0x3FB2]  }
0x39: {  	_ = 	snop;
	(pc) =	sbr.ind lr, $3  }
0x3a: {  	_ = 	snop  }
0x3b: {  	_ = 	snop  }
0x3c: {  	p2 =	seq.s32 s10, $0x1;
	s10 =	sld [smem:$0x3FB1]  }
0x3d: {  	_ =	shalt  }
0x3e: {  	_ =	shalt  }
0x3f: {  	_ =	shalt  }
0x40: {  	_ =	shalt  }
0x41: {  	_ =	shalt  }
0x42: {  	_ =	shalt  }
0x43: {  	_ =	shalt  }
0x44: {  	_ =	shalt  }
0x45: {  	_ =	shalt  }
0x46: {  	_ =	shalt  }
0x47: {  	_ =	shalt  }
0x48: {  	_ =	shalt  }
0x49: {  	_ =	shalt  }
0x4a: {  	_ =	shalt  }
0x4b: {  	_ =	shalt  }
0x4c: {  	_ =	shalt  }
0x4d: {  	_ =	shalt  }
0x4e: {  	_ =	shalt  }
0x4f: {  	_ =	shalt  }
0x50: {  	_ =	shalt  }
0x51: {  	_ =	shalt  }
0x52: {  	_ =	shalt  }
0x53: {  	_ =	shalt  }
0x54: {  	_ =	shalt  }
0x55: {  	_ =	shalt  }
0x56: {  	_ =	shalt  }
0x57: {  	_ =	shalt  }
0x58: {  	_ =	shalt  }
0x59: {  	_ =	shalt  }
0x5a: {  	_ =	shalt  }
0x5b: {  	_ =	shalt  }
0x5c: {  	_ =	shalt  }
0x5d: {  	_ =	shalt  }
0x5e: {  	_ =	shalt  }
0x5f: {  	_ =	shalt  }
0x60: {  	_ =	shalt  }
0x61: {  	_ =	shalt  }
0x62: {  	_ =	shalt  }
0x63: {  	_ =	shalt  }
0x64: {  	_ =	shalt  }
0x65: {  	_ =	shalt  }
0x66: {  	_ =	shalt  }
0x67: {  	_ =	shalt  }
0x68: {  	_ =	shalt  }
0x69: {  	_ =	shalt  }
0x6a: {  	_ =	shalt  }
0x6b: {  	_ =	shalt  }
0x6c: {  	_ =	shalt  }
0x6d: {  	_ =	shalt  }
0x6e: {  	_ =	shalt  }
0x6f: {  	_ =	shalt  }
0x70: {  	_ =	shalt  }
0x71: {  	_ =	shalt  }
0x72: {  	_ =	shalt  }
0x73: {  	_ =	shalt  }
0x74: {  	_ =	shalt  }
0x75: {  	_ =	shalt  }
0x76: {  	_ =	shalt  }
0x77: {  	_ =	shalt  }
0x78: {  	_ =	shalt  }
0x79: {  	_ =	shalt  }
0x7a: {  	_ =	shalt  }
0x7b: {  	_ =	shalt  }
0x7c: {  	_ =	shalt  }
0x7d: {  	_ =	shalt  }
0x7e: {  	_ =	shalt  }
0x7f: {  	_ =	shalt  }
0x80: {  	_ =	shalt  }
0x81: {  	_ =	shalt  }
0x82: {  	_ =	shalt  }
0x83: {  	_ =	shalt  }
0x84: {  	_ =	shalt  }
0x85: {  	_ =	shalt  }
0x86: {  	_ =	shalt  }
0x87: {  	_ =	shalt  }
.Lfunc_end0:
.L_simem_size_0:
called_computation.1_lowered:
.L_overlay_start_0:
0x88: {  	s0 =	sld [smem:$0x3FD9]  }
0x89: {  	s1 =	sld [smem:$0x3FFE];
	_ =	sdelay $0x3  }
0x8a: {  	s0 =	sadd.s32 s1, s0  }
0x8b: {  	[smem:$0x3FBD] =	sst s0  }
0x8c: {  	_ = 	snop  }
0x8d: {  	(tm) =	ssettm $0x1  }
0x8e: {  	s15 =	sld [smem:$0x3FFB];
	_ =	sdelay $0x3  }
0x8f: {  	_ =	strace s15  }
0x90: {  	s0 =	sld [smem:$0x3FFC];
	_ =	sdelay $0x3  }
0x91: {  	_ =	strace s0  }
0x92: {  	s0 =	sld [smem:$0x3FFD];
	_ =	sdelay $0x3  }
0x93: {  	_ =	strace s0  }
0x94: {  	_ =	strace $0x8FFFFFFF  }
0x95: {  	s16 =	sld [smem:$0x3FDB];
	_ =	sdelay $0x1  }
0x96: {  	s17 =	simm.s32 $_scs_section_size  }
0x97: {  	s2 =	simm.s32 $_size__tile_overlayer_lowered;
	s3 =	simm.s32 $_tile_overlayer_lowered  }
0x98: {  	s20 =	simm.s32 $0x1BFF;
	s19 =	sshll.u32 s3, $0x1;
	s0 =	sadd.s32 s17, s16  }
0x99: {  	s4 =	simm.s32 $0x0;
	s18 =	sshll.u32 s2, $0x1;
	s2 =	sadd.s32 s19, s0  }
0x9a: {  	[timem:s4], [sflag:s20] =	dma.local [hbm:s2], s18  }
0x9b: {  	_ =	swait.ge [sflag:s20], s18  }
0x9c: {  	s1 =	ssub.s32 $0x0, s18;
	[sflag:s20] =	ssyncset.done $0x0  }
0x9d: {  	[sflag:s20] =	ssyncadd.s32 s1;
	_ =	sdelay $0x1  }
0x9e: {  	s21 =	simm.s32 $0x1B8B  }
0x9f: {  	_ =	swait.ge [sflag:s21], $0x1  }
0xa0: {  	[sflag:s21] =	ssyncset.done $0x0  }
0xa1: {  	s23 =	simm.s32 $0x1B8E;
	s22 =	sld [smem:$0x3FFE];
	[sflag:s21] =	ssyncadd.s32 $0xFFFFFFFF  }
0xa2: {  	s24 =	simm.s32 $execute0_lowered;
	[smem:$0x3FD2] =	sst s23  }
0xa3: {  	s2 =	sshll.u32 s24, $0x1;
	_ =	strace $0x8000004F;
	[dreg:$0x1] =	wrdreg $0xFFFFFFFF  }
0xa4: {  	s25 =	simm.s32 $_size_execute0_lowered;
	s0 =	sadd.s32 s0, s2;
	[dreg:$0x0] =	wrdreg $0x0  }
0xa5: {  	s2 =	sshll.u32 s25, $0x1;
	[dreg:$0x2] =	wrdreg s0  }
0xa6: {  	[dreg:$0x3] =	wrdreg s2  }
0xa7: {  	[dreg:$0x4] =	wrdreg $0xC0  }
0xa8: {  	_ =	task [dreg:s4], $0x5FFFF  }
0xa9: {  	[dreg:$0x1] =	wrdreg $0xFFFFFFFF  }
0xaa: {  	[dreg:$0x0] =	wrdreg $0x60  }
0xab: {  	[dreg:$0x2] =	wrdreg s22  }
0xac: {  	[dreg:$0x3] =	wrdreg $0x9  }
0xad: {  	_ =	task.clear_ibuf [dreg:s4], $0x4FFFF;
	_ =	strace $0x9000004F  }
0xae: {  	s26 =	simm.s32 $0x9;
	_ =	strace $0x80000051  }
0xaf: {  	_ =	swait.ge [sflag:s26], $0x1  }
0xb0: {  	[sflag:s26] =	ssyncadd.s32 $0xFFFFFFFF  }
0xb1: {  	_ =	strace $0x90000051  }
0xb2: {  	_ =	sfence  }
0xb3: {  	s28 =	sld [smem:$0x0];
	_ =	sdelay $0x1  }
0xb4: {  	s29 =	srdreg.scid  }
0xb5: {  	s30 =	sshll.u32 s29, $0xD;
	s31 =	sshrl.u32 s29, $0x2  }
0xb6: {  	s1 =	sand.u32 $0x1, s29;
	s2 =	sand.u32 $0x4000, s30;
	s0 =	sadd.s32 s31, s28  }
0xb7: {  	s1 =	sor.u32 s2, s1;
	s0 =	sshll.u32 s0, $0x11  }
0xb8: {  	s0 =	sor.u32 s0, s1  }
0xb9: {  	s0 =	sadd.s32 $0x8F2B, s0  }
0xba: {  	[sflag:s0] =	ssyncadd.remote.s32 $0x1  }
0xbb: {  	_ =	sfence.sel $0xFFFF  }
0xbc: {  	[dreg:$0x0] =	wrdreg $0xFFFFFFFF;
	(pc) =	sbr.abs _section_cstart, $3  }
0xbd: {  	[dreg:$0x1] =	wrdreg $0xFFFFFFFF  }
0xbe: {  	_ =	task.clear_ibuf [dreg:s4], $0x2FFFF;
	_ =	strace $0x9FFFFFFF  }
0xbf: {  	(tm) =	ssettm $0x7FFFFFFF  }
tec
execute0_lowered:
.L_overlay_start_1:
0x0: {  	(tag) =	ssettag $0x1  }
0x1: {  	s0 =	stileid.u32  }
0x2: {  	s1 =	smin.u32 s0, $0x9  }
0x3: {  	s1 =	sadd.s32 s0, s1  }
0x4: {  	p0 =	slt.u32 s0, $0x9;
	s2 =	smul.u32 $0x50, s1;
	s1 =	simm.s32 $0xA0  }
0x5: {  	s1 =	simm.s32 @!p0 $0x50  }
0x6: {  	s1 =	sadd.s32 s1, s2  }
0x7: {  	s3 =	smin.u32 s1, $0x7D0  }
0x8: {  	s7 =	ssub.s32 s3, s2  }
0x9: {  	p0 =	sgt.s32 s7, $0x0  }
0xa: {  	s7 =	simm.s32 @!p0 $0x0  }
0xb: {  	s31 =	smul.u32 $0xCCCD, s7  }
0xc: {  	s9 =	rddreg [dreg:$0x0];
	s6 =	simm.s32 $0x1;
	s11 =	simm.s32 $0x3  }
0xd: {  	s13 =	simm.s32 $0x0;
	s12 =	simm.s32 $0x0;
	s8 =	sshrl.u32 s31, $0x16  }
0xe: {  	s4 =	sadd.s32 $0x2CE00, s9;
	s5 =	sadd.s32 $0x6A00, s9;
	s10 =	smul.u32 $0x50, s8  }
.Ltmp0:
0xf: {  	s9 =	sadd.s32 $0x8CE00, s9;
	s1 =	rddreg [dreg:$0x1];
	(pc) =	sbr.rel .LBB2_1-.Ltmp0, $4  }
0x10: {  	_ =	strace $0x80000050;
	p0 =	sne.s32 s7, s10;
	s10 =	simm.s32 $0x1  }
0x11: {  	[sflag:s6] =	ssyncpa.u1 $0x0;
	s7 =	simm.s32 $0x2;
	s10 =	simm.s32 @!p0 $0x0  }
0x12: {  	[sflag:s7] =	ssyncpa.u1 $0x0;
	p0 =	por $0x0, $0x0;
	s8 =	sadd.s32 s8, s10  }
0x13: {  	v0 =	vimm.s32 $0x0;
	vm0 =	vmmov $0xff;
	vm1 =	vcmask $0x3F20;
	[sflag:s11] =	ssyncpa.u1 $0x0;
	s11 =	smov.u32 s2;
	s10 =	sadd.s32 $0x1, s8  }
.LBB2_6:
0x14: {  	[hbm:s17] =	stream.linear.scatter [tilespmem:s14], [sflag:$0x3], $0x400, $0x38;
	[tilespmem:$0x50A0] =	vst v63  }
.LBB2_7:
0x15: {  	s13 =	sadd.s32 $0x50, s11  }
0x16: {  	s15 =	smov.u32 s2;
	p2 =	slt.s32 s13, s3  }
0x17: {  	s15 =	smov.u32 @p2 s13;
	p2 =	sne.s32 s12, s10  }
.Ltmp1:
0x18: {  	p1 =	slt.u32 s12, $0x2;
	(pc) =	sbr.rel @!p2 .LBB2_8-.Ltmp1, $4  }
0x19: {  	s14 =	simm.s32 @!p1 $0x3  }
0x1a: {  	s16 =	sadd.s32 $0x1, s12;
	_ =	swait.ge @!p1 [sflag:s14], $0x2800  }
0x1b: {  	p0 =	por !p0, !p0;
	s13 =	smov.u32 s11;
	[sflag:s14] =	ssyncset.done @!p1 $0x0  }
0x1c: {  	s12 =	smov.u32 s16;
	s11 =	smov.u32 s15;
	[sflag:s14] =	ssyncadd.s32 @!p1 $0xFFFFD800  }
.LBB2_1:
0x1d: {  	p1 =	sge.u32 s12, s8  }
0x1e: {  	s14 =	sxor.u32 @!p1 $0xFFFFFFFF, s12  }
0x1f: {  	s14 =	sand.u32 @!p1 $0x1, s14  }
0x20: {  	s14 =	smul.u32 @!p1 $0x140, s14  }
0x21: {  	s31 =	sadd.s32 $0xFFFFFFFF, s12;
	s15 =	sshrl.u32 @!p1 s11, $0x3  }
0x22: {  	s16 =	sand.u32 @!p1 $0x7, s11;
	s15 =	sadd.s32 @!p1 s5, s15;
	s14 =	sshrl.u32 @!p1 s14, $0x2  }
0x23: {  	[tilespmem:s14], [sflag:$0x2] =	stream.linear.gather @!p1 [hbm4b:s15+s16], $0x50, $0x38;
	[tilespmem:$0x50A0] =	vst v63  }
0x24: {  	p1 =	sge.u32 s31, s8  }
.Ltmp2:
0x25: {  	_ = 	snop;
	(pc) =	sbr.rel @p1 .LBB2_7-.Ltmp2, $1  }
0x26: {  	_ =	sdelay $0x3  }
0x27: {  	s14 =	simm.s32 $0x1  }
0x28: {  	s14 =	simm.s32 @!p0 $0x0  }
0x29: {  	s15 =	smul.u32 $0x140, s14  }
0x2a: {  	_ =	swait.ge [sflag:s7], $0x50  }
0x2b: {  	[sflag:s7] =	ssyncset.done $0x0;
	s16 =	sshrl.u32 s15, $0x2  }
0x2c: {  	[sflag:s7] =	ssyncadd.s32 $0xFFFFFFB0;
	s15 =	sadd.s32 $0x0, s16  }
0x2d: {  	v1 =	vld.msk [tilespmem:s15+$0x0 ss:$0x1], $0xffff;
	_ =	sdelay $0x4  }
0x2e: {  	v2 =	vand.u32 $0x1, v1;
	v3 =	vshll.u32 v1, $0x6  }
0x2f: {  	vm2 =	veq.s32 v1, $0x80000000;
	vm3 =	veq.s32 v2, $0x1;
	v1 =	vand.u32 $0x1FFF80, v3  }
0x30: {  	v2 =	vsel vm3, $0x180000, v0;
	v1 =	vsel vm2, $0xFFFFFF80, v1  }
0x31: {  	v2 =	vsel vm2, $0xFFE80000, v2;
	v3 =	vand.u32 $0xFFFFFC00, v1  }
0x32: {  	v1 =	vand.u32 $0x380, v1;
	v2 =	vadd.s32 v2, v3  }
0x33: {  	v1 =	vor.u32 v1, v2  }
0x34: {  	v1 =	vshrl.u32 v1, $0x3  }
0x35: {  	s14 =	smul.u32 $0xA000, s14;
	_ =	sdelay $0x1  }
0x36: {  	s14 =	sshrl.u32 s14, $0x2  }
0x37: {  	s14 =	sor.u32 $0xA0, s14  }
0x38: {  	[tilespmem:s14], [sflag:$0x1] =	stream.indirect_vreg.gather [hbm:s4], $0x80, v1, vm0, $0x38;
	[tilespmem:$0x50A0] =	vst v63  }
0x39: {  	s17 =	sadd.s32 $0x10, s16;
	s15 =	sadd.s32 $0x400, s14  }
0x3a: {  	[tilespmem:s15], [sflag:$0x1] =	stream.indirect_vreg.gather [hbm:s4], $0x80, v1, vm1, $0x38;
	[tilespmem:$0x50A0] =	vst v63  }
0x3b: {  	s18 =	simm.s32 $0x80;
	v1 =	vld.msk [tilespmem:s17+$0x0 ss:$0x1], $0xffff;
	s17 =	smov.u32 s14  }
.LBB2_3:
0x3c: {  	p1 =	sne.s32 s18, $0x100;
	_ =	sdelay $0x4  }
0x3d: {  	v2 =	vand.u32 $0x1, v1;
	v3 =	vshll.u32 v1, $0x6  }
0x3e: {  	vm2 =	veq.s32 v1, $0x80000000;
	vm3 =	veq.s32 v2, $0x1;
	v1 =	vand.u32 $0x1FFF80, v3  }
0x3f: {  	v2 =	vsel vm3, $0x180000, v0;
	v1 =	vsel vm2, $0xFFFFFF80, v1  }
0x40: {  	v2 =	vsel vm2, $0xFFE80000, v2;
	v3 =	vand.u32 $0xFFFFFC00, v1  }
0x41: {  	v1 =	vand.u32 $0x380, v1;
	v2 =	vadd.s32 v2, v3  }
0x42: {  	v1 =	vor.u32 v1, v2  }
0x43: {  	v1 =	vshrl.u32 v1, $0x3;
	_ =	sdelay $0x3  }
.Ltmp3:
0x44: {  	s19 =	sshra.s32 s18, $0x2;
	s17 =	sadd.s32 $0x800, s17;
	(pc) =	sbr.rel @p1 .LBB2_3-.Ltmp3, $4  }
0x45: {  	[tilespmem:s17], [sflag:$0x1] =	stream.indirect_vreg.gather [hbm:s4], $0x80, v1, vm0, $0x38;
	[tilespmem:$0x50A0] =	vst v63  }
0x46: {  	s19 =	sadd.s32 s19, s16;
	s20 =	sadd.s32 $0x400, s17  }
0x47: {  	[tilespmem:s20], [sflag:$0x1] =	stream.indirect_vreg.gather [hbm:s4], $0x80, v1, vm1, $0x38;
	[tilespmem:$0x50A0] =	vst v63  }
0x48: {  	s18 =	sadd.s32 $0x40, s18;
	v1 =	vld.msk [tilespmem:s19+$0x0 ss:$0x1], $0xffff  }
0x49: {  	_ =	sdelay $0x3  }
0x4a: {  	v2 =	vand.u32 $0x1, v1;
	v3 =	vshll.u32 v1, $0x6  }
0x4b: {  	vm2 =	veq.s32 v1, $0x80000000;
	vm3 =	veq.s32 v2, $0x1;
	v1 =	vand.u32 $0x1FFF80, v3  }
0x4c: {  	v2 =	vsel vm3, $0x180000, v0;
	v1 =	vsel vm2, $0xFFFFFF80, v1  }
0x4d: {  	v2 =	vsel vm2, $0xFFE80000, v2;
	v3 =	vand.u32 $0xFFFFFC00, v1  }
0x4e: {  	v1 =	vand.u32 $0x380, v1;
	v2 =	vadd.s32 v2, v3  }
0x4f: {  	v1 =	vor.u32 v1, v2  }
0x50: {  	v1 =	vshrl.u32 v1, $0x3;
	_ =	sdelay $0x3  }
0x51: {  	s16 =	sadd.s32 $0x800, s17  }
0x52: {  	[tilespmem:s16], [sflag:$0x1] =	stream.indirect_vreg.gather [hbm:s4], $0x80, v1, vm0, $0x38;
	[tilespmem:$0x50A0] =	vst v63  }
0x53: {  	s16 =	sadd.s32 $0x400, s16  }
0x54: {  	[tilespmem:s16], [sflag:$0x1] =	stream.indirect_vreg.gather [hbm:s4], $0x80, v1, vm1, $0x38;
	[tilespmem:$0x50A0] =	vst v63  }
0x55: {  	s13 =	sshll.u32 s13, $0x4;
	_ =	swait.ge [sflag:s6], $0x2800  }
0x56: {  	s13 =	sadd.s32 s13, s9;
	[sflag:s6] =	ssyncset.done $0x0  }
0x57: {  	s17 =	sadd.s32 $0x0, s13;
	s16 =	simm.s32 $0x80;
	[sflag:s6] =	ssyncadd.s32 $0xFFFFD800  }
.LBB2_5:
0x58: {  	[hbm:s17] =	stream.linear.scatter [tilespmem:s14], [sflag:$0x3], $0x400, $0x38;
	[tilespmem:$0x50A0] =	vst v63  }
0x59: {  	s17 =	smov.u32 s16;
	s14 =	smov.u32 s15;
	p1 =	sne.s32 s16, $0x480  }
.Ltmp4:
0x5a: {  	s16 =	sadd.s32 $0x80, s16;
	(pc) =	sbr.rel @p1 .LBB2_5-.Ltmp4, $2  }
0x5b: {  	_ =	sdelay $0x2  }
0x5c: {  	s15 =	sadd.s32 $0x400, s15;
	s17 =	sadd.s32 s17, s13  }
.Ltmp5:
0x5d: {  	_ = 	snop;
	(pc) =	sbr.rel .LBB2_6-.Ltmp5, $1  }
0x5e: {  	_ =	sdelay $0x3  }
.LBB2_8:
0x5f: {  	_ =	sfence.sel $0x180000  }
0x60: {  	s2 =	simm.s32 $0x2;
	[bflag:$0x0] =	sbarrier.arrive $0xFFFF  }
0x61: {  	s30 =	simm.s32 $0x3;
	[sflag:s2] =	ssyncpa.u1 $0x1  }
0x62: {  	s31 =	simm.s32 $0x1;
	[sflag:s30] =	ssyncpa.u1 $0x1  }
0x63: {  	[sflag:s31] =	ssyncpa.u1 $0x1  }
0x64: {  	p0 =	sne.s32 s0, $0x0;
	_ =	strace $0x90000050  }
0x65: {  	s0 =	sadd.s32 @!p0 $0x100000, s1;
	[bflag:$0x2] =	sbarrier.arrive $0xFFFF  }
0x66: {  	[sflag:s0] =	ssyncadd.tile.s32 @!p0 $0x1;
	_ =	shalt  }
.Lfunc_end2:
_tile_overlayer_lowered:
.L_overlay_start_2:
0x67: {  	(tag) =	ssettag $0x2  }
0x68: {  	s0 =	rddreg [dreg:$0x0];
	s2 =	stileid.u32  }
0x69: {  	s1 =	rddreg [dreg:$0x1];
	p0 =	sne.s32 s2, $0x0  }
0x6a: {  	s3 =	rddreg [dreg:$0x2];
	[bflag:$0x3] =	sbarrier.arrive $0xFFFF;
	s2 =	simm.s32 @!p0 $0x1C01  }
0x6b: {  	[timem:s3], [sflag:s2] =	dma.local @!p0 [hbm:s0], s1  }
0x6c: {  	s0 =	simm.s32 @!p0 $0x1  }
0x6d: {  	_ =	swait.ge @!p0 [sflag:s0], s1  }
0x6e: {  	s1 =	ssub.s32 @!p0 $0x0, s1;
	[sflag:s0] =	ssyncset.done @!p0 $0x0  }
0x6f: {  	[sflag:s0] =	ssyncadd.s32 @!p0 s1  }
0x70: {  	[bflag:$0x3] =	sbarrier.arrive $0xFFFF  }
0x71: {  	_ =	shalt  }

// kernel: gather_offload_async_start.2
scs
__scs_entry_jumppad:
0x0: {  	(pc) =	sbr.rel $0x88, $3  }
0x1: {  	(tag) =	ssettag $0x0;
	lr =	simm.s32 $0x1  }
0x2: {  	[smem:$0x3F96] =	sst lr;
	_ =	strace $0xD0000000  }
0x3: {  	_ = 	snop  }
0x4: {  	_ = 	snop  }
0x5: {  	_ = 	snop  }
0x6: {  	_ = 	snop  }
0x7: {  	_ = 	snop  }
__scs_overlays_trampoline_lowered:
0x8: {  	[smem:$0x3FA5] =	sst s0  }
0x9: {  	[smem:$0x3FA6] =	sst s1  }
0xa: {  	[smem:$0x3FA7] =	sst s2  }
0xb: {  	[smem:$0x3FA8] =	sst s3  }
0xc: {  	[smem:$0x3FA9] =	sst s4  }
0xd: {  	[smem:$0x3FAA] =	sst s5  }
0xe: {  	[smem:$0x3FAB] =	sst s6  }
0xf: {  	[smem:$0x3FAC] =	sst s7  }
0x10: {  	[smem:$0x3FAD] =	sst s8  }
0x11: {  	[smem:$0x3FAE] =	sst s9;
	s0 =	simm.s32 @!p0 $0x0  }
0x12: {  	s1 =	sld [smem:$0x3F94];
	s0 =	simm.s32 @p0 $0x1  }
0x13: {  	[smem:$0x3FAF] =	sst s0;
	s0 =	simm.s32 @!p1 $0x0  }
0x14: {  	s2 =	sld [smem:$0x3F93];
	s0 =	simm.s32 @p1 $0x1  }
0x15: {  	[smem:$0x3FB0] =	sst s0;
	s0 =	simm.s32 @!p2 $0x0  }
0x16: {  	s3 =	sld [smem:$0x3FDB];
	s0 =	simm.s32 @p2 $0x1  }
0x17: {  	s4 =	simm.s32 $0x1BF5;
	[smem:$0x3FB2] =	sst s0  }
0x18: {  	s0 =	sld [smem:$0x3F95];
	_ =	swait.ge [sflag:s4], $0x0  }
0x19: {  	s7 =	sld [smem:$0x3F96]  }
0x1a: {  	s8 =	sadd.s32 $0xFFFFE003, lr  }
0x1b: {  	s9 =	sadd.s32 $0xFFFFFEF7, lr;
	s5 =	simm.s32 $0xFFFFFFFF;
	p2 =	slt.u32 s8, $0xFFFFF086  }
0x1c: {  	p1 =	slt.u32 s9, $0xF7A;
	s5 =	simm.s32 @!p2 $0x0  }
0x1d: {  	s5 =	simm.s32 @p1 $0x1;
	p0 =	seq.s32 s7, s2  }
0x1e: {  	s7 =	smul.u32 @!p0 $0xF7A, s2;
	p2 =	seq.s32 @!p0 s5, $0x0  }
0x1f: {  	s9 =	smul.u32 $0xF7A, s1;
	s8 =	simm.s32 @!p0 $0x1BF5;
	p2 =	por !p2, p0  }
0x20: {  	[sflag:s8] =	ssyncset.s32 @!p0 $0xFFFFF086;
	s6 =	sadd.s32 @!p0 s3, s7;
	s7 =	simm.s32 @!p0 $0x108  }
0x21: {  	s3 =	sadd.s32 s3, s9;
	s6 =	sadd.s32 @!p0 $0x88, s6;
	s7 =	simm.s32 @p2 $0x1082  }
0x22: {  	[simem:s7], [sflag:s8] =	dma.local @!p0 [hbm:s6], $0xF7A  }
0x23: {  	s9 =	sor.u32 $0xD0000000, s2;
	s6 =	simm.s32 $0x108;
	_ =	swait.ge @!p0 [sflag:s8], $0x0  }
0x24: {  	s3 =	sadd.s32 $0x88, s3;
	s6 =	simm.s32 @!p1 $0x1082;
	[sflag:s4] =	ssyncset.s32 $0xFFFFF086  }
0x25: {  	[simem:s6], [sflag:s4] =	dma.local [hbm:s3], $0xF7A  }
0x26: {  	[smem:$0x3F96] =	sst s1;
	(tag) =	ssettag s2;
	_ =	strace s9  }
0x27: {  	s1 =	sld [smem:$0x3FA6]  }
0x28: {  	s2 =	sld [smem:$0x3FA7]  }
0x29: {  	s4 =	sld [smem:$0x3FA9]  }
0x2a: {  	p0 =	seq.s32 s5, $0x0;
	s5 =	sld [smem:$0x3FAA]  }
0x2b: {  	s6 =	sld [smem:$0x3FAB]  }
0x2c: {  	s7 =	sld [smem:$0x3FAC]  }
0x2d: {  	s3 =	simm.s32 $0x108;
	s8 =	sld [smem:$0x3FAD]  }
0x2e: {  	s3 =	simm.s32 @!p0 $0x1082;
	s9 =	sld [smem:$0x3FAE]  }
0x2f: {  	lr =	sadd.s32 s0, s3;
	s0 =	sld [smem:$0x3FA5]  }
0x30: {  	s3 =	sld [smem:$0x3FA8]  }
0x31: {  	[smem:$0x3FB1] =	sst s10  }
0x32: {  	s10 =	sld [smem:$0x3FAF];
	_ =	sdelay $0x3  }
0x33: {  	p0 =	seq.s32 s10, $0x1;
	s10 =	sld [smem:$0x3FB1];
	_ =	sdelay $0x3  }
0x34: {  	[smem:$0x3FB1] =	sst s10  }
0x35: {  	s10 =	sld [smem:$0x3FB0];
	_ =	sdelay $0x3  }
0x36: {  	p1 =	seq.s32 s10, $0x1;
	s10 =	sld [smem:$0x3FB1];
	_ =	sdelay $0x3  }
0x37: {  	[smem:$0x3FB1] =	sst s10  }
0x38: {  	s10 =	sld [smem:$0x3FB2]  }
0x39: {  	_ = 	snop;
	(pc) =	sbr.ind lr, $3  }
0x3a: {  	_ = 	snop  }
0x3b: {  	_ = 	snop  }
0x3c: {  	p2 =	seq.s32 s10, $0x1;
	s10 =	sld [smem:$0x3FB1]  }
0x3d: {  	_ =	shalt  }
0x3e: {  	_ =	shalt  }
0x3f: {  	_ =	shalt  }
0x40: {  	_ =	shalt  }
0x41: {  	_ =	shalt  }
0x42: {  	_ =	shalt  }
0x43: {  	_ =	shalt  }
0x44: {  	_ =	shalt  }
0x45: {  	_ =	shalt  }
0x46: {  	_ =	shalt  }
0x47: {  	_ =	shalt  }
0x48: {  	_ =	shalt  }
0x49: {  	_ =	shalt  }
0x4a: {  	_ =	shalt  }
0x4b: {  	_ =	shalt  }
0x4c: {  	_ =	shalt  }
0x4d: {  	_ =	shalt  }
0x4e: {  	_ =	shalt  }
0x4f: {  	_ =	shalt  }
0x50: {  	_ =	shalt  }
0x51: {  	_ =	shalt  }
0x52: {  	_ =	shalt  }
0x53: {  	_ =	shalt  }
0x54: {  	_ =	shalt  }
0x55: {  	_ =	shalt  }
0x56: {  	_ =	shalt  }
0x57: {  	_ =	shalt  }
0x58: {  	_ =	shalt  }
0x59: {  	_ =	shalt  }
0x5a: {  	_ =	shalt  }
0x5b: {  	_ =	shalt  }
0x5c: {  	_ =	shalt  }
0x5d: {  	_ =	shalt  }
0x5e: {  	_ =	shalt  }
0x5f: {  	_ =	shalt  }
0x60: {  	_ =	shalt  }
0x61: {  	_ =	shalt  }
0x62: {  	_ =	shalt  }
0x63: {  	_ =	shalt  }
0x64: {  	_ =	shalt  }
0x65: {  	_ =	shalt  }
0x66: {  	_ =	shalt  }
0x67: {  	_ =	shalt  }
0x68: {  	_ =	shalt  }
0x69: {  	_ =	shalt  }
0x6a: {  	_ =	shalt  }
0x6b: {  	_ =	shalt  }
0x6c: {  	_ =	shalt  }
0x6d: {  	_ =	shalt  }
0x6e: {  	_ =	shalt  }
0x6f: {  	_ =	shalt  }
0x70: {  	_ =	shalt  }
0x71: {  	_ =	shalt  }
0x72: {  	_ =	shalt  }
0x73: {  	_ =	shalt  }
0x74: {  	_ =	shalt  }
0x75: {  	_ =	shalt  }
0x76: {  	_ =	shalt  }
0x77: {  	_ =	shalt  }
0x78: {  	_ =	shalt  }
0x79: {  	_ =	shalt  }
0x7a: {  	_ =	shalt  }
0x7b: {  	_ =	shalt  }
0x7c: {  	_ =	shalt  }
0x7d: {  	_ =	shalt  }
0x7e: {  	_ =	shalt  }
0x7f: {  	_ =	shalt  }
0x80: {  	_ =	shalt  }
0x81: {  	_ =	shalt  }
0x82: {  	_ =	shalt  }
0x83: {  	_ =	shalt  }
0x84: {  	_ =	shalt  }
0x85: {  	_ =	shalt  }
0x86: {  	_ =	shalt  }
0x87: {  	_ =	shalt  }
.Lfunc_end0:
.L_simem_size_0:
called_computation.2_lowered:
.L_overlay_start_0:
0x88: {  	s0 =	sld [smem:$0x3FD9]  }
0x89: {  	s1 =	sld [smem:$0x3FFE];
	_ =	sdelay $0x3  }
0x8a: {  	s0 =	sadd.s32 s1, s0  }
0x8b: {  	[smem:$0x3FBD] =	sst s0  }
0x8c: {  	_ = 	snop  }
0x8d: {  	(tm) =	ssettm $0x1  }
0x8e: {  	s15 =	sld [smem:$0x3FFB];
	_ =	sdelay $0x3  }
0x8f: {  	_ =	strace s15  }
0x90: {  	s0 =	sld [smem:$0x3FFC];
	_ =	sdelay $0x3  }
0x91: {  	_ =	strace s0  }
0x92: {  	s0 =	sld [smem:$0x3FFD];
	_ =	sdelay $0x3  }
0x93: {  	_ =	strace s0  }
0x94: {  	_ =	strace $0x8FFFFFFF  }
0x95: {  	s16 =	sld [smem:$0x3FDB];
	_ =	sdelay $0x1  }
0x96: {  	s17 =	simm.s32 $_scs_section_size  }
0x97: {  	s2 =	simm.s32 $_size__tile_overlayer_lowered;
	s3 =	simm.s32 $_tile_overlayer_lowered  }
0x98: {  	s20 =	simm.s32 $0x1BFF;
	s19 =	sshll.u32 s3, $0x1;
	s0 =	sadd.s32 s17, s16  }
0x99: {  	s4 =	simm.s32 $0x0;
	s18 =	sshll.u32 s2, $0x1;
	s2 =	sadd.s32 s19, s0  }
0x9a: {  	[timem:s4], [sflag:s20] =	dma.local [hbm:s2], s18  }
0x9b: {  	_ =	swait.ge [sflag:s20], s18  }
0x9c: {  	s1 =	ssub.s32 $0x0, s18;
	[sflag:s20] =	ssyncset.done $0x0  }
0x9d: {  	[sflag:s20] =	ssyncadd.s32 s1;
	_ =	sdelay $0x1  }
0x9e: {  	s21 =	simm.s32 $0x1B8B  }
0x9f: {  	_ =	swait.ge [sflag:s21], $0x1  }
0xa0: {  	[sflag:s21] =	ssyncset.done $0x0  }
0xa1: {  	s23 =	simm.s32 $0x1B8E;
	s22 =	sld [smem:$0x3FFE];
	[sflag:s21] =	ssyncadd.s32 $0xFFFFFFFF  }
0xa2: {  	s24 =	simm.s32 $execute0_lowered;
	[smem:$0x3FD2] =	sst s23  }
0xa3: {  	s2 =	sshll.u32 s24, $0x1;
	_ =	strace $0x80000049;
	[dreg:$0x1] =	wrdreg $0xFFFFFFFF  }
0xa4: {  	s25 =	simm.s32 $_size_execute0_lowered;
	s0 =	sadd.s32 s0, s2;
	[dreg:$0x0] =	wrdreg $0x0  }
0xa5: {  	s2 =	sshll.u32 s25, $0x1;
	[dreg:$0x2] =	wrdreg s0  }
0xa6: {  	[dreg:$0x3] =	wrdreg s2  }
0xa7: {  	[dreg:$0x4] =	wrdreg $0xC0  }
0xa8: {  	_ =	task [dreg:s4], $0x5FFFF  }
0xa9: {  	[dreg:$0x1] =	wrdreg $0xFFFFFFFF  }
0xaa: {  	[dreg:$0x0] =	wrdreg $0x60  }
0xab: {  	[dreg:$0x2] =	wrdreg s22  }
0xac: {  	[dreg:$0x3] =	wrdreg $0xA  }
0xad: {  	_ =	task.clear_ibuf [dreg:s4], $0x4FFFF;
	_ =	strace $0x90000049  }
0xae: {  	s26 =	simm.s32 $0xA;
	_ =	strace $0x8000004B  }
0xaf: {  	_ =	swait.ge [sflag:s26], $0x1  }
0xb0: {  	[sflag:s26] =	ssyncadd.s32 $0xFFFFFFFF  }
0xb1: {  	_ =	strace $0x9000004B  }
0xb2: {  	_ =	sfence  }
0xb3: {  	s28 =	sld [smem:$0x0];
	_ =	sdelay $0x1  }
0xb4: {  	s29 =	srdreg.scid  }
0xb5: {  	s30 =	sshll.u32 s29, $0xD;
	s31 =	sshrl.u32 s29, $0x2  }
0xb6: {  	s1 =	sand.u32 $0x1, s29;
	s2 =	sand.u32 $0x4000, s30;
	s0 =	sadd.s32 s31, s28  }
0xb7: {  	s1 =	sor.u32 s2, s1;
	s0 =	sshll.u32 s0, $0x11  }
0xb8: {  	s0 =	sor.u32 s0, s1  }
0xb9: {  	s0 =	sadd.s32 $0x8F2B, s0  }
0xba: {  	[sflag:s0] =	ssyncadd.remote.s32 $0x1  }
0xbb: {  	_ =	sfence.sel $0xFFFF  }
0xbc: {  	[dreg:$0x0] =	wrdreg $0xFFFFFFFF;
	(pc) =	sbr.abs _section_cstart, $3  }
0xbd: {  	[dreg:$0x1] =	wrdreg $0xFFFFFFFF  }
0xbe: {  	_ =	task.clear_ibuf [dreg:s4], $0x2FFFF;
	_ =	strace $0x9FFFFFFF  }
0xbf: {  	(tm) =	ssettm $0x7FFFFFFF  }
tec
execute0_lowered:
.L_overlay_start_1:
0x0: {  	(tag) =	ssettag $0x1  }
0x1: {  	s0 =	stileid.u32  }
0x2: {  	s1 =	smin.u32 s0, $0x9  }
0x3: {  	s1 =	sadd.s32 s0, s1  }
0x4: {  	p0 =	slt.u32 s0, $0x9;
	s2 =	smul.u32 $0x50, s1;
	s1 =	simm.s32 $0xA0  }
0x5: {  	s1 =	simm.s32 @!p0 $0x50  }
0x6: {  	s1 =	sadd.s32 s1, s2  }
0x7: {  	s3 =	smin.u32 s1, $0x7D0  }
0x8: {  	s7 =	ssub.s32 s3, s2  }
0x9: {  	p0 =	sgt.s32 s7, $0x0  }
0xa: {  	s7 =	simm.s32 @!p0 $0x0  }
0xb: {  	s31 =	smul.u32 $0xCCCD, s7  }
0xc: {  	s4 =	rddreg [dreg:$0x0];
	s6 =	simm.s32 $0x1  }
0xd: {  	s10 =	simm.s32 $0x3;
	s13 =	simm.s32 $0x0;
	s8 =	sshrl.u32 s31, $0x16  }
0xe: {  	s12 =	simm.s32 $0x0;
	s5 =	sadd.s32 $0xD000, s4;
	s9 =	smul.u32 $0x50, s8  }
.Ltmp0:
0xf: {  	s11 =	smov.u32 s2;
	s1 =	rddreg [dreg:$0x1];
	(pc) =	sbr.rel .LBB2_1-.Ltmp0, $4  }
0x10: {  	_ =	strace $0x8000004A;
	p0 =	sne.s32 s7, s9;
	s9 =	simm.s32 $0x1  }
0x11: {  	[sflag:s6] =	ssyncpa.u1 $0x0;
	s7 =	simm.s32 $0x2;
	s9 =	simm.s32 @!p0 $0x0  }
0x12: {  	[sflag:s7] =	ssyncpa.u1 $0x0;
	p0 =	por $0x0, $0x0;
	s8 =	sadd.s32 s8, s9  }
0x13: {  	v0 =	vimm.s32 $0x0;
	vm0 =	vmmov $0xff;
	vm1 =	vcmask $0x3F20;
	s9 =	sadd.s32 $0x25000, s4;
	[sflag:s10] =	ssyncpa.u1 $0x0;
	s10 =	sadd.s32 $0x1, s8  }
.LBB2_6:
0x14: {  	[hbm:s17] =	stream.linear.scatter [tilespmem:s14], [sflag:$0x3], $0x400, $0x38;
	[tilespmem:$0x50A0] =	vst v63  }
.LBB2_7:
0x15: {  	s13 =	sadd.s32 $0x50, s11  }
0x16: {  	s15 =	smov.u32 s2;
	p2 =	slt.s32 s13, s3  }
0x17: {  	s15 =	smov.u32 @p2 s13;
	p2 =	sne.s32 s12, s10  }
.Ltmp1:
0x18: {  	p1 =	slt.u32 s12, $0x2;
	(pc) =	sbr.rel @!p2 .LBB2_8-.Ltmp1, $4  }
0x19: {  	s14 =	simm.s32 @!p1 $0x3  }
0x1a: {  	s16 =	sadd.s32 $0x1, s12;
	_ =	swait.ge @!p1 [sflag:s14], $0x2800  }
0x1b: {  	p0 =	por !p0, !p0;
	s13 =	smov.u32 s11;
	[sflag:s14] =	ssyncset.done @!p1 $0x0  }
0x1c: {  	s12 =	smov.u32 s16;
	s11 =	smov.u32 s15;
	[sflag:s14] =	ssyncadd.s32 @!p1 $0xFFFFD800  }
.LBB2_1:
0x1d: {  	p1 =	sge.u32 s12, s8  }
0x1e: {  	s14 =	sxor.u32 @!p1 $0xFFFFFFFF, s12  }
0x1f: {  	s14 =	sand.u32 @!p1 $0x1, s14  }
0x20: {  	s14 =	smul.u32 @!p1 $0x140, s14  }
0x21: {  	s31 =	sadd.s32 $0xFFFFFFFF, s12;
	s15 =	sshrl.u32 @!p1 s11, $0x3  }
0x22: {  	s16 =	sand.u32 @!p1 $0x7, s11;
	s15 =	sadd.s32 @!p1 s4, s15;
	s14 =	sshrl.u32 @!p1 s14, $0x2  }
0x23: {  	[tilespmem:s14], [sflag:$0x2] =	stream.linear.gather @!p1 [hbm4b:s15+s16], $0x50, $0x38;
	[tilespmem:$0x50A0] =	vst v63  }
0x24: {  	p1 =	sge.u32 s31, s8  }
.Ltmp2:
0x25: {  	_ = 	snop;
	(pc) =	sbr.rel @p1 .LBB2_7-.Ltmp2, $1  }
0x26: {  	_ =	sdelay $0x3  }
0x27: {  	s14 =	simm.s32 $0x1  }
0x28: {  	s14 =	simm.s32 @!p0 $0x0  }
0x29: {  	s15 =	smul.u32 $0x140, s14  }
0x2a: {  	_ =	swait.ge [sflag:s7], $0x50  }
0x2b: {  	[sflag:s7] =	ssyncset.done $0x0;
	s16 =	sshrl.u32 s15, $0x2  }
0x2c: {  	[sflag:s7] =	ssyncadd.s32 $0xFFFFFFB0;
	s15 =	sadd.s32 $0x0, s16  }
0x2d: {  	v1 =	vld.msk [tilespmem:s15+$0x0 ss:$0x1], $0xffff;
	_ =	sdelay $0x4  }
0x2e: {  	v2 =	vand.u32 $0x1, v1;
	v3 =	vshll.u32 v1, $0x6  }
0x2f: {  	vm2 =	veq.s32 v1, $0x80000000;
	vm3 =	veq.s32 v2, $0x1;
	v1 =	vand.u32 $0x7FF80, v3  }
0x30: {  	v2 =	vsel vm3, $0x60000, v0;
	v1 =	vsel vm2, $0xFFFFFF80, v1  }
0x31: {  	v2 =	vsel vm2, $0xFFFA0000, v2;
	v3 =	vand.u32 $0xFFFFFC00, v1  }
0x32: {  	v1 =	vand.u32 $0x380, v1;
	v2 =	vadd.s32 v2, v3  }
0x33: {  	v1 =	vor.u32 v1, v2  }
0x34: {  	v1 =	vshrl.u32 v1, $0x3  }
0x35: {  	s14 =	smul.u32 $0xA000, s14;
	_ =	sdelay $0x1  }
0x36: {  	s14 =	sshrl.u32 s14, $0x2  }
0x37: {  	s14 =	sor.u32 $0xA0, s14  }
0x38: {  	[tilespmem:s14], [sflag:$0x1] =	stream.indirect_vreg.gather [hbm:s5], $0x80, v1, vm0, $0x38;
	[tilespmem:$0x50A0] =	vst v63  }
0x39: {  	s17 =	sadd.s32 $0x10, s16;
	s15 =	sadd.s32 $0x400, s14  }
0x3a: {  	[tilespmem:s15], [sflag:$0x1] =	stream.indirect_vreg.gather [hbm:s5], $0x80, v1, vm1, $0x38;
	[tilespmem:$0x50A0] =	vst v63  }
0x3b: {  	s18 =	simm.s32 $0x80;
	v1 =	vld.msk [tilespmem:s17+$0x0 ss:$0x1], $0xffff;
	s17 =	smov.u32 s14  }
.LBB2_3:
0x3c: {  	p1 =	sne.s32 s18, $0x100;
	_ =	sdelay $0x4  }
0x3d: {  	v2 =	vand.u32 $0x1, v1;
	v3 =	vshll.u32 v1, $0x6  }
0x3e: {  	vm2 =	veq.s32 v1, $0x80000000;
	vm3 =	veq.s32 v2, $0x1;
	v1 =	vand.u32 $0x7FF80, v3  }
0x3f: {  	v2 =	vsel vm3, $0x60000, v0;
	v1 =	vsel vm2, $0xFFFFFF80, v1  }
0x40: {  	v2 =	vsel vm2, $0xFFFA0000, v2;
	v3 =	vand.u32 $0xFFFFFC00, v1  }
0x41: {  	v1 =	vand.u32 $0x380, v1;
	v2 =	vadd.s32 v2, v3  }
0x42: {  	v1 =	vor.u32 v1, v2  }
0x43: {  	v1 =	vshrl.u32 v1, $0x3;
	_ =	sdelay $0x3  }
.Ltmp3:
0x44: {  	s19 =	sshra.s32 s18, $0x2;
	s17 =	sadd.s32 $0x800, s17;
	(pc) =	sbr.rel @p1 .LBB2_3-.Ltmp3, $4  }
0x45: {  	[tilespmem:s17], [sflag:$0x1] =	stream.indirect_vreg.gather [hbm:s5], $0x80, v1, vm0, $0x38;
	[tilespmem:$0x50A0] =	vst v63  }
0x46: {  	s19 =	sadd.s32 s19, s16;
	s20 =	sadd.s32 $0x400, s17  }
0x47: {  	[tilespmem:s20], [sflag:$0x1] =	stream.indirect_vreg.gather [hbm:s5], $0x80, v1, vm1, $0x38;
	[tilespmem:$0x50A0] =	vst v63  }
0x48: {  	s18 =	sadd.s32 $0x40, s18;
	v1 =	vld.msk [tilespmem:s19+$0x0 ss:$0x1], $0xffff  }
0x49: {  	_ =	sdelay $0x3  }
0x4a: {  	v2 =	vand.u32 $0x1, v1;
	v3 =	vshll.u32 v1, $0x6  }
0x4b: {  	vm2 =	veq.s32 v1, $0x80000000;
	vm3 =	veq.s32 v2, $0x1;
	v1 =	vand.u32 $0x7FF80, v3  }
0x4c: {  	v2 =	vsel vm3, $0x60000, v0;
	v1 =	vsel vm2, $0xFFFFFF80, v1  }
0x4d: {  	v2 =	vsel vm2, $0xFFFA0000, v2;
	v3 =	vand.u32 $0xFFFFFC00, v1  }
0x4e: {  	v1 =	vand.u32 $0x380, v1;
	v2 =	vadd.s32 v2, v3  }
0x4f: {  	v1 =	vor.u32 v1, v2  }
0x50: {  	v1 =	vshrl.u32 v1, $0x3;
	_ =	sdelay $0x3  }
0x51: {  	s16 =	sadd.s32 $0x800, s17  }
0x52: {  	[tilespmem:s16], [sflag:$0x1] =	stream.indirect_vreg.gather [hbm:s5], $0x80, v1, vm0, $0x38;
	[tilespmem:$0x50A0] =	vst v63  }
0x53: {  	s16 =	sadd.s32 $0x400, s16  }
0x54: {  	[tilespmem:s16], [sflag:$0x1] =	stream.indirect_vreg.gather [hbm:s5], $0x80, v1, vm1, $0x38;
	[tilespmem:$0x50A0] =	vst v63  }
0x55: {  	s13 =	sshll.u32 s13, $0x4;
	_ =	swait.ge [sflag:s6], $0x2800  }
0x56: {  	s13 =	sadd.s32 s13, s9;
	[sflag:s6] =	ssyncset.done $0x0  }
0x57: {  	s17 =	sadd.s32 $0x0, s13;
	s16 =	simm.s32 $0x80;
	[sflag:s6] =	ssyncadd.s32 $0xFFFFD800  }
.LBB2_5:
0x58: {  	[hbm:s17] =	stream.linear.scatter [tilespmem:s14], [sflag:$0x3], $0x400, $0x38;
	[tilespmem:$0x50A0] =	vst v63  }
0x59: {  	s17 =	smov.u32 s16;
	s14 =	smov.u32 s15;
	p1 =	sne.s32 s16, $0x480  }
.Ltmp4:
0x5a: {  	s16 =	sadd.s32 $0x80, s16;
	(pc) =	sbr.rel @p1 .LBB2_5-.Ltmp4, $2  }
0x5b: {  	_ =	sdelay $0x2  }
0x5c: {  	s15 =	sadd.s32 $0x400, s15;
	s17 =	sadd.s32 s17, s13  }
.Ltmp5:
0x5d: {  	_ = 	snop;
	(pc) =	sbr.rel .LBB2_6-.Ltmp5, $1  }
0x5e: {  	_ =	sdelay $0x3  }
.LBB2_8:
0x5f: {  	_ =	sfence.sel $0x180000  }
0x60: {  	s2 =	simm.s32 $0x2;
	[bflag:$0x0] =	sbarrier.arrive $0xFFFF  }
0x61: {  	s30 =	simm.s32 $0x3;
	[sflag:s2] =	ssyncpa.u1 $0x1  }
0x62: {  	s31 =	simm.s32 $0x1;
	[sflag:s30] =	ssyncpa.u1 $0x1  }
0x63: {  	[sflag:s31] =	ssyncpa.u1 $0x1  }
0x64: {  	p0 =	sne.s32 s0, $0x0;
	_ =	strace $0x9000004A  }
0x65: {  	s0 =	sadd.s32 @!p0 $0x100000, s1;
	[bflag:$0x2] =	sbarrier.arrive $0xFFFF  }
0x66: {  	[sflag:s0] =	ssyncadd.tile.s32 @!p0 $0x1;
	_ =	shalt  }
.Lfunc_end2:
_tile_overlayer_lowered:
.L_overlay_start_2:
0x67: {  	(tag) =	ssettag $0x2  }
0x68: {  	s0 =	rddreg [dreg:$0x0];
	s2 =	stileid.u32  }
0x69: {  	s1 =	rddreg [dreg:$0x1];
	p0 =	sne.s32 s2, $0x0  }
0x6a: {  	s3 =	rddreg [dreg:$0x2];
	[bflag:$0x3] =	sbarrier.arrive $0xFFFF;
	s2 =	simm.s32 @!p0 $0x1C01  }
0x6b: {  	[timem:s3], [sflag:s2] =	dma.local @!p0 [hbm:s0], s1  }
0x6c: {  	s0 =	simm.s32 @!p0 $0x1  }
0x6d: {  	_ =	swait.ge @!p0 [sflag:s0], s1  }
0x6e: {  	s1 =	ssub.s32 @!p0 $0x0, s1;
	[sflag:s0] =	ssyncset.done @!p0 $0x0  }
0x6f: {  	[sflag:s0] =	ssyncadd.s32 @!p0 s1  }
0x70: {  	[bflag:$0x3] =	sbarrier.arrive $0xFFFF  }
0x71: {  	_ =	shalt  }

// kernel: gather_offload_async_start.3
scs
__scs_entry_jumppad:
0x0: {  	(pc) =	sbr.rel $0x88, $3  }
0x1: {  	(tag) =	ssettag $0x0;
	lr =	simm.s32 $0x1  }
0x2: {  	[smem:$0x3F96] =	sst lr;
	_ =	strace $0xD0000000  }
0x3: {  	_ = 	snop  }
0x4: {  	_ = 	snop  }
0x5: {  	_ = 	snop  }
0x6: {  	_ = 	snop  }
0x7: {  	_ = 	snop  }
__scs_overlays_trampoline_lowered:
0x8: {  	[smem:$0x3FA5] =	sst s0  }
0x9: {  	[smem:$0x3FA6] =	sst s1  }
0xa: {  	[smem:$0x3FA7] =	sst s2  }
0xb: {  	[smem:$0x3FA8] =	sst s3  }
0xc: {  	[smem:$0x3FA9] =	sst s4  }
0xd: {  	[smem:$0x3FAA] =	sst s5  }
0xe: {  	[smem:$0x3FAB] =	sst s6  }
0xf: {  	[smem:$0x3FAC] =	sst s7  }
0x10: {  	[smem:$0x3FAD] =	sst s8  }
0x11: {  	[smem:$0x3FAE] =	sst s9;
	s0 =	simm.s32 @!p0 $0x0  }
0x12: {  	s1 =	sld [smem:$0x3F94];
	s0 =	simm.s32 @p0 $0x1  }
0x13: {  	[smem:$0x3FAF] =	sst s0;
	s0 =	simm.s32 @!p1 $0x0  }
0x14: {  	s2 =	sld [smem:$0x3F93];
	s0 =	simm.s32 @p1 $0x1  }
0x15: {  	[smem:$0x3FB0] =	sst s0;
	s0 =	simm.s32 @!p2 $0x0  }
0x16: {  	s3 =	sld [smem:$0x3FDB];
	s0 =	simm.s32 @p2 $0x1  }
0x17: {  	s4 =	simm.s32 $0x1BF5;
	[smem:$0x3FB2] =	sst s0  }
0x18: {  	s0 =	sld [smem:$0x3F95];
	_ =	swait.ge [sflag:s4], $0x0  }
0x19: {  	s7 =	sld [smem:$0x3F96]  }
0x1a: {  	s8 =	sadd.s32 $0xFFFFE003, lr  }
0x1b: {  	s9 =	sadd.s32 $0xFFFFFEF7, lr;
	s5 =	simm.s32 $0xFFFFFFFF;
	p2 =	slt.u32 s8, $0xFFFFF086  }
0x1c: {  	p1 =	slt.u32 s9, $0xF7A;
	s5 =	simm.s32 @!p2 $0x0  }
0x1d: {  	s5 =	simm.s32 @p1 $0x1;
	p0 =	seq.s32 s7, s2  }
0x1e: {  	s7 =	smul.u32 @!p0 $0xF7A, s2;
	p2 =	seq.s32 @!p0 s5, $0x0  }
0x1f: {  	s9 =	smul.u32 $0xF7A, s1;
	s8 =	simm.s32 @!p0 $0x1BF5;
	p2 =	por !p2, p0  }
0x20: {  	[sflag:s8] =	ssyncset.s32 @!p0 $0xFFFFF086;
	s6 =	sadd.s32 @!p0 s3, s7;
	s7 =	simm.s32 @!p0 $0x108  }
0x21: {  	s3 =	sadd.s32 s3, s9;
	s6 =	sadd.s32 @!p0 $0x88, s6;
	s7 =	simm.s32 @p2 $0x1082  }
0x22: {  	[simem:s7], [sflag:s8] =	dma.local @!p0 [hbm:s6], $0xF7A  }
0x23: {  	s9 =	sor.u32 $0xD0000000, s2;
	s6 =	simm.s32 $0x108;
	_ =	swait.ge @!p0 [sflag:s8], $0x0  }
0x24: {  	s3 =	sadd.s32 $0x88, s3;
	s6 =	simm.s32 @!p1 $0x1082;
	[sflag:s4] =	ssyncset.s32 $0xFFFFF086  }
0x25: {  	[simem:s6], [sflag:s4] =	dma.local [hbm:s3], $0xF7A  }
0x26: {  	[smem:$0x3F96] =	sst s1;
	(tag) =	ssettag s2;
	_ =	strace s9  }
0x27: {  	s1 =	sld [smem:$0x3FA6]  }
0x28: {  	s2 =	sld [smem:$0x3FA7]  }
0x29: {  	s4 =	sld [smem:$0x3FA9]  }
0x2a: {  	p0 =	seq.s32 s5, $0x0;
	s5 =	sld [smem:$0x3FAA]  }
0x2b: {  	s6 =	sld [smem:$0x3FAB]  }
0x2c: {  	s7 =	sld [smem:$0x3FAC]  }
0x2d: {  	s3 =	simm.s32 $0x108;
	s8 =	sld [smem:$0x3FAD]  }
0x2e: {  	s3 =	simm.s32 @!p0 $0x1082;
	s9 =	sld [smem:$0x3FAE]  }
0x2f: {  	lr =	sadd.s32 s0, s3;
	s0 =	sld [smem:$0x3FA5]  }
0x30: {  	s3 =	sld [smem:$0x3FA8]  }
0x31: {  	[smem:$0x3FB1] =	sst s10  }
0x32: {  	s10 =	sld [smem:$0x3FAF];
	_ =	sdelay $0x3  }
0x33: {  	p0 =	seq.s32 s10, $0x1;
	s10 =	sld [smem:$0x3FB1];
	_ =	sdelay $0x3  }
0x34: {  	[smem:$0x3FB1] =	sst s10  }
0x35: {  	s10 =	sld [smem:$0x3FB0];
	_ =	sdelay $0x3  }
0x36: {  	p1 =	seq.s32 s10, $0x1;
	s10 =	sld [smem:$0x3FB1];
	_ =	sdelay $0x3  }
0x37: {  	[smem:$0x3FB1] =	sst s10  }
0x38: {  	s10 =	sld [smem:$0x3FB2]  }
0x39: {  	_ = 	snop;
	(pc) =	sbr.ind lr, $3  }
0x3a: {  	_ = 	snop  }
0x3b: {  	_ = 	snop  }
0x3c: {  	p2 =	seq.s32 s10, $0x1;
	s10 =	sld [smem:$0x3FB1]  }
0x3d: {  	_ =	shalt  }
0x3e: {  	_ =	shalt  }
0x3f: {  	_ =	shalt  }
0x40: {  	_ =	shalt  }
0x41: {  	_ =	shalt  }
0x42: {  	_ =	shalt  }
0x43: {  	_ =	shalt  }
0x44: {  	_ =	shalt  }
0x45: {  	_ =	shalt  }
0x46: {  	_ =	shalt  }
0x47: {  	_ =	shalt  }
0x48: {  	_ =	shalt  }
0x49: {  	_ =	shalt  }
0x4a: {  	_ =	shalt  }
0x4b: {  	_ =	shalt  }
0x4c: {  	_ =	shalt  }
0x4d: {  	_ =	shalt  }
0x4e: {  	_ =	shalt  }
0x4f: {  	_ =	shalt  }
0x50: {  	_ =	shalt  }
0x51: {  	_ =	shalt  }
0x52: {  	_ =	shalt  }
0x53: {  	_ =	shalt  }
0x54: {  	_ =	shalt  }
0x55: {  	_ =	shalt  }
0x56: {  	_ =	shalt  }
0x57: {  	_ =	shalt  }
0x58: {  	_ =	shalt  }
0x59: {  	_ =	shalt  }
0x5a: {  	_ =	shalt  }
0x5b: {  	_ =	shalt  }
0x5c: {  	_ =	shalt  }
0x5d: {  	_ =	shalt  }
0x5e: {  	_ =	shalt  }
0x5f: {  	_ =	shalt  }
0x60: {  	_ =	shalt  }
0x61: {  	_ =	shalt  }
0x62: {  	_ =	shalt  }
0x63: {  	_ =	shalt  }
0x64: {  	_ =	shalt  }
0x65: {  	_ =	shalt  }
0x66: {  	_ =	shalt  }
0x67: {  	_ =	shalt  }
0x68: {  	_ =	shalt  }
0x69: {  	_ =	shalt  }
0x6a: {  	_ =	shalt  }
0x6b: {  	_ =	shalt  }
0x6c: {  	_ =	shalt  }
0x6d: {  	_ =	shalt  }
0x6e: {  	_ =	shalt  }
0x6f: {  	_ =	shalt  }
0x70: {  	_ =	shalt  }
0x71: {  	_ =	shalt  }
0x72: {  	_ =	shalt  }
0x73: {  	_ =	shalt  }
0x74: {  	_ =	shalt  }
0x75: {  	_ =	shalt  }
0x76: {  	_ =	shalt  }
0x77: {  	_ =	shalt  }
0x78: {  	_ =	shalt  }
0x79: {  	_ =	shalt  }
0x7a: {  	_ =	shalt  }
0x7b: {  	_ =	shalt  }
0x7c: {  	_ =	shalt  }
0x7d: {  	_ =	shalt  }
0x7e: {  	_ =	shalt  }
0x7f: {  	_ =	shalt  }
0x80: {  	_ =	shalt  }
0x81: {  	_ =	shalt  }
0x82: {  	_ =	shalt  }
0x83: {  	_ =	shalt  }
0x84: {  	_ =	shalt  }
0x85: {  	_ =	shalt  }
0x86: {  	_ =	shalt  }
0x87: {  	_ =	shalt  }
.Lfunc_end0:
.L_simem_size_0:
called_computation.3_lowered:
.L_overlay_start_0:
0x88: {  	s2 =	sld [smem:$0x3FD9]  }
0x89: {  	s3 =	sld [smem:$0x3FFE];
	_ =	sdelay $0x1  }
0x8a: {  	s1 =	srdreg.scid  }
0x8b: {  	s0 =	sand.u32 $0x1, s1  }
0x8c: {  	s16 =	sshll.u32 s0, $0xA;
	s2 =	sadd.s32 s3, s2  }
0x8d: {  	s2 =	sadd.s32 s2, s16  }
0x8e: {  	[smem:$0x3FBD] =	sst s2  }
0x8f: {  	_ = 	snop  }
0x90: {  	(tm) =	ssettm $0x1  }
0x91: {  	s17 =	sld [smem:$0x3FFB];
	_ =	sdelay $0x3  }
0x92: {  	_ =	strace s17  }
0x93: {  	s2 =	sld [smem:$0x3FFC];
	_ =	sdelay $0x3  }
0x94: {  	_ =	strace s2  }
0x95: {  	s2 =	sld [smem:$0x3FFD];
	_ =	sdelay $0x3  }
0x96: {  	_ =	strace s2  }
0x97: {  	_ =	strace $0x8FFFFFFF  }
0x98: {  	s18 =	sld [smem:$0x3FDB];
	_ =	sdelay $0x1  }
0x99: {  	s19 =	simm.s32 $_scs_section_size  }
0x9a: {  	s4 =	simm.s32 $_size__tile_overlayer_lowered;
	s5 =	simm.s32 $_tile_overlayer_lowered  }
0x9b: {  	s22 =	simm.s32 $0x1BFF;
	s21 =	sshll.u32 s5, $0x1;
	s2 =	sadd.s32 s19, s18  }
0x9c: {  	s6 =	simm.s32 $0x0;
	s20 =	sshll.u32 s4, $0x1;
	s4 =	sadd.s32 s21, s2  }
0x9d: {  	[timem:s6], [sflag:s22] =	dma.local [hbm:s4], s20  }
0x9e: {  	_ =	swait.ge [sflag:s22], s20  }
0x9f: {  	s3 =	ssub.s32 $0x0, s20;
	[sflag:s22] =	ssyncset.done $0x0  }
0xa0: {  	[sflag:s22] =	ssyncadd.s32 s3;
	_ =	sdelay $0x1  }
0xa1: {  	s23 =	simm.s32 $0x1B8B  }
0xa2: {  	_ =	swait.ge [sflag:s23], $0x1  }
0xa3: {  	[sflag:s23] =	ssyncset.done $0x0  }
0xa4: {  	s25 =	simm.s32 $0x1B8E;
	s24 =	sld [smem:$0x3FFE];
	[sflag:s23] =	ssyncadd.s32 $0xFFFFFFFF  }
0xa5: {  	s26 =	simm.s32 $execute0_lowered;
	[smem:$0x3FD2] =	sst s25  }
0xa6: {  	s4 =	sshll.u32 s26, $0x1;
	_ =	strace $0x80000046;
	[dreg:$0x1] =	wrdreg $0xFFFFFFFF  }
0xa7: {  	s28 =	simm.s32 $_size_execute0_lowered;
	s2 =	sadd.s32 s2, s4;
	[dreg:$0x0] =	wrdreg $0x0  }
0xa8: {  	s4 =	sshll.u32 s28, $0x1;
	[dreg:$0x2] =	wrdreg s2  }
0xa9: {  	[dreg:$0x3] =	wrdreg s4  }
0xaa: {  	[dreg:$0x4] =	wrdreg $0xC0  }
0xab: {  	_ =	task [dreg:s6], $0x5FFFF  }
0xac: {  	[dreg:$0x1] =	wrdreg $0xFFFFFFFF  }
0xad: {  	[dreg:$0x0] =	wrdreg $0x60  }
0xae: {  	[dreg:$0x2] =	wrdreg s24  }
0xaf: {  	[dreg:$0x3] =	wrdreg $0xB  }
0xb0: {  	_ =	task.clear_ibuf [dreg:s6], $0x4FFFF;
	_ =	strace $0x90000046  }
0xb1: {  	s29 =	simm.s32 $0xB;
	_ =	strace $0x80000048  }
0xb2: {  	_ =	swait.ge [sflag:s29], $0x1  }
0xb3: {  	[sflag:s29] =	ssyncadd.s32 $0xFFFFFFFF  }
0xb4: {  	_ =	strace $0x90000048  }
0xb5: {  	_ =	sfence  }
0xb6: {  	s30 =	sld [smem:$0x0];
	_ =	sdelay $0x2  }
0xb7: {  	s31 =	sshll.u32 s1, $0xD;
	s1 =	sshrl.u32 s1, $0x2  }
0xb8: {  	s3 =	sand.u32 $0x4000, s31;
	s1 =	sadd.s32 s1, s30  }
0xb9: {  	s0 =	sor.u32 s3, s0;
	s1 =	sshll.u32 s1, $0x11  }
0xba: {  	s0 =	sor.u32 s1, s0  }
0xbb: {  	s0 =	sadd.s32 $0x8F2B, s0  }
0xbc: {  	[sflag:s0] =	ssyncadd.remote.s32 $0x1  }
0xbd: {  	_ =	sfence.sel $0xFFFF  }
0xbe: {  	[dreg:$0x0] =	wrdreg $0xFFFFFFFF;
	(pc) =	sbr.abs _section_cstart, $3  }
0xbf: {  	[dreg:$0x1] =	wrdreg $0xFFFFFFFF  }
0xc0: {  	_ =	task.clear_ibuf [dreg:s6], $0x2FFFF;
	_ =	strace $0x9FFFFFFF  }
0xc1: {  	(tm) =	ssettm $0x7FFFFFFF  }
tec
execute0_lowered:
.L_overlay_start_1:
0x0: {  	(tag) =	ssettag $0x1  }
0x1: {  	s7 =	rddreg [dreg:$0x0]  }
0x2: {  	s1 =	srdreg.scid;
	s0 =	rddreg [dreg:$0x1]  }
0x3: {  	_ =	strace $0x80000047;
	s3 =	simm.s32 $0x1;
	s5 =	simm.s32 $0x2  }
0x4: {  	s9 =	simm.s32 $0x3;
	s12 =	simm.s32 $0x0;
	s2 =	sshll.u32 s1, $0x4  }
.Ltmp0:
0x5: {  	s1 =	stileid.u32;
	s4 =	sand.u32 $0x10, s2;
	(pc) =	sbr.rel .LBB2_1-.Ltmp0, $4  }
0x6: {  	s10 =	simm.s32 $0x0;
	[sflag:s3] =	ssyncpa.u1 $0x0;
	s4 =	sor.u32 s1, s4  }
0x7: {  	s6 =	sadd.s32 $0x400, s7;
	[sflag:s5] =	ssyncpa.u1 $0x0;
	s4 =	smul.u32 $0x30, s4  }
0x8: {  	s2 =	sadd.s32 $0x14D000, s7;
	s7 =	sadd.s32 $0xA00, s7;
	[sflag:s9] =	ssyncpa.u1 $0x0  }
0x9: {  	v0 =	vimm.s32 $0x0;
	vm0 =	vmmov $0xff;
	vm1 =	vcmask $0x3F20;
	s9 =	simm.s32 $0x30;
	s8 =	sadd.s32 $0x30, s4;
	s11 =	smov.u32 s4  }
.LBB2_10:
0xa: {  	s12 =	sshrl.u32 s11, $0x3  }
0xb: {  	s13 =	sand.u32 $0x7, s11;
	s12 =	sadd.s32 s6, s12  }
0xc: {  	[tilespmem:s9], [sflag:$0x2] =	stream.linear.gather [hbm4b:s12+s13], $0x30, $0x38;
	[tilespmem:$0x3060] =	vst v63  }
.LBB2_8:
0xd: {  	s12 =	sadd.s32 $0x30, s11  }
0xe: {  	s13 =	smov.u32 s4;
	p0 =	slt.s32 s12, s8  }
0xf: {  	s13 =	smov.u32 @p0 s12  }
0x10: {  	s10 =	sadd.s32 $0x1, s10;
	s12 =	smov.u32 s11;
	s11 =	smov.u32 s13  }
.LBB2_1:
0x11: {  	p0 =	seq.s32 s10, $0x0  }
.Ltmp1:
0x12: {  	_ = 	snop;
	(pc) =	sbr.rel @p0 .LBB2_10-.Ltmp1, $1  }
0x13: {  	_ =	sdelay $0x3  }
0x14: {  	p0 =	seq.s32 s10, $0x1  }
.Ltmp2:
0x15: {  	_ = 	snop;
	(pc) =	sbr.rel @!p0 .LBB2_9-.Ltmp2, $1  }
0x16: {  	_ =	sdelay $0x3  }
0x17: {  	_ =	swait.ge [sflag:s5], $0x30  }
0x18: {  	[sflag:s5] =	ssyncset.done $0x0  }
0x19: {  	s13 =	simm.s32 $0x0;
	[sflag:s5] =	ssyncadd.s32 $0xFFFFFFD0  }
0x1a: {  	v1 =	vld.msk [tilespmem:s13+$0x30 ss:$0x1], $0xffff;
	_ =	sdelay $0x4  }
0x1b: {  	v2 =	vand.u32 $0x1, v1;
	v3 =	vshll.u32 v1, $0x6  }
0x1c: {  	vm2 =	veq.s32 v1, $0x80000000;
	vm3 =	veq.s32 v2, $0x1;
	v1 =	vand.u32 $0x1FF80, v3  }
0x1d: {  	v2 =	vsel vm3, $0x18000, v0;
	v1 =	vsel vm2, $0xFFFFFF80, v1  }
0x1e: {  	v2 =	vsel vm2, $0xFFFE8000, v2;
	v3 =	vand.u32 $0xFFFFFC00, v1  }
0x1f: {  	v1 =	vand.u32 $0x380, v1;
	v2 =	vadd.s32 v2, v3  }
0x20: {  	v1 =	vor.u32 v1, v2  }
0x21: {  	v1 =	vshrl.u32 v1, $0x3;
	_ =	sdelay $0x2  }
0x22: {  	s31 =	simm.s32 $0x1860  }
0x23: {  	s15 =	simm.s32 $0x1C60;
	s14 =	simm.s32 $0x2060;
	s13 =	simm.s32 $0x40  }
0x24: {  	[tilespmem:s31], [sflag:$0x1] =	stream.indirect_vreg.gather [hbm:s2], $0x80, v1, vm0, $0x38;
	[tilespmem:$0x3060] =	vst v63  }
.LBB2_4:
0x25: {  	[tilespmem:s15], [sflag:$0x1] =	stream.indirect_vreg.gather [hbm:s2], $0x80, v1, vm1, $0x38;
	[tilespmem:$0x3060] =	vst v63  }
0x26: {  	s15 =	sshra.s32 s13, $0x2;
	p0 =	sne.s32 s13, $0x80;
	s13 =	sadd.s32 $0x40, s13  }
0x27: {  	v1 =	vld.msk [tilespmem:s15+$0x30 ss:$0x1], $0xffff;
	_ =	sdelay $0x5  }
0x28: {  	v2 =	vand.u32 $0x1, v1;
	v3 =	vshll.u32 v1, $0x6  }
0x29: {  	vm2 =	veq.s32 v1, $0x80000000;
	vm3 =	veq.s32 v2, $0x1;
	v1 =	vand.u32 $0x1FF80, v3  }
0x2a: {  	v2 =	vsel vm3, $0x18000, v0;
	v1 =	vsel vm2, $0xFFFFFF80, v1  }
0x2b: {  	v2 =	vsel vm2, $0xFFFE8000, v2;
	v3 =	vand.u32 $0xFFFFFC00, v1  }
0x2c: {  	v1 =	vand.u32 $0x380, v1;
	v2 =	vadd.s32 v2, v3  }
0x2d: {  	v1 =	vor.u32 v1, v2  }
0x2e: {  	v1 =	vshrl.u32 v1, $0x3;
	_ =	sdelay $0x1  }
.Ltmp3:
0x2f: {  	(pc) =	sbr.rel @p0 .LBB2_4-.Ltmp3, $3  }
0x30: {  	_ =	sdelay $0x1  }
0x31: {  	[tilespmem:s14], [sflag:$0x1] =	stream.indirect_vreg.gather [hbm:s2], $0x80, v1, vm0, $0x38;
	[tilespmem:$0x3060] =	vst v63  }
0x32: {  	s15 =	sadd.s32 $0x400, s14;
	s14 =	sadd.s32 $0x800, s14  }
0x33: {  	_ =	sdelay $0x3  }
0x34: {  	[tilespmem:s15], [sflag:$0x1] =	stream.indirect_vreg.gather [hbm:s2], $0x80, v1, vm1, $0x38;
	[tilespmem:$0x3060] =	vst v63  }
0x35: {  	s12 =	sshll.u32 s12, $0x4;
	s13 =	simm.s32 $0x1860;
	_ =	swait.ge [sflag:s3], $0x1800  }
0x36: {  	s14 =	simm.s32 $0x80;
	s12 =	sadd.s32 s12, s7;
	[sflag:s3] =	ssyncset.done $0x0  }
0x37: {  	s15 =	simm.s32 $0x1C60;
	s16 =	sadd.s32 $0x0, s12;
	[sflag:s3] =	ssyncadd.s32 $0xFFFFE800  }
.LBB2_6:
0x38: {  	[hbm:s16] =	stream.linear.scatter [tilespmem:s13], [sflag:$0x3], $0x400, $0x38;
	[tilespmem:$0x3060] =	vst v63  }
0x39: {  	s16 =	smov.u32 s14;
	s13 =	smov.u32 s15;
	p0 =	seq.s32 s14, $0x280  }
.Ltmp4:
0x3a: {  	s14 =	sadd.s32 $0x80, s14;
	(pc) =	sbr.rel @!p0 .LBB2_6-.Ltmp4, $2  }
0x3b: {  	_ =	sdelay $0x2  }
0x3c: {  	s15 =	sadd.s32 $0x400, s15;
	s16 =	sadd.s32 s16, s12  }
.Ltmp5:
0x3d: {  	(pc) =	sbr.rel .LBB2_8-.Ltmp5, $2  }
0x3e: {  	_ =	sdelay $0x2  }
0x3f: {  	[hbm:s16] =	stream.linear.scatter [tilespmem:s13], [sflag:$0x3], $0x400, $0x38;
	[tilespmem:$0x3060] =	vst v63  }
.LBB2_9:
0x40: {  	s2 =	simm.s32 $0x3  }
0x41: {  	_ =	swait.ge [sflag:s2], $0x1800  }
0x42: {  	[sflag:s2] =	ssyncset.done $0x0  }
0x43: {  	[sflag:s2] =	ssyncadd.s32 $0xFFFFE800  }
0x44: {  	_ =	sfence.sel $0x180000  }
0x45: {  	s3 =	simm.s32 $0x2;
	[bflag:$0x0] =	sbarrier.arrive $0xFFFF  }
0x46: {  	[sflag:s3] =	ssyncpa.u1 $0x1  }
0x47: {  	s31 =	simm.s32 $0x1;
	[sflag:s2] =	ssyncpa.u1 $0x1  }
0x48: {  	[sflag:s31] =	ssyncpa.u1 $0x1  }
0x49: {  	p0 =	sne.s32 s1, $0x0;
	_ =	strace $0x90000047  }
0x4a: {  	s0 =	sadd.s32 @!p0 $0x100000, s0;
	[bflag:$0x2] =	sbarrier.arrive $0xFFFF  }
0x4b: {  	[sflag:s0] =	ssyncadd.tile.s32 @!p0 $0x1;
	_ =	shalt  }
.Lfunc_end2:
_tile_overlayer_lowered:
.L_overlay_start_2:
0x4c: {  	(tag) =	ssettag $0x2  }
0x4d: {  	s0 =	rddreg [dreg:$0x0];
	s2 =	stileid.u32  }
0x4e: {  	s1 =	rddreg [dreg:$0x1];
	p0 =	sne.s32 s2, $0x0  }
0x4f: {  	s3 =	rddreg [dreg:$0x2];
	[bflag:$0x3] =	sbarrier.arrive $0xFFFF;
	s2 =	simm.s32 @!p0 $0x1C01  }
0x50: {  	[timem:s3], [sflag:s2] =	dma.local @!p0 [hbm:s0], s1  }
0x51: {  	s0 =	simm.s32 @!p0 $0x1  }
0x52: {  	_ =	swait.ge @!p0 [sflag:s0], s1  }
0x53: {  	s1 =	ssub.s32 @!p0 $0x0, s1;
	[sflag:s0] =	ssyncset.done @!p0 $0x0  }
0x54: {  	[sflag:s0] =	ssyncadd.s32 @!p0 s1  }
0x55: {  	[bflag:$0x3] =	sbarrier.arrive $0xFFFF  }
0x56: {  	_ =	shalt  }

// kernel: gather_offload_async_start.4
scs
__scs_entry_jumppad:
0x0: {  	(pc) =	sbr.rel $0x88, $3  }
0x1: {  	(tag) =	ssettag $0x0;
	lr =	simm.s32 $0x1  }
0x2: {  	[smem:$0x3F96] =	sst lr;
	_ =	strace $0xD0000000  }
0x3: {  	_ = 	snop  }
0x4: {  	_ = 	snop  }
0x5: {  	_ = 	snop  }
0x6: {  	_ = 	snop  }
0x7: {  	_ = 	snop  }
__scs_overlays_trampoline_lowered:
0x8: {  	[smem:$0x3FA5] =	sst s0  }
0x9: {  	[smem:$0x3FA6] =	sst s1  }
0xa: {  	[smem:$0x3FA7] =	sst s2  }
0xb: {  	[smem:$0x3FA8] =	sst s3  }
0xc: {  	[smem:$0x3FA9] =	sst s4  }
0xd: {  	[smem:$0x3FAA] =	sst s5  }
0xe: {  	[smem:$0x3FAB] =	sst s6  }
0xf: {  	[smem:$0x3FAC] =	sst s7  }
0x10: {  	[smem:$0x3FAD] =	sst s8  }
0x11: {  	[smem:$0x3FAE] =	sst s9;
	s0 =	simm.s32 @!p0 $0x0  }
0x12: {  	s1 =	sld [smem:$0x3F94];
	s0 =	simm.s32 @p0 $0x1  }
0x13: {  	[smem:$0x3FAF] =	sst s0;
	s0 =	simm.s32 @!p1 $0x0  }
0x14: {  	s2 =	sld [smem:$0x3F93];
	s0 =	simm.s32 @p1 $0x1  }
0x15: {  	[smem:$0x3FB0] =	sst s0;
	s0 =	simm.s32 @!p2 $0x0  }
0x16: {  	s3 =	sld [smem:$0x3FDB];
	s0 =	simm.s32 @p2 $0x1  }
0x17: {  	s4 =	simm.s32 $0x1BF5;
	[smem:$0x3FB2] =	sst s0  }
0x18: {  	s0 =	sld [smem:$0x3F95];
	_ =	swait.ge [sflag:s4], $0x0  }
0x19: {  	s7 =	sld [smem:$0x3F96]  }
0x1a: {  	s8 =	sadd.s32 $0xFFFFE003, lr  }
0x1b: {  	s9 =	sadd.s32 $0xFFFFFEF7, lr;
	s5 =	simm.s32 $0xFFFFFFFF;
	p2 =	slt.u32 s8, $0xFFFFF086  }
0x1c: {  	p1 =	slt.u32 s9, $0xF7A;
	s5 =	simm.s32 @!p2 $0x0  }
0x1d: {  	s5 =	simm.s32 @p1 $0x1;
	p0 =	seq.s32 s7, s2  }
0x1e: {  	s7 =	smul.u32 @!p0 $0xF7A, s2;
	p2 =	seq.s32 @!p0 s5, $0x0  }
0x1f: {  	s9 =	smul.u32 $0xF7A, s1;
	s8 =	simm.s32 @!p0 $0x1BF5;
	p2 =	por !p2, p0  }
0x20: {  	[sflag:s8] =	ssyncset.s32 @!p0 $0xFFFFF086;
	s6 =	sadd.s32 @!p0 s3, s7;
	s7 =	simm.s32 @!p0 $0x108  }
0x21: {  	s3 =	sadd.s32 s3, s9;
	s6 =	sadd.s32 @!p0 $0x88, s6;
	s7 =	simm.s32 @p2 $0x1082  }
0x22: {  	[simem:s7], [sflag:s8] =	dma.local @!p0 [hbm:s6], $0xF7A  }
0x23: {  	s9 =	sor.u32 $0xD0000000, s2;
	s6 =	simm.s32 $0x108;
	_ =	swait.ge @!p0 [sflag:s8], $0x0  }
0x24: {  	s3 =	sadd.s32 $0x88, s3;
	s6 =	simm.s32 @!p1 $0x1082;
	[sflag:s4] =	ssyncset.s32 $0xFFFFF086  }
0x25: {  	[simem:s6], [sflag:s4] =	dma.local [hbm:s3], $0xF7A  }
0x26: {  	[smem:$0x3F96] =	sst s1;
	(tag) =	ssettag s2;
	_ =	strace s9  }
0x27: {  	s1 =	sld [smem:$0x3FA6]  }
0x28: {  	s2 =	sld [smem:$0x3FA7]  }
0x29: {  	s4 =	sld [smem:$0x3FA9]  }
0x2a: {  	p0 =	seq.s32 s5, $0x0;
	s5 =	sld [smem:$0x3FAA]  }
0x2b: {  	s6 =	sld [smem:$0x3FAB]  }
0x2c: {  	s7 =	sld [smem:$0x3FAC]  }
0x2d: {  	s3 =	simm.s32 $0x108;
	s8 =	sld [smem:$0x3FAD]  }
0x2e: {  	s3 =	simm.s32 @!p0 $0x1082;
	s9 =	sld [smem:$0x3FAE]  }
0x2f: {  	lr =	sadd.s32 s0, s3;
	s0 =	sld [smem:$0x3FA5]  }
0x30: {  	s3 =	sld [smem:$0x3FA8]  }
0x31: {  	[smem:$0x3FB1] =	sst s10  }
0x32: {  	s10 =	sld [smem:$0x3FAF];
	_ =	sdelay $0x3  }
0x33: {  	p0 =	seq.s32 s10, $0x1;
	s10 =	sld [smem:$0x3FB1];
	_ =	sdelay $0x3  }
0x34: {  	[smem:$0x3FB1] =	sst s10  }
0x35: {  	s10 =	sld [smem:$0x3FB0];
	_ =	sdelay $0x3  }
0x36: {  	p1 =	seq.s32 s10, $0x1;
	s10 =	sld [smem:$0x3FB1];
	_ =	sdelay $0x3  }
0x37: {  	[smem:$0x3FB1] =	sst s10  }
0x38: {  	s10 =	sld [smem:$0x3FB2]  }
0x39: {  	_ = 	snop;
	(pc) =	sbr.ind lr, $3  }
0x3a: {  	_ = 	snop  }
0x3b: {  	_ = 	snop  }
0x3c: {  	p2 =	seq.s32 s10, $0x1;
	s10 =	sld [smem:$0x3FB1]  }
0x3d: {  	_ =	shalt  }
0x3e: {  	_ =	shalt  }
0x3f: {  	_ =	shalt  }
0x40: {  	_ =	shalt  }
0x41: {  	_ =	shalt  }
0x42: {  	_ =	shalt  }
0x43: {  	_ =	shalt  }
0x44: {  	_ =	shalt  }
0x45: {  	_ =	shalt  }
0x46: {  	_ =	shalt  }
0x47: {  	_ =	shalt  }
0x48: {  	_ =	shalt  }
0x49: {  	_ =	shalt  }
0x4a: {  	_ =	shalt  }
0x4b: {  	_ =	shalt  }
0x4c: {  	_ =	shalt  }
0x4d: {  	_ =	shalt  }
0x4e: {  	_ =	shalt  }
0x4f: {  	_ =	shalt  }
0x50: {  	_ =	shalt  }
0x51: {  	_ =	shalt  }
0x52: {  	_ =	shalt  }
0x53: {  	_ =	shalt  }
0x54: {  	_ =	shalt  }
0x55: {  	_ =	shalt  }
0x56: {  	_ =	shalt  }
0x57: {  	_ =	shalt  }
0x58: {  	_ =	shalt  }
0x59: {  	_ =	shalt  }
0x5a: {  	_ =	shalt  }
0x5b: {  	_ =	shalt  }
0x5c: {  	_ =	shalt  }
0x5d: {  	_ =	shalt  }
0x5e: {  	_ =	shalt  }
0x5f: {  	_ =	shalt  }
0x60: {  	_ =	shalt  }
0x61: {  	_ =	shalt  }
0x62: {  	_ =	shalt  }
0x63: {  	_ =	shalt  }
0x64: {  	_ =	shalt  }
0x65: {  	_ =	shalt  }
0x66: {  	_ =	shalt  }
0x67: {  	_ =	shalt  }
0x68: {  	_ =	shalt  }
0x69: {  	_ =	shalt  }
0x6a: {  	_ =	shalt  }
0x6b: {  	_ =	shalt  }
0x6c: {  	_ =	shalt  }
0x6d: {  	_ =	shalt  }
0x6e: {  	_ =	shalt  }
0x6f: {  	_ =	shalt  }
0x70: {  	_ =	shalt  }
0x71: {  	_ =	shalt  }
0x72: {  	_ =	shalt  }
0x73: {  	_ =	shalt  }
0x74: {  	_ =	shalt  }
0x75: {  	_ =	shalt  }
0x76: {  	_ =	shalt  }
0x77: {  	_ =	shalt  }
0x78: {  	_ =	shalt  }
0x79: {  	_ =	shalt  }
0x7a: {  	_ =	shalt  }
0x7b: {  	_ =	shalt  }
0x7c: {  	_ =	shalt  }
0x7d: {  	_ =	shalt  }
0x7e: {  	_ =	shalt  }
0x7f: {  	_ =	shalt  }
0x80: {  	_ =	shalt  }
0x81: {  	_ =	shalt  }
0x82: {  	_ =	shalt  }
0x83: {  	_ =	shalt  }
0x84: {  	_ =	shalt  }
0x85: {  	_ =	shalt  }
0x86: {  	_ =	shalt  }
0x87: {  	_ =	shalt  }
.Lfunc_end0:
.L_simem_size_0:
called_computation.4_lowered:
.L_overlay_start_0:
0x88: {  	s2 =	sld [smem:$0x3FD9]  }
0x89: {  	s3 =	sld [smem:$0x3FFE];
	_ =	sdelay $0x1  }
0x8a: {  	s1 =	srdreg.scid  }
0x8b: {  	s0 =	sand.u32 $0x1, s1  }
0x8c: {  	s14 =	sshll.u32 s0, $0xA;
	s2 =	sadd.s32 s3, s2  }
0x8d: {  	s2 =	sadd.s32 s2, s14  }
0x8e: {  	[smem:$0x3FBD] =	sst s2  }
0x8f: {  	_ = 	snop  }
0x90: {  	s2 =	sld [smem:$0x3FD0];
	_ =	sdelay $0x2  }
0x91: {  	s15 =	simm.s32 $0xC;
	s4 =	simm.s32 $0x10  }
0x92: {  	[smem:s4], [sflag:s15] =	dma.local [hbm:s2], $0x1  }
0x93: {  	_ =	swait.eq [sflag:s15], $0x1  }
0x94: {  	[sflag:s15] =	ssyncset.done $0x0  }
0x95: {  	[sflag:s15] =	ssyncadd.s32 $0xFFFFFFFF  }
0x96: {  	s16 =	sld [smem:$0x10];
	(tm) =	ssettm $0x1  }
0x97: {  	s17 =	sld [smem:$0x3FFB];
	_ =	sdelay $0x3  }
0x98: {  	_ =	strace s17  }
0x99: {  	s3 =	sld [smem:$0x3FFC];
	_ =	sdelay $0x3  }
0x9a: {  	_ =	strace s3  }
0x9b: {  	s3 =	sld [smem:$0x3FFD];
	_ =	sdelay $0x3  }
0x9c: {  	_ =	strace s3  }
0x9d: {  	_ =	strace $0x8FFFFFFF  }
0x9e: {  	s18 =	sld [smem:$0x3FDB];
	_ =	sdelay $0x1  }
0x9f: {  	s19 =	simm.s32 $_scs_section_size  }
0xa0: {  	s5 =	simm.s32 $_size__tile_overlayer_lowered;
	s6 =	simm.s32 $_tile_overlayer_lowered  }
0xa1: {  	s22 =	simm.s32 $0x1BFF;
	s21 =	sshll.u32 s6, $0x1;
	s3 =	sadd.s32 s19, s18  }
0xa2: {  	s7 =	simm.s32 $0x0;
	s20 =	sshll.u32 s5, $0x1;
	s5 =	sadd.s32 s21, s3  }
0xa3: {  	[timem:s7], [sflag:s22] =	dma.local [hbm:s5], s20  }
0xa4: {  	_ =	swait.ge [sflag:s22], s20  }
0xa5: {  	s4 =	ssub.s32 $0x0, s20;
	[sflag:s22] =	ssyncset.done $0x0  }
0xa6: {  	[sflag:s22] =	ssyncadd.s32 s4;
	_ =	sdelay $0x1  }
0xa7: {  	s23 =	simm.s32 $0x1B8B  }
0xa8: {  	_ =	swait.ge [sflag:s23], $0x1  }
0xa9: {  	[sflag:s23] =	ssyncset.done $0x0  }
0xaa: {  	s25 =	simm.s32 $0x1B8E;
	s24 =	sld [smem:$0x3FFE];
	[sflag:s23] =	ssyncadd.s32 $0xFFFFFFFF  }
0xab: {  	s26 =	simm.s32 $execute0_lowered;
	[smem:$0x3FD2] =	sst s25  }
0xac: {  	s5 =	sshll.u32 s26, $0x1;
	_ =	strace $0x80000052;
	[dreg:$0x1] =	wrdreg $0xFFFFFFFF  }
0xad: {  	s28 =	simm.s32 $_size_execute0_lowered;
	s3 =	sadd.s32 s3, s5;
	[dreg:$0x0] =	wrdreg $0x0  }
0xae: {  	s5 =	sshll.u32 s28, $0x1;
	[dreg:$0x2] =	wrdreg s3  }
0xaf: {  	[dreg:$0x3] =	wrdreg s5  }
0xb0: {  	[dreg:$0x4] =	wrdreg $0xC0  }
0xb1: {  	_ =	task [dreg:s7], $0x5FFFF  }
0xb2: {  	[dreg:$0x1] =	wrdreg $0xFFFFFFFF  }
0xb3: {  	[dreg:$0x0] =	wrdreg $0x60  }
0xb4: {  	[dreg:$0x2] =	wrdreg s16  }
0xb5: {  	[dreg:$0x3] =	wrdreg s24  }
0xb6: {  	[dreg:$0x4] =	wrdreg $0xA  }
0xb7: {  	_ =	task.clear_ibuf [dreg:s7], $0x5FFFF;
	_ =	strace $0x90000052  }
0xb8: {  	s29 =	simm.s32 $0xA;
	_ =	strace $0x80000054  }
0xb9: {  	_ =	swait.ge [sflag:s29], $0x1  }
0xba: {  	[sflag:s29] =	ssyncadd.s32 $0xFFFFFFFF  }
0xbb: {  	_ =	strace $0x90000054  }
0xbc: {  	_ =	sfence  }
0xbd: {  	s30 =	sld [smem:$0x0];
	_ =	sdelay $0x2  }
0xbe: {  	s31 =	sshll.u32 s1, $0xD;
	s1 =	sshrl.u32 s1, $0x2  }
0xbf: {  	s3 =	sand.u32 $0x4000, s31;
	s1 =	sadd.s32 s1, s30  }
0xc0: {  	s0 =	sor.u32 s3, s0;
	s1 =	sshll.u32 s1, $0x11  }
0xc1: {  	s0 =	sor.u32 s1, s0  }
0xc2: {  	s0 =	sadd.s32 $0x8F2B, s0  }
0xc3: {  	[sflag:s0] =	ssyncadd.remote.s32 $0x1  }
0xc4: {  	_ =	sfence.sel $0xFFFF  }
0xc5: {  	[dreg:$0x0] =	wrdreg $0xFFFFFFFF;
	(pc) =	sbr.abs _section_cstart, $3  }
0xc6: {  	[dreg:$0x1] =	wrdreg $0xFFFFFFFF  }
0xc7: {  	_ =	task.clear_ibuf [dreg:s7], $0x2FFFF;
	_ =	strace $0x9FFFFFFF  }
0xc8: {  	(tm) =	ssettm $0x7FFFFFFF  }
0xc9: {  	_ =	shalt  }
tec
execute0_lowered:
.L_overlay_start_1:
0x0: {  	(tag) =	ssettag $0x1  }
0x1: {  	s1 =	srdreg.scid;
	s2 =	rddreg [dreg:$0x0]  }
0x2: {  	s0 =	stileid.u32;
	s3 =	rddreg [dreg:$0x1]  }
0x3: {  	s6 =	simm.s32 $0x1;
	s9 =	simm.s32 $0x1;
	s1 =	sshll.u32 s1, $0x7  }
0x4: {  	s10 =	simm.s32 $0x3;
	s4 =	sshll.u32 s0, $0x8;
	s5 =	sand.u32 $0x80, s1  }
0x5: {  	s13 =	simm.s32 $0x0;
	s12 =	simm.s32 $0x0;
	s4 =	sor.u32 s4, s5  }
0x6: {  	s1 =	rddreg [dreg:$0x2];
	_ =	strace $0x80000053;
	s8 =	ssub.s32 $0x2000, s4  }
.Ltmp0:
0x7: {  	s5 =	sadd.s32 $0x6C00, s3;
	s7 =	sand.u32 $0xF80, s8;
	(pc) =	sbr.rel .LBB2_1-.Ltmp0, $4  }
0x8: {  	[sflag:s6] =	ssyncpa.u1 $0x0;
	s11 =	smov.u32 s4;
	p0 =	sne.s32 s7, $0x0  }
0x9: {  	s8 =	sshrl.u32 s8, $0xC;
	s7 =	simm.s32 $0x2;
	s9 =	simm.s32 @!p0 $0x0  }
0xa: {  	[sflag:s7] =	ssyncpa.u1 $0x0;
	p0 =	por $0x0, $0x0;
	s8 =	sadd.s32 s9, s8  }
0xb: {  	vm0 =	vmmov $0xffff;
	[sflag:s10] =	ssyncpa.u1 $0x0;
	s10 =	simm.s32 $0x0;
	s9 =	sadd.s32 $0x1, s8  }
.LBB2_4:
0xc: {  	v5 =	vld.msk [tilespmem:s18+$0x0 ss:$0x1], $0xffff  }
0xd: {  	v6 =	vand.u32 $0x1, v1;
	v7 =	vshrl.u32 v1, $0x1  }
0xe: {  	v3 =	vor.u32 v4, v3;
	vm1 =	veq.s32 v1, $0x80000000;
	v53 =	vand.u32 $0xFFF, v7  }
0xf: {  	v2 =	vor.u32 v2, v3;
	v54 =	vsel vm1, $0xFFFFFFFF, v6;
	v1 =	vsel vm1, $0xFFFFFFFF, v53  }
0x10: {  	v6 =	vshll.u32 v54, $0x7;
	v3 =	vand.u32 $0xFFFFE000, v54;
	v55 =	vand.u32 $0x7F, v1  }
0x11: {  	v1 =	vshll.u32 v1, $0x1;
	v6 =	vand.u32 $0x80, v6;
	v56 =	vshrl.u32 v5, $0x1  }
0x12: {  	v1 =	vand.u32 $0xFFFFFF00, v1;
	vm1 =	veq.s32 v5, $0x80000000;
	v57 =	vand.u32 $0xFFF, v56  }
0x13: {  	v1 =	vadd.s32 v3, v1;
	v5 =	vand.u32 $0x1, v5;
	v3 =	vsel vm1, $0xFFFFFFFF, v57  }
0x14: {  	v1 =	vor.u32 v6, v1;
	v5 =	vsel vm1, $0xFFFFFFFF, v5;
	v58 =	vshll.u32 v3, $0x1  }
0x15: {  	v59 =	vshll.u32 v5, $0x7;
	v5 =	vand.u32 $0xFFFFE000, v5;
	v6 =	vand.u32 $0xFFFFFF00, v58  }
0x16: {  	v1 =	vor.u32 v55, v1;
	v61 =	vand.u32 $0x80, v59;
	v60 =	vadd.s32 v5, v6  }
0x17: {  	[tilespmem:s16], [sflag:$0x1] =	stream.indirect_vreg.gather [hbm4b:s2+s10], $0x1, v0, vm0, $0x4038;
	v62 =	vand.u32 $0x7F, v3;
	v63 =	vor.u32 v61, v60;
	[tilespmem:$0x200] =	vst v63  }
0x18: {  	(ifvalue) =	ssetifvalue $0x7FFFFFFF;
	v0 =	vor.u32 v62, v63  }
0x19: {  	[tilespmem:s15], [sflag:$0x1] =	stream.indirect_vreg.gather [hbm4b:s2+s10], $0x1, v2, vm0, $0x4038;
	[tilespmem:$0x200] =	vst v63  }
0x1a: {  	s29 =	sadd.s32 $0x10, s15;
	(ifvalue) =	ssetifvalue $0x7FFFFFFF  }
0x1b: {  	[tilespmem:s29], [sflag:$0x1] =	stream.indirect_vreg.gather [hbm4b:s2+s10], $0x1, v1, vm0, $0x4038;
	[tilespmem:$0x200] =	vst v63  }
0x1c: {  	s15 =	sadd.s32 $0x10, s29;
	(ifvalue) =	ssetifvalue $0x7FFFFFFF  }
0x1d: {  	[tilespmem:s15], [sflag:$0x1] =	stream.indirect_vreg.gather [hbm4b:s2+s10], $0x1, v0, vm0, $0x4038;
	[tilespmem:$0x200] =	vst v63  }
0x1e: {  	_ =	swait.ge [sflag:s6], $0x80  }
0x1f: {  	s30 =	sshrl.u32 s13, $0x3;
	[sflag:s6] =	ssyncset.done $0x0  }
0x20: {  	s31 =	sand.u32 $0x7, s13;
	s15 =	sadd.s32 s3, s30;
	[sflag:s6] =	ssyncadd.s32 $0xFFFFFF80  }
0x21: {  	[hbm4b:s15+s31] =	stream.linear.scatter [tilespmem:s14], [sflag:$0x3], $0x80, $0x38;
	[tilespmem:$0x200] =	vst v63  }
.LBB2_5:
0x22: {  	s15 =	sadd.s32 $0x1000, s11  }
0x23: {  	p2 =	sgt.s32 s15, $0x1FFF  }
0x24: {  	s15 =	smov.u32 @p2 s4;
	p2 =	sne.s32 s12, s9  }
.Ltmp1:
0x25: {  	p1 =	slt.u32 s12, $0x2;
	(pc) =	sbr.rel @!p2 .LBB2_6-.Ltmp1, $4  }
0x26: {  	s14 =	simm.s32 @!p1 $0x3  }
0x27: {  	s16 =	sadd.s32 $0x1, s12;
	_ =	swait.ge @!p1 [sflag:s14], $0x80  }
0x28: {  	s13 =	smov.u32 s11;
	p0 =	por !p0, !p0;
	[sflag:s14] =	ssyncset.done @!p1 $0x0  }
0x29: {  	s12 =	smov.u32 s16;
	s11 =	smov.u32 s15;
	[sflag:s14] =	ssyncadd.s32 @!p1 $0xFFFFFF80  }
.LBB2_1:
0x2a: {  	p1 =	sge.u32 s12, s8  }
0x2b: {  	s14 =	sxor.u32 @!p1 $0xFFFFFFFF, s12  }
0x2c: {  	s31 =	sadd.s32 $0xFFFFFFFF, s12;
	s15 =	sshrl.u32 @!p1 s11, $0x3;
	s14 =	sshll.u32 @!p1 s14, $0x7  }
0x2d: {  	s16 =	sand.u32 @!p1 $0x7, s11;
	s15 =	sadd.s32 @!p1 s5, s15;
	s14 =	sand.u32 @!p1 $0x80, s14  }
0x2e: {  	[tilespmem:s14], [sflag:$0x2] =	stream.linear.gather @!p1 [hbm4b:s15+s16], $0x80, $0x38;
	[tilespmem:$0x200] =	vst v63  }
0x2f: {  	p1 =	sge.u32 s31, s8  }
.Ltmp2:
0x30: {  	_ = 	snop;
	(pc) =	sbr.rel @p1 .LBB2_5-.Ltmp2, $1  }
0x31: {  	_ =	sdelay $0x3  }
0x32: {  	s14 =	simm.s32 $0x1  }
0x33: {  	_ =	swait.ge [sflag:s7], $0x80;
	s14 =	simm.s32 @!p0 $0x0  }
0x34: {  	[sflag:s7] =	ssyncset.done $0x0;
	s14 =	sshll.u32 s14, $0x7  }
0x35: {  	[sflag:s7] =	ssyncadd.s32 $0xFFFFFF80;
	(ifvalue) =	ssetifvalue $0x7FFFFFFF;
	v0 =	vld.msk [tilespmem:s14+$0x0 ss:$0x1], $0xffff;
	_ =	sdelay $0x4  }
0x36: {  	s15 =	sadd.s32 $0x10, s14;
	v2 =	vshrl.u32 v0, $0x1  }
0x37: {  	v1 =	vld.msk [tilespmem:s15+$0x0 ss:$0x1], $0xffff;
	vm1 =	veq.s32 v0, $0x80000000;
	v2 =	vand.u32 $0xFFF, v2  }
0x38: {  	v0 =	vand.u32 $0x1, v0;
	v2 =	vsel vm1, $0xFFFFFFFF, v2  }
0x39: {  	v0 =	vsel vm1, $0xFFFFFFFF, v0;
	v3 =	vshll.u32 v2, $0x1  }
0x3a: {  	v4 =	vand.u32 $0xFFFFE000, v0;
	v0 =	vshll.u32 v0, $0x7;
	v3 =	vand.u32 $0xFFFFFF00, v3  }
0x3b: {  	v0 =	vand.u32 $0x80, v0;
	v3 =	vadd.s32 v4, v3  }
0x3c: {  	v2 =	vand.u32 $0x7F, v2;
	v4 =	vshrl.u32 v1, $0x1;
	v0 =	vor.u32 v0, v3  }
0x3d: {  	vm1 =	veq.s32 v1, $0x80000000;
	v4 =	vand.u32 $0xFFF, v4;
	v0 =	vor.u32 v2, v0  }
0x3e: {  	s16 =	sshll.u32 s12, $0x7;
	s15 =	sadd.s32 $0x10, s15;
	v1 =	vand.u32 $0x1, v1;
	v3 =	vsel vm1, $0xFFFFFFFF, v4  }
0x3f: {  	s17 =	sand.u32 $0x80, s16;
	v2 =	vsel vm1, $0xFFFFFFFF, v1;
	v1 =	vld.msk [tilespmem:s15+$0x0 ss:$0x1], $0xffff;
	v4 =	vshll.u32 v3, $0x1  }
0x40: {  	s16 =	sor.u32 $0x100, s14;
	s14 =	sor.u32 $0x100, s17;
	s17 =	simm.s32 $0x30;
	v5 =	vshll.u32 v2, $0x7;
	v6 =	vand.u32 $0xFFFFE000, v2;
	v4 =	vand.u32 $0xFFFFFF00, v4  }
0x41: {  	s18 =	sadd.s32 $0x10, s15;
	(ifvalue) =	ssetifvalue $0x7FFFFFFF;
	s15 =	sadd.s32 $0x10, s16;
	v2 =	vand.u32 $0x7F, v3;
	v3 =	vadd.s32 v6, v4;
	v4 =	vand.u32 $0x80, v5  }
.LBB2_3:
0x42: {  	[tilespmem:s16], [sflag:$0x1] =	stream.indirect_vreg.gather [hbm4b:s2+s10], $0x1, v0, vm0, $0x4038;
	[tilespmem:$0x200] =	vst v63  }
0x43: {  	s17 =	sadd.s32 $0x10, s17  }
0x44: {  	v5 =	vand.u32 $0x1, v1;
	v6 =	vshrl.u32 v1, $0x1;
	v3 =	vor.u32 v4, v3;
	v0 =	vmovc v1;
	v1 =	vld.msk [tilespmem:s18+$0x0 ss:$0x1], $0xffff;
	p1 =	slt.u32 s17, $0x70  }
.Ltmp3:
0x45: {  	s16 =	smov.u32 s15;
	vm1 =	veq.s32 v0, $0x80000000;
	v4 =	vand.u32 $0xFFF, v6;
	v0 =	vor.u32 v2, v3;
	(pc) =	sbr.rel @p1 .LBB2_3-.Ltmp3, $4  }
0x46: {  	v3 =	vsel vm1, $0xFFFFFFFF, v5;
	v4 =	vsel vm1, $0xFFFFFFFF, v4  }
0x47: {  	v2 =	vand.u32 $0x7F, v4;
	v4 =	vshll.u32 v4, $0x1;
	v5 =	vshll.u32 v3, $0x7  }
0x48: {  	v3 =	vand.u32 $0xFFFFE000, v3;
	v4 =	vand.u32 $0xFFFFFF00, v4  }
0x49: {  	s18 =	sadd.s32 $0x10, s18;
	s15 =	sadd.s32 $0x10, s15;
	v3 =	vadd.s32 v3, v4;
	v4 =	vand.u32 $0x80, v5;
	(ifvalue) =	ssetifvalue $0x7FFFFFFF  }
.Ltmp4:
0x4a: {  	_ = 	snop;
	(pc) =	sbr.rel .LBB2_4-.Ltmp4, $1  }
0x4b: {  	_ =	sdelay $0x3  }
.LBB2_6:
0x4c: {  	_ =	sfence.sel $0x180000  }
0x4d: {  	s2 =	simm.s32 $0x2;
	[bflag:$0x0] =	sbarrier.arrive $0xFFFF  }
0x4e: {  	s30 =	simm.s32 $0x3;
	[sflag:s2] =	ssyncpa.u1 $0x1  }
0x4f: {  	s31 =	simm.s32 $0x1;
	[sflag:s30] =	ssyncpa.u1 $0x1  }
0x50: {  	[sflag:s31] =	ssyncpa.u1 $0x1  }
0x51: {  	p0 =	sne.s32 s0, $0x0;
	_ =	strace $0x90000053  }
0x52: {  	s0 =	sadd.s32 @!p0 $0x100000, s1;
	[bflag:$0x2] =	sbarrier.arrive $0xFFFF  }
0x53: {  	[sflag:s0] =	ssyncadd.tile.s32 @!p0 $0x1;
	_ =	shalt  }
.Lfunc_end2:
_tile_overlayer_lowered:
.L_overlay_start_2:
0x54: {  	(tag) =	ssettag $0x2  }
0x55: {  	s0 =	rddreg [dreg:$0x0];
	s2 =	stileid.u32  }
0x56: {  	s1 =	rddreg [dreg:$0x1];
	p0 =	sne.s32 s2, $0x0  }
0x57: {  	s3 =	rddreg [dreg:$0x2];
	[bflag:$0x3] =	sbarrier.arrive $0xFFFF;
	s2 =	simm.s32 @!p0 $0x1C01  }
0x58: {  	[timem:s3], [sflag:s2] =	dma.local @!p0 [hbm:s0], s1  }
0x59: {  	s0 =	simm.s32 @!p0 $0x1  }
0x5a: {  	_ =	swait.ge @!p0 [sflag:s0], s1  }
0x5b: {  	s1 =	ssub.s32 @!p0 $0x0, s1;
	[sflag:s0] =	ssyncset.done @!p0 $0x0  }
0x5c: {  	[sflag:s0] =	ssyncadd.s32 @!p0 s1  }
0x5d: {  	[bflag:$0x3] =	sbarrier.arrive $0xFFFF  }
0x5e: {  	_ =	shalt  }

// kernel: gather_offload_async_start.5
scs
__scs_entry_jumppad:
0x0: {  	(pc) =	sbr.rel $0x88, $3  }
0x1: {  	(tag) =	ssettag $0x0;
	lr =	simm.s32 $0x1  }
0x2: {  	[smem:$0x3F96] =	sst lr;
	_ =	strace $0xD0000000  }
0x3: {  	_ = 	snop  }
0x4: {  	_ = 	snop  }
0x5: {  	_ = 	snop  }
0x6: {  	_ = 	snop  }
0x7: {  	_ = 	snop  }
__scs_overlays_trampoline_lowered:
0x8: {  	[smem:$0x3FA5] =	sst s0  }
0x9: {  	[smem:$0x3FA6] =	sst s1  }
0xa: {  	[smem:$0x3FA7] =	sst s2  }
0xb: {  	[smem:$0x3FA8] =	sst s3  }
0xc: {  	[smem:$0x3FA9] =	sst s4  }
0xd: {  	[smem:$0x3FAA] =	sst s5  }
0xe: {  	[smem:$0x3FAB] =	sst s6  }
0xf: {  	[smem:$0x3FAC] =	sst s7  }
0x10: {  	[smem:$0x3FAD] =	sst s8  }
0x11: {  	[smem:$0x3FAE] =	sst s9;
	s0 =	simm.s32 @!p0 $0x0  }
0x12: {  	s1 =	sld [smem:$0x3F94];
	s0 =	simm.s32 @p0 $0x1  }
0x13: {  	[smem:$0x3FAF] =	sst s0;
	s0 =	simm.s32 @!p1 $0x0  }
0x14: {  	s2 =	sld [smem:$0x3F93];
	s0 =	simm.s32 @p1 $0x1  }
0x15: {  	[smem:$0x3FB0] =	sst s0;
	s0 =	simm.s32 @!p2 $0x0  }
0x16: {  	s3 =	sld [smem:$0x3FDB];
	s0 =	simm.s32 @p2 $0x1  }
0x17: {  	s4 =	simm.s32 $0x1BF5;
	[smem:$0x3FB2] =	sst s0  }
0x18: {  	s0 =	sld [smem:$0x3F95];
	_ =	swait.ge [sflag:s4], $0x0  }
0x19: {  	s7 =	sld [smem:$0x3F96]  }
0x1a: {  	s8 =	sadd.s32 $0xFFFFE003, lr  }
0x1b: {  	s9 =	sadd.s32 $0xFFFFFEF7, lr;
	s5 =	simm.s32 $0xFFFFFFFF;
	p2 =	slt.u32 s8, $0xFFFFF086  }
0x1c: {  	p1 =	slt.u32 s9, $0xF7A;
	s5 =	simm.s32 @!p2 $0x0  }
0x1d: {  	s5 =	simm.s32 @p1 $0x1;
	p0 =	seq.s32 s7, s2  }
0x1e: {  	s7 =	smul.u32 @!p0 $0xF7A, s2;
	p2 =	seq.s32 @!p0 s5, $0x0  }
0x1f: {  	s9 =	smul.u32 $0xF7A, s1;
	s8 =	simm.s32 @!p0 $0x1BF5;
	p2 =	por !p2, p0  }
0x20: {  	[sflag:s8] =	ssyncset.s32 @!p0 $0xFFFFF086;
	s6 =	sadd.s32 @!p0 s3, s7;
	s7 =	simm.s32 @!p0 $0x108  }
0x21: {  	s3 =	sadd.s32 s3, s9;
	s6 =	sadd.s32 @!p0 $0x88, s6;
	s7 =	simm.s32 @p2 $0x1082  }
0x22: {  	[simem:s7], [sflag:s8] =	dma.local @!p0 [hbm:s6], $0xF7A  }
0x23: {  	s9 =	sor.u32 $0xD0000000, s2;
	s6 =	simm.s32 $0x108;
	_ =	swait.ge @!p0 [sflag:s8], $0x0  }
0x24: {  	s3 =	sadd.s32 $0x88, s3;
	s6 =	simm.s32 @!p1 $0x1082;
	[sflag:s4] =	ssyncset.s32 $0xFFFFF086  }
0x25: {  	[simem:s6], [sflag:s4] =	dma.local [hbm:s3], $0xF7A  }
0x26: {  	[smem:$0x3F96] =	sst s1;
	(tag) =	ssettag s2;
	_ =	strace s9  }
0x27: {  	s1 =	sld [smem:$0x3FA6]  }
0x28: {  	s2 =	sld [smem:$0x3FA7]  }
0x29: {  	s4 =	sld [smem:$0x3FA9]  }
0x2a: {  	p0 =	seq.s32 s5, $0x0;
	s5 =	sld [smem:$0x3FAA]  }
0x2b: {  	s6 =	sld [smem:$0x3FAB]  }
0x2c: {  	s7 =	sld [smem:$0x3FAC]  }
0x2d: {  	s3 =	simm.s32 $0x108;
	s8 =	sld [smem:$0x3FAD]  }
0x2e: {  	s3 =	simm.s32 @!p0 $0x1082;
	s9 =	sld [smem:$0x3FAE]  }
0x2f: {  	lr =	sadd.s32 s0, s3;
	s0 =	sld [smem:$0x3FA5]  }
0x30: {  	s3 =	sld [smem:$0x3FA8]  }
0x31: {  	[smem:$0x3FB1] =	sst s10  }
0x32: {  	s10 =	sld [smem:$0x3FAF];
	_ =	sdelay $0x3  }
0x33: {  	p0 =	seq.s32 s10, $0x1;
	s10 =	sld [smem:$0x3FB1];
	_ =	sdelay $0x3  }
0x34: {  	[smem:$0x3FB1] =	sst s10  }
0x35: {  	s10 =	sld [smem:$0x3FB0];
	_ =	sdelay $0x3  }
0x36: {  	p1 =	seq.s32 s10, $0x1;
	s10 =	sld [smem:$0x3FB1];
	_ =	sdelay $0x3  }
0x37: {  	[smem:$0x3FB1] =	sst s10  }
0x38: {  	s10 =	sld [smem:$0x3FB2]  }
0x39: {  	_ = 	snop;
	(pc) =	sbr.ind lr, $3  }
0x3a: {  	_ = 	snop  }
0x3b: {  	_ = 	snop  }
0x3c: {  	p2 =	seq.s32 s10, $0x1;
	s10 =	sld [smem:$0x3FB1]  }
0x3d: {  	_ =	shalt  }
0x3e: {  	_ =	shalt  }
0x3f: {  	_ =	shalt  }
0x40: {  	_ =	shalt  }
0x41: {  	_ =	shalt  }
0x42: {  	_ =	shalt  }
0x43: {  	_ =	shalt  }
0x44: {  	_ =	shalt  }
0x45: {  	_ =	shalt  }
0x46: {  	_ =	shalt  }
0x47: {  	_ =	shalt  }
0x48: {  	_ =	shalt  }
0x49: {  	_ =	shalt  }
0x4a: {  	_ =	shalt  }
0x4b: {  	_ =	shalt  }
0x4c: {  	_ =	shalt  }
0x4d: {  	_ =	shalt  }
0x4e: {  	_ =	shalt  }
0x4f: {  	_ =	shalt  }
0x50: {  	_ =	shalt  }
0x51: {  	_ =	shalt  }
0x52: {  	_ =	shalt  }
0x53: {  	_ =	shalt  }
0x54: {  	_ =	shalt  }
0x55: {  	_ =	shalt  }
0x56: {  	_ =	shalt  }
0x57: {  	_ =	shalt  }
0x58: {  	_ =	shalt  }
0x59: {  	_ =	shalt  }
0x5a: {  	_ =	shalt  }
0x5b: {  	_ =	shalt  }
0x5c: {  	_ =	shalt  }
0x5d: {  	_ =	shalt  }
0x5e: {  	_ =	shalt  }
0x5f: {  	_ =	shalt  }
0x60: {  	_ =	shalt  }
0x61: {  	_ =	shalt  }
0x62: {  	_ =	shalt  }
0x63: {  	_ =	shalt  }
0x64: {  	_ =	shalt  }
0x65: {  	_ =	shalt  }
0x66: {  	_ =	shalt  }
0x67: {  	_ =	shalt  }
0x68: {  	_ =	shalt  }
0x69: {  	_ =	shalt  }
0x6a: {  	_ =	shalt  }
0x6b: {  	_ =	shalt  }
0x6c: {  	_ =	shalt  }
0x6d: {  	_ =	shalt  }
0x6e: {  	_ =	shalt  }
0x6f: {  	_ =	shalt  }
0x70: {  	_ =	shalt  }
0x71: {  	_ =	shalt  }
0x72: {  	_ =	shalt  }
0x73: {  	_ =	shalt  }
0x74: {  	_ =	shalt  }
0x75: {  	_ =	shalt  }
0x76: {  	_ =	shalt  }
0x77: {  	_ =	shalt  }
0x78: {  	_ =	shalt  }
0x79: {  	_ =	shalt  }
0x7a: {  	_ =	shalt  }
0x7b: {  	_ =	shalt  }
0x7c: {  	_ =	shalt  }
0x7d: {  	_ =	shalt  }
0x7e: {  	_ =	shalt  }
0x7f: {  	_ =	shalt  }
0x80: {  	_ =	shalt  }
0x81: {  	_ =	shalt  }
0x82: {  	_ =	shalt  }
0x83: {  	_ =	shalt  }
0x84: {  	_ =	shalt  }
0x85: {  	_ =	shalt  }
0x86: {  	_ =	shalt  }
0x87: {  	_ =	shalt  }
.Lfunc_end0:
.L_simem_size_0:
called_computation.5_lowered:
.L_overlay_start_0:
0x88: {  	s2 =	sld [smem:$0x3FD9]  }
0x89: {  	s3 =	sld [smem:$0x3FFE];
	_ =	sdelay $0x1  }
0x8a: {  	s1 =	srdreg.scid  }
0x8b: {  	s0 =	sand.u32 $0x1, s1  }
0x8c: {  	s17 =	sshll.u32 s0, $0xA;
	s2 =	sadd.s32 s3, s2  }
0x8d: {  	s2 =	sadd.s32 s2, s17  }
0x8e: {  	[smem:$0x3FBD] =	sst s2  }
0x8f: {  	_ = 	snop  }
0x90: {  	(tm) =	ssettm $0x1  }
0x91: {  	s18 =	sld [smem:$0x3FFB];
	_ =	sdelay $0x3  }
0x92: {  	_ =	strace s18  }
0x93: {  	s2 =	sld [smem:$0x3FFC];
	_ =	sdelay $0x3  }
0x94: {  	_ =	strace s2  }
0x95: {  	s2 =	sld [smem:$0x3FFD];
	_ =	sdelay $0x3  }
0x96: {  	_ =	strace s2  }
0x97: {  	_ =	strace $0x8FFFFFFF  }
0x98: {  	s19 =	sld [smem:$0x3FDB];
	_ =	sdelay $0x1  }
0x99: {  	s20 =	simm.s32 $_scs_section_size  }
0x9a: {  	s4 =	simm.s32 $_size__tile_overlayer_lowered;
	s5 =	simm.s32 $_tile_overlayer_lowered  }
0x9b: {  	s6 =	simm.s32 $0x1BFF;
	s21 =	sshll.u32 s5, $0x1;
	s3 =	sadd.s32 s20, s19  }
0x9c: {  	s22 =	simm.s32 $0x0;
	s4 =	sshll.u32 s4, $0x1;
	s5 =	sadd.s32 s21, s3  }
0x9d: {  	[timem:s22], [sflag:s6] =	dma.local [hbm:s5], s4  }
0x9e: {  	_ =	swait.ge [sflag:s6], s4  }
0x9f: {  	s4 =	ssub.s32 $0x0, s4;
	[sflag:s6] =	ssyncset.done $0x0  }
0xa0: {  	[sflag:s6] =	ssyncadd.s32 s4;
	_ =	sdelay $0x1  }
0xa1: {  	s23 =	simm.s32 $0x1B8B  }
0xa2: {  	_ =	swait.ge [sflag:s23], $0x1  }
0xa3: {  	[sflag:s23] =	ssyncset.done $0x0  }
0xa4: {  	[sflag:s23] =	ssyncadd.s32 $0xFFFFFFFF  }
0xa5: {  	s4 =	sld [smem:$0x0]  }
0xa6: {  	s5 =	sand.u32 $0xFFFFFFFE, s1  }
0xa7: {  	p0 =	sne.s32 s1, s5  }
0xa8: {  	s5 =	sshll.u32 @p0 s5, $0xE  }
0xa9: {  	s5 =	sadd.s32 @p0 $0x11B8D, s5;
	s6 =	sshll.u32 @p0 s4, $0x11  }
0xaa: {  	s5 =	sor.u32 @p0 s6, s5  }
0xab: {  	[sflag:s5] =	ssyncadd.remote.s32 @p0 $0x1;
	_ =	sdelay $0x1  }
0xac: {  	s5 =	simm.s32 @p0 $0x1B8D  }
0xad: {  	_ =	swait.eq @p0 [sflag:s5], $0x1  }
0xae: {  	[sflag:s5] =	ssyncadd.s32 @p0 $0xFFFFFFFF  }
0xaf: {  	s6 =	sshll.u32 @!p0 s1, $0xE  }
0xb0: {  	s6 =	sor.u32 @!p0 $0x4000, s6;
	s5 =	simm.s32 @!p0 $0x1B8D  }
0xb1: {  	s4 =	sshll.u32 @!p0 s4, $0x11;
	s6 =	sadd.s32 @!p0 $0x11B8D, s6;
	_ =	swait.eq @!p0 [sflag:s5], $0x1  }
0xb2: {  	s4 =	sor.u32 @!p0 s4, s6;
	[sflag:s5] =	ssyncadd.s32 @!p0 $0xFFFFFFFF  }
0xb3: {  	s25 =	simm.s32 $0x1B8E;
	s24 =	sld [smem:$0x3FFE];
	[sflag:s4] =	ssyncadd.remote.s32 @!p0 $0x1  }
0xb4: {  	s26 =	simm.s32 $execute0_lowered;
	[smem:$0x3FD2] =	sst s25  }
0xb5: {  	s5 =	sshll.u32 s26, $0x1;
	_ =	strace $0x80000055;
	[dreg:$0x1] =	wrdreg $0xFFFFFFFF  }
0xb6: {  	s28 =	simm.s32 $_size_execute0_lowered;
	s3 =	sadd.s32 s3, s5;
	[dreg:$0x0] =	wrdreg $0x0  }
0xb7: {  	s5 =	sshll.u32 s28, $0x1;
	[dreg:$0x2] =	wrdreg s3  }
0xb8: {  	[dreg:$0x3] =	wrdreg s5  }
0xb9: {  	[dreg:$0x4] =	wrdreg $0xC0  }
0xba: {  	_ =	task [dreg:s22], $0x5FFFF  }
0xbb: {  	[dreg:$0x1] =	wrdreg $0xFFFFFFFF  }
0xbc: {  	[dreg:$0x0] =	wrdreg $0x60  }
0xbd: {  	[dreg:$0x2] =	wrdreg s24  }
0xbe: {  	[dreg:$0x3] =	wrdreg $0x9  }
0xbf: {  	_ =	task.clear_ibuf [dreg:s22], $0x4FFFF;
	_ =	strace $0x90000055  }
0xc0: {  	s29 =	simm.s32 $0x9;
	_ =	strace $0x80000057  }
0xc1: {  	_ =	swait.ge [sflag:s29], $0x1  }
0xc2: {  	[sflag:s29] =	ssyncadd.s32 $0xFFFFFFFF  }
0xc3: {  	_ =	strace $0x90000057  }
0xc4: {  	_ =	sfence  }
0xc5: {  	s30 =	sld [smem:$0x0];
	_ =	sdelay $0x2  }
0xc6: {  	s31 =	sshll.u32 s1, $0xD;
	s1 =	sshrl.u32 s1, $0x2  }
0xc7: {  	s4 =	sand.u32 $0x4000, s31;
	s1 =	sadd.s32 s1, s30  }
0xc8: {  	s0 =	sor.u32 s4, s0;
	s1 =	sshll.u32 s1, $0x11  }
0xc9: {  	s0 =	sor.u32 s1, s0  }
0xca: {  	s0 =	sadd.s32 $0x8F2B, s0  }
0xcb: {  	[sflag:s0] =	ssyncadd.remote.s32 $0x1  }
0xcc: {  	_ =	sfence.sel $0xFFFF  }
0xcd: {  	[dreg:$0x0] =	wrdreg $0xFFFFFFFF;
	(pc) =	sbr.abs _section_cstart, $3  }
0xce: {  	[dreg:$0x1] =	wrdreg $0xFFFFFFFF  }
0xcf: {  	_ =	task.clear_ibuf [dreg:s22], $0x2FFFF;
	_ =	strace $0x9FFFFFFF  }
0xd0: {  	(tm) =	ssettm $0x7FFFFFFF  }
0xd1: {  	_ =	shalt  }
tec
execute0_lowered:
.L_overlay_start_1:
0x0: {  	(tag) =	ssettag $0x1  }
0x1: {  	s7 =	rddreg [dreg:$0x0]  }
0x2: {  	s0 =	rddreg [dreg:$0x1];
	_ =	strace $0x80000056  }
0x3: {  	s1 =	srdreg.scid;
	s4 =	simm.s32 $0x1;
	s9 =	simm.s32 $0x3  }
0x4: {  	s12 =	simm.s32 $0x0;
	s10 =	simm.s32 $0x0;
	s5 =	sshll.u32 s1, $0x4  }
.Ltmp0:
0x5: {  	s1 =	stileid.u32;
	s5 =	sand.u32 $0x10, s5;
	(pc) =	sbr.rel .LBB2_1-.Ltmp0, $4  }
0x6: {  	s2 =	sadd.s32 $0x7400, s7;
	s3 =	sadd.s32 $0x7000, s7;
	s6 =	sor.u32 s1, s5  }
0x7: {  	[sflag:s4] =	ssyncpa.u1 $0x0;
	s5 =	simm.s32 $0x2;
	s6 =	sshll.u32 s6, $0x8  }
0x8: {  	s7 =	sadd.s32 $0x47400, s7;
	[sflag:s5] =	ssyncpa.u1 $0x0;
	s8 =	sadd.s32 $0x100, s6  }
0x9: {  	vm0 =	vmmov $0xff;
	vm1 =	vcmask $0x3F20;
	[sflag:s9] =	ssyncpa.u1 $0x0;
	s9 =	simm.s32 $0x100;
	s11 =	smov.u32 s6  }
.LBB2_9:
0xa: {  	p0 =	seq.s32 s10, $0x2  }
.Ltmp1:
0xb: {  	_ = 	snop;
	(pc) =	sbr.rel @p0 .LBB2_11-.Ltmp1, $1  }
0xc: {  	_ =	sdelay $0x3  }
.LBB2_10:
0xd: {  	s12 =	sadd.s32 $0x100, s11  }
0xe: {  	s13 =	smov.u32 s6;
	p0 =	slt.s32 s12, s8  }
0xf: {  	s13 =	smov.u32 @p0 s12  }
0x10: {  	s10 =	sadd.s32 $0x1, s10;
	s12 =	smov.u32 s11;
	s11 =	smov.u32 s13  }
.LBB2_1:
0x11: {  	p0 =	sne.s32 s10, $0x0  }
.Ltmp2:
0x12: {  	_ = 	snop;
	(pc) =	sbr.rel @!p0 .LBB2_2-.Ltmp2, $1  }
0x13: {  	_ =	sdelay $0x3  }
0x14: {  	s13 =	sand.u32 $0x1, s10  }
0x15: {  	p0 =	seq.s32 s13, $0x0  }
.Ltmp3:
0x16: {  	_ = 	snop;
	(pc) =	sbr.rel @p0 .LBB2_9-.Ltmp3, $1  }
0x17: {  	_ =	sdelay $0x3  }
0x18: {  	_ =	swait.ge [sflag:s5], $0x100  }
0x19: {  	[sflag:s5] =	ssyncset.done $0x0  }
0x1a: {  	s13 =	simm.s32 $0x0;
	[sflag:s5] =	ssyncadd.s32 $0xFFFFFF00  }
0x1b: {  	v0 =	vld.msk [tilespmem:s13+$0x100 ss:$0x1], $0xffff;
	_ =	sdelay $0x4  }
0x1c: {  	v1 =	vshll.u32 v0, $0x6  }
0x1d: {  	vm2 =	veq.s32 v0, $0x80000000;
	v0 =	vshll.u32 v0, $0x13;
	v1 =	vand.u32 $0x7FF80, v1  }
0x1e: {  	v0 =	vand.u32 $0x80000, v0;
	v1 =	vsel vm2, $0xFFFFFF80, v1  }
0x1f: {  	v0 =	vsel vm2, $0xFFF80000, v0;
	v2 =	vand.u32 $0xFFFFFC00, v1  }
0x20: {  	v1 =	vand.u32 $0x380, v1;
	v0 =	vadd.s32 v0, v2  }
0x21: {  	v0 =	vor.u32 v1, v0  }
0x22: {  	v0 =	vshrl.u32 v0, $0x3;
	_ =	sdelay $0x3  }
0x23: {  	s13 =	simm.s32 $0x8200  }
0x24: {  	[tilespmem:s13], [sflag:$0x1] =	stream.indirect_vreg.gather [hbm:s2], $0x80, v0, vm0, $0x38;
	[tilespmem:$0x10200] =	vst v63  }
0x25: {  	s14 =	simm.s32 $0x8600;
	s31 =	simm.s32 $0x10  }
0x26: {  	[tilespmem:s14], [sflag:$0x1] =	stream.indirect_vreg.gather [hbm:s2], $0x80, v0, vm1, $0x38;
	[tilespmem:$0x10200] =	vst v63  }
0x27: {  	s14 =	simm.s32 $0x80;
	v0 =	vld.msk [tilespmem:s31+$0x100 ss:$0x1], $0xffff  }
.LBB2_5:
0x28: {  	p0 =	sne.s32 s14, $0x3C0;
	_ =	sdelay $0x4  }
0x29: {  	v1 =	vshll.u32 v0, $0x6  }
0x2a: {  	vm2 =	veq.s32 v0, $0x80000000;
	v0 =	vshll.u32 v0, $0x13;
	v1 =	vand.u32 $0x7FF80, v1  }
0x2b: {  	v0 =	vand.u32 $0x80000, v0;
	v1 =	vsel vm2, $0xFFFFFF80, v1  }
0x2c: {  	v0 =	vsel vm2, $0xFFF80000, v0;
	v2 =	vand.u32 $0xFFFFFC00, v1  }
0x2d: {  	v1 =	vand.u32 $0x380, v1;
	v0 =	vadd.s32 v0, v2  }
0x2e: {  	v0 =	vor.u32 v1, v0  }
0x2f: {  	v0 =	vshrl.u32 v0, $0x3;
	_ =	sdelay $0x3  }
.Ltmp4:
0x30: {  	s13 =	sadd.s32 $0x800, s13;
	(pc) =	sbr.rel @p0 .LBB2_5-.Ltmp4, $4  }
0x31: {  	[tilespmem:s13], [sflag:$0x1] =	stream.indirect_vreg.gather [hbm:s2], $0x80, v0, vm0, $0x38;
	[tilespmem:$0x10200] =	vst v63  }
0x32: {  	s15 =	sshra.s32 s14, $0x2;
	s16 =	sadd.s32 $0x400, s13  }
0x33: {  	[tilespmem:s16], [sflag:$0x1] =	stream.indirect_vreg.gather [hbm:s2], $0x80, v0, vm1, $0x38;
	[tilespmem:$0x10200] =	vst v63  }
0x34: {  	s14 =	sadd.s32 $0x40, s14;
	v0 =	vld.msk [tilespmem:s15+$0x100 ss:$0x1], $0xffff  }
0x35: {  	_ =	sdelay $0x3  }
0x36: {  	v1 =	vshll.u32 v0, $0x6  }
0x37: {  	vm2 =	veq.s32 v0, $0x80000000;
	v63 =	vshll.u32 v0, $0x13;
	v1 =	vand.u32 $0x7FF80, v1  }
0x38: {  	v0 =	vand.u32 $0x80000, v63;
	v1 =	vsel vm2, $0xFFFFFF80, v1  }
0x39: {  	v0 =	vsel vm2, $0xFFF80000, v0;
	v2 =	vand.u32 $0xFFFFFC00, v1  }
0x3a: {  	v1 =	vand.u32 $0x380, v1;
	v0 =	vadd.s32 v0, v2  }
0x3b: {  	v0 =	vor.u32 v1, v0  }
0x3c: {  	v0 =	vshrl.u32 v0, $0x3;
	_ =	sdelay $0x3  }
0x3d: {  	s13 =	sadd.s32 $0x800, s13  }
0x3e: {  	[tilespmem:s13], [sflag:$0x1] =	stream.indirect_vreg.gather [hbm:s2], $0x80, v0, vm0, $0x38;
	[tilespmem:$0x10200] =	vst v63  }
0x3f: {  	s13 =	sadd.s32 $0x400, s13  }
0x40: {  	[tilespmem:s13], [sflag:$0x1] =	stream.indirect_vreg.gather [hbm:s2], $0x80, v0, vm1, $0x38;
	[tilespmem:$0x10200] =	vst v63  }
0x41: {  	s12 =	sshll.u32 s12, $0x4;
	s14 =	simm.s32 $0x80;
	_ =	swait.ge [sflag:s4], $0x8000  }
0x42: {  	s15 =	simm.s32 $0x8600;
	s12 =	sadd.s32 s12, s7;
	[sflag:s4] =	ssyncset.done $0x0  }
0x43: {  	s16 =	sadd.s32 $0x0, s12;
	s13 =	simm.s32 $0x8200;
	[sflag:s4] =	ssyncadd.s32 $0xFFFF8000  }
.LBB2_7:
0x44: {  	[hbm:s16] =	stream.linear.scatter [tilespmem:s13], [sflag:$0x3], $0x400, $0x38;
	[tilespmem:$0x10200] =	vst v63  }
0x45: {  	s16 =	smov.u32 s14;
	s13 =	smov.u32 s15;
	p0 =	sne.s32 s14, $0xF80  }
.Ltmp5:
0x46: {  	s14 =	sadd.s32 $0x80, s14;
	(pc) =	sbr.rel @p0 .LBB2_7-.Ltmp5, $2  }
0x47: {  	_ =	sdelay $0x2  }
0x48: {  	s15 =	sadd.s32 $0x400, s15;
	s16 =	sadd.s32 s16, s12  }
.Ltmp6:
0x49: {  	(pc) =	sbr.rel .LBB2_9-.Ltmp6, $2  }
0x4a: {  	_ =	sdelay $0x2  }
0x4b: {  	[hbm:s16] =	stream.linear.scatter [tilespmem:s13], [sflag:$0x3], $0x400, $0x38;
	[tilespmem:$0x10200] =	vst v63  }
.LBB2_2:
.Ltmp7:
0x4c: {  	(pc) =	sbr.rel .LBB2_10-.Ltmp7, $4  }
0x4d: {  	_ = 	snop  }
0x4e: {  	s12 =	sshrl.u32 s11, $0x3  }
0x4f: {  	s13 =	sand.u32 $0x7, s11;
	s12 =	sadd.s32 s3, s12  }
0x50: {  	[tilespmem:s9], [sflag:$0x2] =	stream.linear.gather [hbm4b:s12+s13], $0x100, $0x38;
	[tilespmem:$0x10200] =	vst v63  }
.LBB2_11:
0x51: {  	s2 =	simm.s32 $0x3  }
0x52: {  	_ =	swait.ge [sflag:s2], $0x8000  }
0x53: {  	[sflag:s2] =	ssyncset.done $0x0  }
0x54: {  	[sflag:s2] =	ssyncadd.s32 $0xFFFF8000  }
0x55: {  	_ =	sfence.sel $0x180000  }
0x56: {  	s3 =	simm.s32 $0x2;
	[bflag:$0x0] =	sbarrier.arrive $0xFFFF  }
0x57: {  	[sflag:s3] =	ssyncpa.u1 $0x1  }
0x58: {  	s31 =	simm.s32 $0x1;
	[sflag:s2] =	ssyncpa.u1 $0x1  }
0x59: {  	[sflag:s31] =	ssyncpa.u1 $0x1  }
0x5a: {  	p0 =	sne.s32 s1, $0x0;
	_ =	strace $0x90000056  }
0x5b: {  	s0 =	sadd.s32 @!p0 $0x100000, s0;
	[bflag:$0x2] =	sbarrier.arrive $0xFFFF  }
0x5c: {  	[sflag:s0] =	ssyncadd.tile.s32 @!p0 $0x1;
	_ =	shalt  }
.Lfunc_end2:
_tile_overlayer_lowered:
.L_overlay_start_2:
0x5d: {  	(tag) =	ssettag $0x2  }
0x5e: {  	s0 =	rddreg [dreg:$0x0];
	s2 =	stileid.u32  }
0x5f: {  	s1 =	rddreg [dreg:$0x1];
	p0 =	sne.s32 s2, $0x0  }
0x60: {  	s3 =	rddreg [dreg:$0x2];
	[bflag:$0x3] =	sbarrier.arrive $0xFFFF;
	s2 =	simm.s32 @!p0 $0x1C01  }
0x61: {  	[timem:s3], [sflag:s2] =	dma.local @!p0 [hbm:s0], s1  }
0x62: {  	s0 =	simm.s32 @!p0 $0x1  }
0x63: {  	_ =	swait.ge @!p0 [sflag:s0], s1  }
0x64: {  	s1 =	ssub.s32 @!p0 $0x0, s1;
	[sflag:s0] =	ssyncset.done @!p0 $0x0  }
0x65: {  	[sflag:s0] =	ssyncadd.s32 @!p0 s1  }
0x66: {  	[bflag:$0x3] =	sbarrier.arrive $0xFFFF  }
0x67: {  	_ =	shalt  }

// kernel: gather_offload_async_start.6
scs
__scs_entry_jumppad:
0x0: {  	(pc) =	sbr.rel $0x88, $3  }
0x1: {  	(tag) =	ssettag $0x0;
	lr =	simm.s32 $0x1  }
0x2: {  	[smem:$0x3F96] =	sst lr;
	_ =	strace $0xD0000000  }
0x3: {  	_ = 	snop  }
0x4: {  	_ = 	snop  }
0x5: {  	_ = 	snop  }
0x6: {  	_ = 	snop  }
0x7: {  	_ = 	snop  }
__scs_overlays_trampoline_lowered:
0x8: {  	[smem:$0x3FA5] =	sst s0  }
0x9: {  	[smem:$0x3FA6] =	sst s1  }
0xa: {  	[smem:$0x3FA7] =	sst s2  }
0xb: {  	[smem:$0x3FA8] =	sst s3  }
0xc: {  	[smem:$0x3FA9] =	sst s4  }
0xd: {  	[smem:$0x3FAA] =	sst s5  }
0xe: {  	[smem:$0x3FAB] =	sst s6  }
0xf: {  	[smem:$0x3FAC] =	sst s7  }
0x10: {  	[smem:$0x3FAD] =	sst s8  }
0x11: {  	[smem:$0x3FAE] =	sst s9;
	s0 =	simm.s32 @!p0 $0x0  }
0x12: {  	s1 =	sld [smem:$0x3F94];
	s0 =	simm.s32 @p0 $0x1  }
0x13: {  	[smem:$0x3FAF] =	sst s0;
	s0 =	simm.s32 @!p1 $0x0  }
0x14: {  	s2 =	sld [smem:$0x3F93];
	s0 =	simm.s32 @p1 $0x1  }
0x15: {  	[smem:$0x3FB0] =	sst s0;
	s0 =	simm.s32 @!p2 $0x0  }
0x16: {  	s3 =	sld [smem:$0x3FDB];
	s0 =	simm.s32 @p2 $0x1  }
0x17: {  	s4 =	simm.s32 $0x1BF5;
	[smem:$0x3FB2] =	sst s0  }
0x18: {  	s0 =	sld [smem:$0x3F95];
	_ =	swait.ge [sflag:s4], $0x0  }
0x19: {  	s7 =	sld [smem:$0x3F96]  }
0x1a: {  	s8 =	sadd.s32 $0xFFFFE003, lr  }
0x1b: {  	s9 =	sadd.s32 $0xFFFFFEF7, lr;
	s5 =	simm.s32 $0xFFFFFFFF;
	p2 =	slt.u32 s8, $0xFFFFF086  }
0x1c: {  	p1 =	slt.u32 s9, $0xF7A;
	s5 =	simm.s32 @!p2 $0x0  }
0x1d: {  	s5 =	simm.s32 @p1 $0x1;
	p0 =	seq.s32 s7, s2  }
0x1e: {  	s7 =	smul.u32 @!p0 $0xF7A, s2;
	p2 =	seq.s32 @!p0 s5, $0x0  }
0x1f: {  	s9 =	smul.u32 $0xF7A, s1;
	s8 =	simm.s32 @!p0 $0x1BF5;
	p2 =	por !p2, p0  }
0x20: {  	[sflag:s8] =	ssyncset.s32 @!p0 $0xFFFFF086;
	s6 =	sadd.s32 @!p0 s3, s7;
	s7 =	simm.s32 @!p0 $0x108  }
0x21: {  	s3 =	sadd.s32 s3, s9;
	s6 =	sadd.s32 @!p0 $0x88, s6;
	s7 =	simm.s32 @p2 $0x1082  }
0x22: {  	[simem:s7], [sflag:s8] =	dma.local @!p0 [hbm:s6], $0xF7A  }
0x23: {  	s9 =	sor.u32 $0xD0000000, s2;
	s6 =	simm.s32 $0x108;
	_ =	swait.ge @!p0 [sflag:s8], $0x0  }
0x24: {  	s3 =	sadd.s32 $0x88, s3;
	s6 =	simm.s32 @!p1 $0x1082;
	[sflag:s4] =	ssyncset.s32 $0xFFFFF086  }
0x25: {  	[simem:s6], [sflag:s4] =	dma.local [hbm:s3], $0xF7A  }
0x26: {  	[smem:$0x3F96] =	sst s1;
	(tag) =	ssettag s2;
	_ =	strace s9  }
0x27: {  	s1 =	sld [smem:$0x3FA6]  }
0x28: {  	s2 =	sld [smem:$0x3FA7]  }
0x29: {  	s4 =	sld [smem:$0x3FA9]  }
0x2a: {  	p0 =	seq.s32 s5, $0x0;
	s5 =	sld [smem:$0x3FAA]  }
0x2b: {  	s6 =	sld [smem:$0x3FAB]  }
0x2c: {  	s7 =	sld [smem:$0x3FAC]  }
0x2d: {  	s3 =	simm.s32 $0x108;
	s8 =	sld [smem:$0x3FAD]  }
0x2e: {  	s3 =	simm.s32 @!p0 $0x1082;
	s9 =	sld [smem:$0x3FAE]  }
0x2f: {  	lr =	sadd.s32 s0, s3;
	s0 =	sld [smem:$0x3FA5]  }
0x30: {  	s3 =	sld [smem:$0x3FA8]  }
0x31: {  	[smem:$0x3FB1] =	sst s10  }
0x32: {  	s10 =	sld [smem:$0x3FAF];
	_ =	sdelay $0x3  }
0x33: {  	p0 =	seq.s32 s10, $0x1;
	s10 =	sld [smem:$0x3FB1];
	_ =	sdelay $0x3  }
0x34: {  	[smem:$0x3FB1] =	sst s10  }
0x35: {  	s10 =	sld [smem:$0x3FB0];
	_ =	sdelay $0x3  }
0x36: {  	p1 =	seq.s32 s10, $0x1;
	s10 =	sld [smem:$0x3FB1];
	_ =	sdelay $0x3  }
0x37: {  	[smem:$0x3FB1] =	sst s10  }
0x38: {  	s10 =	sld [smem:$0x3FB2]  }
0x39: {  	_ = 	snop;
	(pc) =	sbr.ind lr, $3  }
0x3a: {  	_ = 	snop  }
0x3b: {  	_ = 	snop  }
0x3c: {  	p2 =	seq.s32 s10, $0x1;
	s10 =	sld [smem:$0x3FB1]  }
0x3d: {  	_ =	shalt  }
0x3e: {  	_ =	shalt  }
0x3f: {  	_ =	shalt  }
0x40: {  	_ =	shalt  }
0x41: {  	_ =	shalt  }
0x42: {  	_ =	shalt  }
0x43: {  	_ =	shalt  }
0x44: {  	_ =	shalt  }
0x45: {  	_ =	shalt  }
0x46: {  	_ =	shalt  }
0x47: {  	_ =	shalt  }
0x48: {  	_ =	shalt  }
0x49: {  	_ =	shalt  }
0x4a: {  	_ =	shalt  }
0x4b: {  	_ =	shalt  }
0x4c: {  	_ =	shalt  }
0x4d: {  	_ =	shalt  }
0x4e: {  	_ =	shalt  }
0x4f: {  	_ =	shalt  }
0x50: {  	_ =	shalt  }
0x51: {  	_ =	shalt  }
0x52: {  	_ =	shalt  }
0x53: {  	_ =	shalt  }
0x54: {  	_ =	shalt  }
0x55: {  	_ =	shalt  }
0x56: {  	_ =	shalt  }
0x57: {  	_ =	shalt  }
0x58: {  	_ =	shalt  }
0x59: {  	_ =	shalt  }
0x5a: {  	_ =	shalt  }
0x5b: {  	_ =	shalt  }
0x5c: {  	_ =	shalt  }
0x5d: {  	_ =	shalt  }
0x5e: {  	_ =	shalt  }
0x5f: {  	_ =	shalt  }
0x60: {  	_ =	shalt  }
0x61: {  	_ =	shalt  }
0x62: {  	_ =	shalt  }
0x63: {  	_ =	shalt  }
0x64: {  	_ =	shalt  }
0x65: {  	_ =	shalt  }
0x66: {  	_ =	shalt  }
0x67: {  	_ =	shalt  }
0x68: {  	_ =	shalt  }
0x69: {  	_ =	shalt  }
0x6a: {  	_ =	shalt  }
0x6b: {  	_ =	shalt  }
0x6c: {  	_ =	shalt  }
0x6d: {  	_ =	shalt  }
0x6e: {  	_ =	shalt  }
0x6f: {  	_ =	shalt  }
0x70: {  	_ =	shalt  }
0x71: {  	_ =	shalt  }
0x72: {  	_ =	shalt  }
0x73: {  	_ =	shalt  }
0x74: {  	_ =	shalt  }
0x75: {  	_ =	shalt  }
0x76: {  	_ =	shalt  }
0x77: {  	_ =	shalt  }
0x78: {  	_ =	shalt  }
0x79: {  	_ =	shalt  }
0x7a: {  	_ =	shalt  }
0x7b: {  	_ =	shalt  }
0x7c: {  	_ =	shalt  }
0x7d: {  	_ =	shalt  }
0x7e: {  	_ =	shalt  }
0x7f: {  	_ =	shalt  }
0x80: {  	_ =	shalt  }
0x81: {  	_ =	shalt  }
0x82: {  	_ =	shalt  }
0x83: {  	_ =	shalt  }
0x84: {  	_ =	shalt  }
0x85: {  	_ =	shalt  }
0x86: {  	_ =	shalt  }
0x87: {  	_ =	shalt  }
.Lfunc_end0:
.L_simem_size_0:
called_computation.6_lowered:
.L_overlay_start_0:
0x88: {  	s2 =	sld [smem:$0x3FD9]  }
0x89: {  	s3 =	sld [smem:$0x3FFE];
	_ =	sdelay $0x1  }
0x8a: {  	s1 =	srdreg.scid  }
0x8b: {  	s0 =	sand.u32 $0x1, s1  }
0x8c: {  	s17 =	sshll.u32 s0, $0xA;
	s2 =	sadd.s32 s3, s2  }
0x8d: {  	s2 =	sadd.s32 s2, s17  }
0x8e: {  	[smem:$0x3FBD] =	sst s2  }
0x8f: {  	_ = 	snop  }
0x90: {  	(tm) =	ssettm $0x1  }
0x91: {  	s18 =	sld [smem:$0x3FFB];
	_ =	sdelay $0x3  }
0x92: {  	_ =	strace s18  }
0x93: {  	s2 =	sld [smem:$0x3FFC];
	_ =	sdelay $0x3  }
0x94: {  	_ =	strace s2  }
0x95: {  	s2 =	sld [smem:$0x3FFD];
	_ =	sdelay $0x3  }
0x96: {  	_ =	strace s2  }
0x97: {  	_ =	strace $0x8FFFFFFF  }
0x98: {  	s19 =	sld [smem:$0x3FDB];
	_ =	sdelay $0x1  }
0x99: {  	s20 =	simm.s32 $_scs_section_size  }
0x9a: {  	s4 =	simm.s32 $_size__tile_overlayer_lowered;
	s5 =	simm.s32 $_tile_overlayer_lowered  }
0x9b: {  	s6 =	simm.s32 $0x1BFF;
	s21 =	sshll.u32 s5, $0x1;
	s3 =	sadd.s32 s20, s19  }
0x9c: {  	s22 =	simm.s32 $0x0;
	s4 =	sshll.u32 s4, $0x1;
	s5 =	sadd.s32 s21, s3  }
0x9d: {  	[timem:s22], [sflag:s6] =	dma.local [hbm:s5], s4  }
0x9e: {  	_ =	swait.ge [sflag:s6], s4  }
0x9f: {  	s4 =	ssub.s32 $0x0, s4;
	[sflag:s6] =	ssyncset.done $0x0  }
0xa0: {  	[sflag:s6] =	ssyncadd.s32 s4;
	_ =	sdelay $0x1  }
0xa1: {  	s23 =	simm.s32 $0x1B8B  }
0xa2: {  	_ =	swait.ge [sflag:s23], $0x1  }
0xa3: {  	[sflag:s23] =	ssyncset.done $0x0  }
0xa4: {  	[sflag:s23] =	ssyncadd.s32 $0xFFFFFFFF  }
0xa5: {  	s4 =	sld [smem:$0x0]  }
0xa6: {  	s5 =	sand.u32 $0xFFFFFFFE, s1  }
0xa7: {  	p0 =	sne.s32 s1, s5  }
0xa8: {  	s5 =	sshll.u32 @p0 s5, $0xE  }
0xa9: {  	s5 =	sadd.s32 @p0 $0x11B8D, s5;
	s6 =	sshll.u32 @p0 s4, $0x11  }
0xaa: {  	s5 =	sor.u32 @p0 s6, s5  }
0xab: {  	[sflag:s5] =	ssyncadd.remote.s32 @p0 $0x1;
	_ =	sdelay $0x1  }
0xac: {  	s5 =	simm.s32 @p0 $0x1B8D  }
0xad: {  	_ =	swait.eq @p0 [sflag:s5], $0x1  }
0xae: {  	[sflag:s5] =	ssyncadd.s32 @p0 $0xFFFFFFFF  }
0xaf: {  	s6 =	sshll.u32 @!p0 s1, $0xE  }
0xb0: {  	s6 =	sor.u32 @!p0 $0x4000, s6;
	s5 =	simm.s32 @!p0 $0x1B8D  }
0xb1: {  	s4 =	sshll.u32 @!p0 s4, $0x11;
	s6 =	sadd.s32 @!p0 $0x11B8D, s6;
	_ =	swait.eq @!p0 [sflag:s5], $0x1  }
0xb2: {  	s4 =	sor.u32 @!p0 s4, s6;
	[sflag:s5] =	ssyncadd.s32 @!p0 $0xFFFFFFFF  }
0xb3: {  	s25 =	simm.s32 $0x1B8E;
	s24 =	sld [smem:$0x3FFE];
	[sflag:s4] =	ssyncadd.remote.s32 @!p0 $0x1  }
0xb4: {  	s26 =	simm.s32 $execute0_lowered;
	[smem:$0x3FD2] =	sst s25  }
0xb5: {  	s5 =	sshll.u32 s26, $0x1;
	_ =	strace $0x80000058;
	[dreg:$0x1] =	wrdreg $0xFFFFFFFF  }
0xb6: {  	s28 =	simm.s32 $_size_execute0_lowered;
	s3 =	sadd.s32 s3, s5;
	[dreg:$0x0] =	wrdreg $0x0  }
0xb7: {  	s5 =	sshll.u32 s28, $0x1;
	[dreg:$0x2] =	wrdreg s3  }
0xb8: {  	[dreg:$0x3] =	wrdreg s5  }
0xb9: {  	[dreg:$0x4] =	wrdreg $0xC0  }
0xba: {  	_ =	task [dreg:s22], $0x5FFFF  }
0xbb: {  	[dreg:$0x1] =	wrdreg $0xFFFFFFFF  }
0xbc: {  	[dreg:$0x0] =	wrdreg $0x60  }
0xbd: {  	[dreg:$0x2] =	wrdreg s24  }
0xbe: {  	[dreg:$0x3] =	wrdreg $0xA  }
0xbf: {  	_ =	task.clear_ibuf [dreg:s22], $0x4FFFF;
	_ =	strace $0x90000058  }
0xc0: {  	s29 =	simm.s32 $0xA;
	_ =	strace $0x8000005A  }
0xc1: {  	_ =	swait.ge [sflag:s29], $0x1  }
0xc2: {  	[sflag:s29] =	ssyncadd.s32 $0xFFFFFFFF  }
0xc3: {  	_ =	strace $0x9000005A  }
0xc4: {  	_ =	sfence  }
0xc5: {  	s30 =	sld [smem:$0x0];
	_ =	sdelay $0x2  }
0xc6: {  	s31 =	sshll.u32 s1, $0xD;
	s1 =	sshrl.u32 s1, $0x2  }
0xc7: {  	s4 =	sand.u32 $0x4000, s31;
	s1 =	sadd.s32 s1, s30  }
0xc8: {  	s0 =	sor.u32 s4, s0;
	s1 =	sshll.u32 s1, $0x11  }
0xc9: {  	s0 =	sor.u32 s1, s0  }
0xca: {  	s0 =	sadd.s32 $0x8F2B, s0  }
0xcb: {  	[sflag:s0] =	ssyncadd.remote.s32 $0x1  }
0xcc: {  	_ =	sfence.sel $0xFFFF  }
0xcd: {  	[dreg:$0x0] =	wrdreg $0xFFFFFFFF;
	(pc) =	sbr.abs _section_cstart, $3  }
0xce: {  	[dreg:$0x1] =	wrdreg $0xFFFFFFFF  }
0xcf: {  	_ =	task.clear_ibuf [dreg:s22], $0x2FFFF;
	_ =	strace $0x9FFFFFFF  }
0xd0: {  	(tm) =	ssettm $0x7FFFFFFF  }
0xd1: {  	_ =	shalt  }
tec
execute0_lowered:
.L_overlay_start_1:
0x0: {  	(tag) =	ssettag $0x1  }
0x1: {  	s7 =	rddreg [dreg:$0x0]  }
0x2: {  	s0 =	rddreg [dreg:$0x1];
	_ =	strace $0x80000059  }
0x3: {  	s1 =	srdreg.scid;
	s4 =	simm.s32 $0x1;
	s9 =	simm.s32 $0x3  }
0x4: {  	s12 =	simm.s32 $0x0;
	s10 =	simm.s32 $0x0;
	s5 =	sshll.u32 s1, $0x4  }
.Ltmp0:
0x5: {  	s1 =	stileid.u32;
	s5 =	sand.u32 $0x10, s5;
	(pc) =	sbr.rel .LBB2_1-.Ltmp0, $4  }
0x6: {  	s2 =	sadd.s32 $0x27400, s7;
	s3 =	sadd.s32 $0x7000, s7;
	s6 =	sor.u32 s1, s5  }
0x7: {  	[sflag:s4] =	ssyncpa.u1 $0x0;
	s5 =	simm.s32 $0x2;
	s6 =	sshll.u32 s6, $0x8  }
0x8: {  	s7 =	sadd.s32 $0x67400, s7;
	[sflag:s5] =	ssyncpa.u1 $0x0;
	s8 =	sadd.s32 $0x100, s6  }
0x9: {  	vm0 =	vmmov $0xff;
	vm1 =	vcmask $0x3F20;
	[sflag:s9] =	ssyncpa.u1 $0x0;
	s9 =	simm.s32 $0x100;
	s11 =	smov.u32 s6  }
.LBB2_9:
0xa: {  	p0 =	seq.s32 s10, $0x2  }
.Ltmp1:
0xb: {  	_ = 	snop;
	(pc) =	sbr.rel @p0 .LBB2_11-.Ltmp1, $1  }
0xc: {  	_ =	sdelay $0x3  }
.LBB2_10:
0xd: {  	s12 =	sadd.s32 $0x100, s11  }
0xe: {  	s13 =	smov.u32 s6;
	p0 =	slt.s32 s12, s8  }
0xf: {  	s13 =	smov.u32 @p0 s12  }
0x10: {  	s10 =	sadd.s32 $0x1, s10;
	s12 =	smov.u32 s11;
	s11 =	smov.u32 s13  }
.LBB2_1:
0x11: {  	p0 =	sne.s32 s10, $0x0  }
.Ltmp2:
0x12: {  	_ = 	snop;
	(pc) =	sbr.rel @!p0 .LBB2_2-.Ltmp2, $1  }
0x13: {  	_ =	sdelay $0x3  }
0x14: {  	s13 =	sand.u32 $0x1, s10  }
0x15: {  	p0 =	seq.s32 s13, $0x0  }
.Ltmp3:
0x16: {  	_ = 	snop;
	(pc) =	sbr.rel @p0 .LBB2_9-.Ltmp3, $1  }
0x17: {  	_ =	sdelay $0x3  }
0x18: {  	_ =	swait.ge [sflag:s5], $0x100  }
0x19: {  	[sflag:s5] =	ssyncset.done $0x0  }
0x1a: {  	s13 =	simm.s32 $0x0;
	[sflag:s5] =	ssyncadd.s32 $0xFFFFFF00  }
0x1b: {  	v0 =	vld.msk [tilespmem:s13+$0x100 ss:$0x1], $0xffff;
	_ =	sdelay $0x4  }
0x1c: {  	v1 =	vshll.u32 v0, $0x6  }
0x1d: {  	vm2 =	veq.s32 v0, $0x80000000;
	v0 =	vshll.u32 v0, $0x13;
	v1 =	vand.u32 $0x7FF80, v1  }
0x1e: {  	v0 =	vand.u32 $0x80000, v0;
	v1 =	vsel vm2, $0xFFFFFF80, v1  }
0x1f: {  	v0 =	vsel vm2, $0xFFF80000, v0;
	v2 =	vand.u32 $0xFFFFFC00, v1  }
0x20: {  	v1 =	vand.u32 $0x380, v1;
	v0 =	vadd.s32 v0, v2  }
0x21: {  	v0 =	vor.u32 v1, v0  }
0x22: {  	v0 =	vshrl.u32 v0, $0x3;
	_ =	sdelay $0x3  }
0x23: {  	s13 =	simm.s32 $0x8200  }
0x24: {  	[tilespmem:s13], [sflag:$0x1] =	stream.indirect_vreg.gather [hbm:s2], $0x80, v0, vm0, $0x38;
	[tilespmem:$0x10200] =	vst v63  }
0x25: {  	s14 =	simm.s32 $0x8600;
	s31 =	simm.s32 $0x10  }
0x26: {  	[tilespmem:s14], [sflag:$0x1] =	stream.indirect_vreg.gather [hbm:s2], $0x80, v0, vm1, $0x38;
	[tilespmem:$0x10200] =	vst v63  }
0x27: {  	s14 =	simm.s32 $0x80;
	v0 =	vld.msk [tilespmem:s31+$0x100 ss:$0x1], $0xffff  }
.LBB2_5:
0x28: {  	p0 =	sne.s32 s14, $0x3C0;
	_ =	sdelay $0x4  }
0x29: {  	v1 =	vshll.u32 v0, $0x6  }
0x2a: {  	vm2 =	veq.s32 v0, $0x80000000;
	v0 =	vshll.u32 v0, $0x13;
	v1 =	vand.u32 $0x7FF80, v1  }
0x2b: {  	v0 =	vand.u32 $0x80000, v0;
	v1 =	vsel vm2, $0xFFFFFF80, v1  }
0x2c: {  	v0 =	vsel vm2, $0xFFF80000, v0;
	v2 =	vand.u32 $0xFFFFFC00, v1  }
0x2d: {  	v1 =	vand.u32 $0x380, v1;
	v0 =	vadd.s32 v0, v2  }
0x2e: {  	v0 =	vor.u32 v1, v0  }
0x2f: {  	v0 =	vshrl.u32 v0, $0x3;
	_ =	sdelay $0x3  }
.Ltmp4:
0x30: {  	s13 =	sadd.s32 $0x800, s13;
	(pc) =	sbr.rel @p0 .LBB2_5-.Ltmp4, $4  }
0x31: {  	[tilespmem:s13], [sflag:$0x1] =	stream.indirect_vreg.gather [hbm:s2], $0x80, v0, vm0, $0x38;
	[tilespmem:$0x10200] =	vst v63  }
0x32: {  	s15 =	sshra.s32 s14, $0x2;
	s16 =	sadd.s32 $0x400, s13  }
0x33: {  	[tilespmem:s16], [sflag:$0x1] =	stream.indirect_vreg.gather [hbm:s2], $0x80, v0, vm1, $0x38;
	[tilespmem:$0x10200] =	vst v63  }
0x34: {  	s14 =	sadd.s32 $0x40, s14;
	v0 =	vld.msk [tilespmem:s15+$0x100 ss:$0x1], $0xffff  }
0x35: {  	_ =	sdelay $0x3  }
0x36: {  	v1 =	vshll.u32 v0, $0x6  }
0x37: {  	vm2 =	veq.s32 v0, $0x80000000;
	v63 =	vshll.u32 v0, $0x13;
	v1 =	vand.u32 $0x7FF80, v1  }
0x38: {  	v0 =	vand.u32 $0x80000, v63;
	v1 =	vsel vm2, $0xFFFFFF80, v1  }
0x39: {  	v0 =	vsel vm2, $0xFFF80000, v0;
	v2 =	vand.u32 $0xFFFFFC00, v1  }
0x3a: {  	v1 =	vand.u32 $0x380, v1;
	v0 =	vadd.s32 v0, v2  }
0x3b: {  	v0 =	vor.u32 v1, v0  }
0x3c: {  	v0 =	vshrl.u32 v0, $0x3;
	_ =	sdelay $0x3  }
0x3d: {  	s13 =	sadd.s32 $0x800, s13  }
0x3e: {  	[tilespmem:s13], [sflag:$0x1] =	stream.indirect_vreg.gather [hbm:s2], $0x80, v0, vm0, $0x38;
	[tilespmem:$0x10200] =	vst v63  }
0x3f: {  	s13 =	sadd.s32 $0x400, s13  }
0x40: {  	[tilespmem:s13], [sflag:$0x1] =	stream.indirect_vreg.gather [hbm:s2], $0x80, v0, vm1, $0x38;
	[tilespmem:$0x10200] =	vst v63  }
0x41: {  	s12 =	sshll.u32 s12, $0x4;
	s14 =	simm.s32 $0x80;
	_ =	swait.ge [sflag:s4], $0x8000  }
0x42: {  	s15 =	simm.s32 $0x8600;
	s12 =	sadd.s32 s12, s7;
	[sflag:s4] =	ssyncset.done $0x0  }
0x43: {  	s16 =	sadd.s32 $0x0, s12;
	s13 =	simm.s32 $0x8200;
	[sflag:s4] =	ssyncadd.s32 $0xFFFF8000  }
.LBB2_7:
0x44: {  	[hbm:s16] =	stream.linear.scatter [tilespmem:s13], [sflag:$0x3], $0x400, $0x38;
	[tilespmem:$0x10200] =	vst v63  }
0x45: {  	s16 =	smov.u32 s14;
	s13 =	smov.u32 s15;
	p0 =	sne.s32 s14, $0xF80  }
.Ltmp5:
0x46: {  	s14 =	sadd.s32 $0x80, s14;
	(pc) =	sbr.rel @p0 .LBB2_7-.Ltmp5, $2  }
0x47: {  	_ =	sdelay $0x2  }
0x48: {  	s15 =	sadd.s32 $0x400, s15;
	s16 =	sadd.s32 s16, s12  }
.Ltmp6:
0x49: {  	(pc) =	sbr.rel .LBB2_9-.Ltmp6, $2  }
0x4a: {  	_ =	sdelay $0x2  }
0x4b: {  	[hbm:s16] =	stream.linear.scatter [tilespmem:s13], [sflag:$0x3], $0x400, $0x38;
	[tilespmem:$0x10200] =	vst v63  }
.LBB2_2:
.Ltmp7:
0x4c: {  	(pc) =	sbr.rel .LBB2_10-.Ltmp7, $4  }
0x4d: {  	_ = 	snop  }
0x4e: {  	s12 =	sshrl.u32 s11, $0x3  }
0x4f: {  	s13 =	sand.u32 $0x7, s11;
	s12 =	sadd.s32 s3, s12  }
0x50: {  	[tilespmem:s9], [sflag:$0x2] =	stream.linear.gather [hbm4b:s12+s13], $0x100, $0x38;
	[tilespmem:$0x10200] =	vst v63  }
.LBB2_11:
0x51: {  	s2 =	simm.s32 $0x3  }
0x52: {  	_ =	swait.ge [sflag:s2], $0x8000  }
0x53: {  	[sflag:s2] =	ssyncset.done $0x0  }
0x54: {  	[sflag:s2] =	ssyncadd.s32 $0xFFFF8000  }
0x55: {  	_ =	sfence.sel $0x180000  }
0x56: {  	s3 =	simm.s32 $0x2;
	[bflag:$0x0] =	sbarrier.arrive $0xFFFF  }
0x57: {  	[sflag:s3] =	ssyncpa.u1 $0x1  }
0x58: {  	s31 =	simm.s32 $0x1;
	[sflag:s2] =	ssyncpa.u1 $0x1  }
0x59: {  	[sflag:s31] =	ssyncpa.u1 $0x1  }
0x5a: {  	p0 =	sne.s32 s1, $0x0;
	_ =	strace $0x90000059  }
0x5b: {  	s0 =	sadd.s32 @!p0 $0x100000, s0;
	[bflag:$0x2] =	sbarrier.arrive $0xFFFF  }
0x5c: {  	[sflag:s0] =	ssyncadd.tile.s32 @!p0 $0x1;
	_ =	shalt  }
.Lfunc_end2:
_tile_overlayer_lowered:
.L_overlay_start_2:
0x5d: {  	(tag) =	ssettag $0x2  }
0x5e: {  	s0 =	rddreg [dreg:$0x0];
	s2 =	stileid.u32  }
0x5f: {  	s1 =	rddreg [dreg:$0x1];
	p0 =	sne.s32 s2, $0x0  }
0x60: {  	s3 =	rddreg [dreg:$0x2];
	[bflag:$0x3] =	sbarrier.arrive $0xFFFF;
	s2 =	simm.s32 @!p0 $0x1C01  }
0x61: {  	[timem:s3], [sflag:s2] =	dma.local @!p0 [hbm:s0], s1  }
0x62: {  	s0 =	simm.s32 @!p0 $0x1  }
0x63: {  	_ =	swait.ge @!p0 [sflag:s0], s1  }
0x64: {  	s1 =	ssub.s32 @!p0 $0x0, s1;
	[sflag:s0] =	ssyncset.done @!p0 $0x0  }
0x65: {  	[sflag:s0] =	ssyncadd.s32 @!p0 s1  }
0x66: {  	[bflag:$0x3] =	sbarrier.arrive $0xFFFF  }
0x67: {  	_ =	shalt  }

// kernel: gather_offload_async_start
scs
__scs_entry_jumppad:
0x0: {  	(pc) =	sbr.rel $0x88, $3  }
0x1: {  	(tag) =	ssettag $0x0;
	lr =	simm.s32 $0x1  }
0x2: {  	[smem:$0x3F96] =	sst lr;
	_ =	strace $0xD0000000  }
0x3: {  	_ = 	snop  }
0x4: {  	_ = 	snop  }
0x5: {  	_ = 	snop  }
0x6: {  	_ = 	snop  }
0x7: {  	_ = 	snop  }
__scs_overlays_trampoline_lowered:
0x8: {  	[smem:$0x3FA5] =	sst s0  }
0x9: {  	[smem:$0x3FA6] =	sst s1  }
0xa: {  	[smem:$0x3FA7] =	sst s2  }
0xb: {  	[smem:$0x3FA8] =	sst s3  }
0xc: {  	[smem:$0x3FA9] =	sst s4  }
0xd: {  	[smem:$0x3FAA] =	sst s5  }
0xe: {  	[smem:$0x3FAB] =	sst s6  }
0xf: {  	[smem:$0x3FAC] =	sst s7  }
0x10: {  	[smem:$0x3FAD] =	sst s8  }
0x11: {  	[smem:$0x3FAE] =	sst s9;
	s0 =	simm.s32 @!p0 $0x0  }
0x12: {  	s1 =	sld [smem:$0x3F94];
	s0 =	simm.s32 @p0 $0x1  }
0x13: {  	[smem:$0x3FAF] =	sst s0;
	s0 =	simm.s32 @!p1 $0x0  }
0x14: {  	s2 =	sld [smem:$0x3F93];
	s0 =	simm.s32 @p1 $0x1  }
0x15: {  	[smem:$0x3FB0] =	sst s0;
	s0 =	simm.s32 @!p2 $0x0  }
0x16: {  	s3 =	sld [smem:$0x3FDB];
	s0 =	simm.s32 @p2 $0x1  }
0x17: {  	s4 =	simm.s32 $0x1BF5;
	[smem:$0x3FB2] =	sst s0  }
0x18: {  	s0 =	sld [smem:$0x3F95];
	_ =	swait.ge [sflag:s4], $0x0  }
0x19: {  	s7 =	sld [smem:$0x3F96]  }
0x1a: {  	s8 =	sadd.s32 $0xFFFFE003, lr  }
0x1b: {  	s9 =	sadd.s32 $0xFFFFFEF7, lr;
	s5 =	simm.s32 $0xFFFFFFFF;
	p2 =	slt.u32 s8, $0xFFFFF086  }
0x1c: {  	p1 =	slt.u32 s9, $0xF7A;
	s5 =	simm.s32 @!p2 $0x0  }
0x1d: {  	s5 =	simm.s32 @p1 $0x1;
	p0 =	seq.s32 s7, s2  }
0x1e: {  	s7 =	smul.u32 @!p0 $0xF7A, s2;
	p2 =	seq.s32 @!p0 s5, $0x0  }
0x1f: {  	s9 =	smul.u32 $0xF7A, s1;
	s8 =	simm.s32 @!p0 $0x1BF5;
	p2 =	por !p2, p0  }
0x20: {  	[sflag:s8] =	ssyncset.s32 @!p0 $0xFFFFF086;
	s6 =	sadd.s32 @!p0 s3, s7;
	s7 =	simm.s32 @!p0 $0x108  }
0x21: {  	s3 =	sadd.s32 s3, s9;
	s6 =	sadd.s32 @!p0 $0x88, s6;
	s7 =	simm.s32 @p2 $0x1082  }
0x22: {  	[simem:s7], [sflag:s8] =	dma.local @!p0 [hbm:s6], $0xF7A  }
0x23: {  	s9 =	sor.u32 $0xD0000000, s2;
	s6 =	simm.s32 $0x108;
	_ =	swait.ge @!p0 [sflag:s8], $0x0  }
0x24: {  	s3 =	sadd.s32 $0x88, s3;
	s6 =	simm.s32 @!p1 $0x1082;
	[sflag:s4] =	ssyncset.s32 $0xFFFFF086  }
0x25: {  	[simem:s6], [sflag:s4] =	dma.local [hbm:s3], $0xF7A  }
0x26: {  	[smem:$0x3F96] =	sst s1;
	(tag) =	ssettag s2;
	_ =	strace s9  }
0x27: {  	s1 =	sld [smem:$0x3FA6]  }
0x28: {  	s2 =	sld [smem:$0x3FA7]  }
0x29: {  	s4 =	sld [smem:$0x3FA9]  }
0x2a: {  	p0 =	seq.s32 s5, $0x0;
	s5 =	sld [smem:$0x3FAA]  }
0x2b: {  	s6 =	sld [smem:$0x3FAB]  }
0x2c: {  	s7 =	sld [smem:$0x3FAC]  }
0x2d: {  	s3 =	simm.s32 $0x108;
	s8 =	sld [smem:$0x3FAD]  }
0x2e: {  	s3 =	simm.s32 @!p0 $0x1082;
	s9 =	sld [smem:$0x3FAE]  }
0x2f: {  	lr =	sadd.s32 s0, s3;
	s0 =	sld [smem:$0x3FA5]  }
0x30: {  	s3 =	sld [smem:$0x3FA8]  }
0x31: {  	[smem:$0x3FB1] =	sst s10  }
0x32: {  	s10 =	sld [smem:$0x3FAF];
	_ =	sdelay $0x3  }
0x33: {  	p0 =	seq.s32 s10, $0x1;
	s10 =	sld [smem:$0x3FB1];
	_ =	sdelay $0x3  }
0x34: {  	[smem:$0x3FB1] =	sst s10  }
0x35: {  	s10 =	sld [smem:$0x3FB0];
	_ =	sdelay $0x3  }
0x36: {  	p1 =	seq.s32 s10, $0x1;
	s10 =	sld [smem:$0x3FB1];
	_ =	sdelay $0x3  }
0x37: {  	[smem:$0x3FB1] =	sst s10  }
0x38: {  	s10 =	sld [smem:$0x3FB2]  }
0x39: {  	_ = 	snop;
	(pc) =	sbr.ind lr, $3  }
0x3a: {  	_ = 	snop  }
0x3b: {  	_ = 	snop  }
0x3c: {  	p2 =	seq.s32 s10, $0x1;
	s10 =	sld [smem:$0x3FB1]  }
0x3d: {  	_ =	shalt  }
0x3e: {  	_ =	shalt  }
0x3f: {  	_ =	shalt  }
0x40: {  	_ =	shalt  }
0x41: {  	_ =	shalt  }
0x42: {  	_ =	shalt  }
0x43: {  	_ =	shalt  }
0x44: {  	_ =	shalt  }
0x45: {  	_ =	shalt  }
0x46: {  	_ =	shalt  }
0x47: {  	_ =	shalt  }
0x48: {  	_ =	shalt  }
0x49: {  	_ =	shalt  }
0x4a: {  	_ =	shalt  }
0x4b: {  	_ =	shalt  }
0x4c: {  	_ =	shalt  }
0x4d: {  	_ =	shalt  }
0x4e: {  	_ =	shalt  }
0x4f: {  	_ =	shalt  }
0x50: {  	_ =	shalt  }
0x51: {  	_ =	shalt  }
0x52: {  	_ =	shalt  }
0x53: {  	_ =	shalt  }
0x54: {  	_ =	shalt  }
0x55: {  	_ =	shalt  }
0x56: {  	_ =	shalt  }
0x57: {  	_ =	shalt  }
0x58: {  	_ =	shalt  }
0x59: {  	_ =	shalt  }
0x5a: {  	_ =	shalt  }
0x5b: {  	_ =	shalt  }
0x5c: {  	_ =	shalt  }
0x5d: {  	_ =	shalt  }
0x5e: {  	_ =	shalt  }
0x5f: {  	_ =	shalt  }
0x60: {  	_ =	shalt  }
0x61: {  	_ =	shalt  }
0x62: {  	_ =	shalt  }
0x63: {  	_ =	shalt  }
0x64: {  	_ =	shalt  }
0x65: {  	_ =	shalt  }
0x66: {  	_ =	shalt  }
0x67: {  	_ =	shalt  }
0x68: {  	_ =	shalt  }
0x69: {  	_ =	shalt  }
0x6a: {  	_ =	shalt  }
0x6b: {  	_ =	shalt  }
0x6c: {  	_ =	shalt  }
0x6d: {  	_ =	shalt  }
0x6e: {  	_ =	shalt  }
0x6f: {  	_ =	shalt  }
0x70: {  	_ =	shalt  }
0x71: {  	_ =	shalt  }
0x72: {  	_ =	shalt  }
0x73: {  	_ =	shalt  }
0x74: {  	_ =	shalt  }
0x75: {  	_ =	shalt  }
0x76: {  	_ =	shalt  }
0x77: {  	_ =	shalt  }
0x78: {  	_ =	shalt  }
0x79: {  	_ =	shalt  }
0x7a: {  	_ =	shalt  }
0x7b: {  	_ =	shalt  }
0x7c: {  	_ =	shalt  }
0x7d: {  	_ =	shalt  }
0x7e: {  	_ =	shalt  }
0x7f: {  	_ =	shalt  }
0x80: {  	_ =	shalt  }
0x81: {  	_ =	shalt  }
0x82: {  	_ =	shalt  }
0x83: {  	_ =	shalt  }
0x84: {  	_ =	shalt  }
0x85: {  	_ =	shalt  }
0x86: {  	_ =	shalt  }
0x87: {  	_ =	shalt  }
.Lfunc_end0:
.L_simem_size_0:
called_computation_lowered:
.L_overlay_start_0:
0x88: {  	s0 =	sld [smem:$0x3FD9]  }
0x89: {  	s1 =	sld [smem:$0x3FFE];
	_ =	sdelay $0x3  }
0x8a: {  	s0 =	sadd.s32 s1, s0  }
0x8b: {  	[smem:$0x3FBD] =	sst s0  }
0x8c: {  	_ = 	snop  }
0x8d: {  	s0 =	sld [smem:$0x3FD0];
	_ =	sdelay $0x2  }
0x8e: {  	s13 =	simm.s32 $0xC;
	s2 =	simm.s32 $0x10  }
0x8f: {  	[smem:s2], [sflag:s13] =	dma.local [hbm:s0], $0x1  }
0x90: {  	_ =	swait.eq [sflag:s13], $0x1  }
0x91: {  	[sflag:s13] =	ssyncset.done $0x0  }
0x92: {  	[sflag:s13] =	ssyncadd.s32 $0xFFFFFFFF  }
0x93: {  	s14 =	sld [smem:$0x11];
	(tm) =	ssettm $0x1  }
0x94: {  	s15 =	sld [smem:$0x3FFB];
	_ =	sdelay $0x3  }
0x95: {  	_ =	strace s15  }
0x96: {  	s1 =	sld [smem:$0x3FFC];
	_ =	sdelay $0x3  }
0x97: {  	_ =	strace s1  }
0x98: {  	s1 =	sld [smem:$0x3FFD];
	_ =	sdelay $0x3  }
0x99: {  	_ =	strace s1  }
0x9a: {  	_ =	strace $0x8FFFFFFF  }
0x9b: {  	s16 =	sld [smem:$0x3FDB];
	_ =	sdelay $0x1  }
0x9c: {  	s17 =	simm.s32 $_scs_section_size  }
0x9d: {  	s3 =	simm.s32 $_size__tile_overlayer_lowered;
	s4 =	simm.s32 $_tile_overlayer_lowered  }
0x9e: {  	s20 =	simm.s32 $0x1BFF;
	s19 =	sshll.u32 s4, $0x1;
	s1 =	sadd.s32 s17, s16  }
0x9f: {  	s5 =	simm.s32 $0x0;
	s18 =	sshll.u32 s3, $0x1;
	s3 =	sadd.s32 s19, s1  }
0xa0: {  	[timem:s5], [sflag:s20] =	dma.local [hbm:s3], s18  }
0xa1: {  	_ =	swait.ge [sflag:s20], s18  }
0xa2: {  	s2 =	ssub.s32 $0x0, s18;
	[sflag:s20] =	ssyncset.done $0x0  }
0xa3: {  	[sflag:s20] =	ssyncadd.s32 s2;
	_ =	sdelay $0x1  }
0xa4: {  	s21 =	simm.s32 $0x1B8B  }
0xa5: {  	_ =	swait.ge [sflag:s21], $0x1  }
0xa6: {  	[sflag:s21] =	ssyncset.done $0x0  }
0xa7: {  	s23 =	simm.s32 $0x1B8E;
	s22 =	sld [smem:$0x3FFE];
	[sflag:s21] =	ssyncadd.s32 $0xFFFFFFFF  }
0xa8: {  	s24 =	simm.s32 $execute0_lowered;
	[smem:$0x3FD2] =	sst s23  }
0xa9: {  	s3 =	sshll.u32 s24, $0x1;
	_ =	strace $0x8000004C;
	[dreg:$0x1] =	wrdreg $0xFFFFFFFF  }
0xaa: {  	s25 =	simm.s32 $_size_execute0_lowered;
	s1 =	sadd.s32 s1, s3;
	[dreg:$0x0] =	wrdreg $0x0  }
0xab: {  	s3 =	sshll.u32 s25, $0x1;
	[dreg:$0x2] =	wrdreg s1  }
0xac: {  	[dreg:$0x3] =	wrdreg s3  }
0xad: {  	[dreg:$0x4] =	wrdreg $0xC0  }
0xae: {  	_ =	task [dreg:s5], $0x5FFFF  }
0xaf: {  	[dreg:$0x1] =	wrdreg $0xFFFFFFFF  }
0xb0: {  	[dreg:$0x0] =	wrdreg $0x60  }
0xb1: {  	[dreg:$0x2] =	wrdreg s22  }
0xb2: {  	[dreg:$0x3] =	wrdreg s14  }
0xb3: {  	[dreg:$0x4] =	wrdreg $0xB  }
0xb4: {  	_ =	task.clear_ibuf [dreg:s5], $0x5FFFF;
	_ =	strace $0x9000004C  }
0xb5: {  	s26 =	simm.s32 $0xB;
	_ =	strace $0x8000004E  }
0xb6: {  	_ =	swait.ge [sflag:s26], $0x1  }
0xb7: {  	[sflag:s26] =	ssyncadd.s32 $0xFFFFFFFF  }
0xb8: {  	_ =	strace $0x9000004E  }
0xb9: {  	_ =	sfence  }
0xba: {  	s28 =	sld [smem:$0x0];
	_ =	sdelay $0x1  }
0xbb: {  	s29 =	srdreg.scid  }
0xbc: {  	s30 =	sshll.u32 s29, $0xD;
	s31 =	sshrl.u32 s29, $0x2  }
0xbd: {  	s2 =	sand.u32 $0x4000, s30;
	s1 =	sand.u32 $0x1, s29;
	s0 =	sadd.s32 s31, s28  }
0xbe: {  	s1 =	sor.u32 s2, s1;
	s0 =	sshll.u32 s0, $0x11  }
0xbf: {  	s0 =	sor.u32 s0, s1  }
0xc0: {  	s0 =	sadd.s32 $0x8F2B, s0  }
0xc1: {  	[sflag:s0] =	ssyncadd.remote.s32 $0x1  }
0xc2: {  	_ =	sfence.sel $0xFFFF  }
0xc3: {  	[dreg:$0x0] =	wrdreg $0xFFFFFFFF;
	(pc) =	sbr.abs _section_cstart, $3  }
0xc4: {  	[dreg:$0x1] =	wrdreg $0xFFFFFFFF  }
0xc5: {  	_ =	task.clear_ibuf [dreg:s5], $0x2FFFF;
	_ =	strace $0x9FFFFFFF  }
0xc6: {  	(tm) =	ssettm $0x7FFFFFFF  }
0xc7: {  	_ =	shalt  }
tec
execute0_lowered:
.L_overlay_start_1:
0x0: {  	(tag) =	ssettag $0x1  }
0x1: {  	s0 =	stileid.u32  }
0x2: {  	s1 =	smin.u32 s0, $0x9  }
0x3: {  	s1 =	sadd.s32 s0, s1  }
0x4: {  	s2 =	simm.s32 $0xA0;
	p0 =	slt.u32 s0, $0x9;
	s1 =	smul.u32 $0x50, s1  }
0x5: {  	s2 =	simm.s32 @!p0 $0x50  }
0x6: {  	s2 =	sadd.s32 s2, s1  }
0x7: {  	s3 =	smin.u32 s2, $0x7D0  }
0x8: {  	s7 =	ssub.s32 s3, s1  }
0x9: {  	p0 =	sgt.s32 s7, $0x0  }
0xa: {  	s7 =	simm.s32 @!p0 $0x0  }
0xb: {  	s9 =	rddreg [dreg:$0x0];
	s31 =	smul.u32 $0xCCCD, s7  }
0xc: {  	s4 =	rddreg [dreg:$0x1];
	s6 =	simm.s32 $0x1  }
0xd: {  	s11 =	simm.s32 $0x3;
	s13 =	simm.s32 $0x0;
	s8 =	sshrl.u32 s31, $0x16  }
0xe: {  	s12 =	simm.s32 $0x0;
	s5 =	sadd.s32 $0x153000, s9;
	s10 =	smul.u32 $0x50, s8  }
.Ltmp0:
0xf: {  	s9 =	sadd.s32 $0x94C00, s9;
	s2 =	rddreg [dreg:$0x2];
	(pc) =	sbr.rel .LBB2_1-.Ltmp0, $4  }
0x10: {  	_ =	strace $0x8000004D;
	p0 =	sne.s32 s7, s10;
	s10 =	simm.s32 $0x1  }
0x11: {  	[sflag:s6] =	ssyncpa.u1 $0x0;
	s7 =	simm.s32 $0x2;
	s10 =	simm.s32 @!p0 $0x0  }
0x12: {  	[sflag:s7] =	ssyncpa.u1 $0x0;
	p0 =	por $0x0, $0x0;
	s8 =	sadd.s32 s8, s10  }
0x13: {  	v0 =	vimm.s32 $0x0;
	vm0 =	vmmov $0xff;
	vm1 =	vcmask $0x3F20;
	[sflag:s11] =	ssyncpa.u1 $0x0;
	s11 =	smov.u32 s1;
	s10 =	sadd.s32 $0x1, s8  }
.LBB2_6:
0x14: {  	[hbm:s17] =	stream.linear.scatter [tilespmem:s14], [sflag:$0x3], $0x400, $0x38;
	[tilespmem:$0x50A0] =	vst v63  }
.LBB2_7:
0x15: {  	s13 =	sadd.s32 $0x50, s11  }
0x16: {  	s15 =	smov.u32 s1;
	p2 =	slt.s32 s13, s3  }
0x17: {  	s15 =	smov.u32 @p2 s13;
	p2 =	sne.s32 s12, s10  }
.Ltmp1:
0x18: {  	p1 =	slt.u32 s12, $0x2;
	(pc) =	sbr.rel @!p2 .LBB2_8-.Ltmp1, $4  }
0x19: {  	s14 =	simm.s32 @!p1 $0x3  }
0x1a: {  	s16 =	sadd.s32 $0x1, s12;
	_ =	swait.ge @!p1 [sflag:s14], $0x2800  }
0x1b: {  	p0 =	por !p0, !p0;
	s13 =	smov.u32 s11;
	[sflag:s14] =	ssyncset.done @!p1 $0x0  }
0x1c: {  	s12 =	smov.u32 s16;
	s11 =	smov.u32 s15;
	[sflag:s14] =	ssyncadd.s32 @!p1 $0xFFFFD800  }
.LBB2_1:
0x1d: {  	p1 =	sge.u32 s12, s8  }
0x1e: {  	s14 =	sxor.u32 @!p1 $0xFFFFFFFF, s12  }
0x1f: {  	s14 =	sand.u32 @!p1 $0x1, s14  }
0x20: {  	s14 =	smul.u32 @!p1 $0x140, s14  }
0x21: {  	s31 =	sadd.s32 $0xFFFFFFFF, s12;
	s15 =	sshrl.u32 @!p1 s11, $0x3  }
0x22: {  	s16 =	sand.u32 @!p1 $0x7, s11;
	s15 =	sadd.s32 @!p1 s4, s15;
	s14 =	sshrl.u32 @!p1 s14, $0x2  }
0x23: {  	[tilespmem:s14], [sflag:$0x2] =	stream.linear.gather @!p1 [hbm4b:s15+s16], $0x50, $0x38;
	[tilespmem:$0x50A0] =	vst v63  }
0x24: {  	p1 =	sge.u32 s31, s8  }
.Ltmp2:
0x25: {  	_ = 	snop;
	(pc) =	sbr.rel @p1 .LBB2_7-.Ltmp2, $1  }
0x26: {  	_ =	sdelay $0x3  }
0x27: {  	s14 =	simm.s32 $0x1  }
0x28: {  	s14 =	simm.s32 @!p0 $0x0  }
0x29: {  	s15 =	smul.u32 $0x140, s14  }
0x2a: {  	_ =	swait.ge [sflag:s7], $0x50  }
0x2b: {  	[sflag:s7] =	ssyncset.done $0x0;
	s16 =	sshrl.u32 s15, $0x2  }
0x2c: {  	[sflag:s7] =	ssyncadd.s32 $0xFFFFFFB0;
	s15 =	sadd.s32 $0x0, s16  }
0x2d: {  	v1 =	vld.msk [tilespmem:s15+$0x0 ss:$0x1], $0xffff;
	_ =	sdelay $0x4  }
0x2e: {  	v2 =	vand.u32 $0x1, v1;
	v3 =	vshll.u32 v1, $0x6  }
0x2f: {  	vm2 =	veq.s32 v1, $0x80000000;
	vm3 =	veq.s32 v2, $0x1;
	v1 =	vand.u32 $0x7FFF80, v3  }
0x30: {  	v2 =	vsel vm3, $0x600000, v0;
	v1 =	vsel vm2, $0xFFFFFF80, v1  }
0x31: {  	v2 =	vsel vm2, $0xFFA00000, v2;
	v3 =	vand.u32 $0xFFFFFC00, v1  }
0x32: {  	v1 =	vand.u32 $0x380, v1;
	v2 =	vadd.s32 v2, v3  }
0x33: {  	v1 =	vor.u32 v1, v2  }
0x34: {  	v1 =	vshrl.u32 v1, $0x3  }
0x35: {  	s14 =	smul.u32 $0xA000, s14;
	_ =	sdelay $0x1  }
0x36: {  	s14 =	sshrl.u32 s14, $0x2  }
0x37: {  	s14 =	sor.u32 $0xA0, s14  }
0x38: {  	[tilespmem:s14], [sflag:$0x1] =	stream.indirect_vreg.gather [hbm:s5], $0x80, v1, vm0, $0x38;
	[tilespmem:$0x50A0] =	vst v63  }
0x39: {  	s17 =	sadd.s32 $0x10, s16;
	s15 =	sadd.s32 $0x400, s14  }
0x3a: {  	[tilespmem:s15], [sflag:$0x1] =	stream.indirect_vreg.gather [hbm:s5], $0x80, v1, vm1, $0x38;
	[tilespmem:$0x50A0] =	vst v63  }
0x3b: {  	s18 =	simm.s32 $0x80;
	v1 =	vld.msk [tilespmem:s17+$0x0 ss:$0x1], $0xffff;
	s17 =	smov.u32 s14  }
.LBB2_3:
0x3c: {  	p1 =	sne.s32 s18, $0x100;
	_ =	sdelay $0x4  }
0x3d: {  	v2 =	vand.u32 $0x1, v1;
	v3 =	vshll.u32 v1, $0x6  }
0x3e: {  	vm2 =	veq.s32 v1, $0x80000000;
	vm3 =	veq.s32 v2, $0x1;
	v1 =	vand.u32 $0x7FFF80, v3  }
0x3f: {  	v2 =	vsel vm3, $0x600000, v0;
	v1 =	vsel vm2, $0xFFFFFF80, v1  }
0x40: {  	v2 =	vsel vm2, $0xFFA00000, v2;
	v3 =	vand.u32 $0xFFFFFC00, v1  }
0x41: {  	v1 =	vand.u32 $0x380, v1;
	v2 =	vadd.s32 v2, v3  }
0x42: {  	v1 =	vor.u32 v1, v2  }
0x43: {  	v1 =	vshrl.u32 v1, $0x3;
	_ =	sdelay $0x3  }
.Ltmp3:
0x44: {  	s19 =	sshra.s32 s18, $0x2;
	s17 =	sadd.s32 $0x800, s17;
	(pc) =	sbr.rel @p1 .LBB2_3-.Ltmp3, $4  }
0x45: {  	[tilespmem:s17], [sflag:$0x1] =	stream.indirect_vreg.gather [hbm:s5], $0x80, v1, vm0, $0x38;
	[tilespmem:$0x50A0] =	vst v63  }
0x46: {  	s19 =	sadd.s32 s19, s16;
	s20 =	sadd.s32 $0x400, s17  }
0x47: {  	[tilespmem:s20], [sflag:$0x1] =	stream.indirect_vreg.gather [hbm:s5], $0x80, v1, vm1, $0x38;
	[tilespmem:$0x50A0] =	vst v63  }
0x48: {  	s18 =	sadd.s32 $0x40, s18;
	v1 =	vld.msk [tilespmem:s19+$0x0 ss:$0x1], $0xffff  }
0x49: {  	_ =	sdelay $0x3  }
0x4a: {  	v2 =	vand.u32 $0x1, v1;
	v3 =	vshll.u32 v1, $0x6  }
0x4b: {  	vm2 =	veq.s32 v1, $0x80000000;
	vm3 =	veq.s32 v2, $0x1;
	v1 =	vand.u32 $0x7FFF80, v3  }
0x4c: {  	v2 =	vsel vm3, $0x600000, v0;
	v1 =	vsel vm2, $0xFFFFFF80, v1  }
0x4d: {  	v2 =	vsel vm2, $0xFFA00000, v2;
	v3 =	vand.u32 $0xFFFFFC00, v1  }
0x4e: {  	v1 =	vand.u32 $0x380, v1;
	v2 =	vadd.s32 v2, v3  }
0x4f: {  	v1 =	vor.u32 v1, v2  }
0x50: {  	v1 =	vshrl.u32 v1, $0x3;
	_ =	sdelay $0x3  }
0x51: {  	s16 =	sadd.s32 $0x800, s17  }
0x52: {  	[tilespmem:s16], [sflag:$0x1] =	stream.indirect_vreg.gather [hbm:s5], $0x80, v1, vm0, $0x38;
	[tilespmem:$0x50A0] =	vst v63  }
0x53: {  	s16 =	sadd.s32 $0x400, s16  }
0x54: {  	[tilespmem:s16], [sflag:$0x1] =	stream.indirect_vreg.gather [hbm:s5], $0x80, v1, vm1, $0x38;
	[tilespmem:$0x50A0] =	vst v63  }
0x55: {  	s13 =	sshll.u32 s13, $0x4;
	_ =	swait.ge [sflag:s6], $0x2800  }
0x56: {  	s13 =	sadd.s32 s13, s9;
	[sflag:s6] =	ssyncset.done $0x0  }
0x57: {  	s17 =	sadd.s32 $0x0, s13;
	s16 =	simm.s32 $0x80;
	[sflag:s6] =	ssyncadd.s32 $0xFFFFD800  }
.LBB2_5:
0x58: {  	[hbm:s17] =	stream.linear.scatter [tilespmem:s14], [sflag:$0x3], $0x400, $0x38;
	[tilespmem:$0x50A0] =	vst v63  }
0x59: {  	s17 =	smov.u32 s16;
	s14 =	smov.u32 s15;
	p1 =	sne.s32 s16, $0x480  }
.Ltmp4:
0x5a: {  	s16 =	sadd.s32 $0x80, s16;
	(pc) =	sbr.rel @p1 .LBB2_5-.Ltmp4, $2  }
0x5b: {  	_ =	sdelay $0x2  }
0x5c: {  	s15 =	sadd.s32 $0x400, s15;
	s17 =	sadd.s32 s17, s13  }
.Ltmp5:
0x5d: {  	_ = 	snop;
	(pc) =	sbr.rel .LBB2_6-.Ltmp5, $1  }
0x5e: {  	_ =	sdelay $0x3  }
.LBB2_8:
0x5f: {  	_ =	sfence.sel $0x180000  }
0x60: {  	s1 =	simm.s32 $0x2;
	[bflag:$0x0] =	sbarrier.arrive $0xFFFF  }
0x61: {  	s30 =	simm.s32 $0x3;
	[sflag:s1] =	ssyncpa.u1 $0x1  }
0x62: {  	s31 =	simm.s32 $0x1;
	[sflag:s30] =	ssyncpa.u1 $0x1  }
0x63: {  	[sflag:s31] =	ssyncpa.u1 $0x1  }
0x64: {  	p0 =	sne.s32 s0, $0x0;
	_ =	strace $0x9000004D  }
0x65: {  	s0 =	sadd.s32 @!p0 $0x100000, s2;
	[bflag:$0x2] =	sbarrier.arrive $0xFFFF  }
0x66: {  	[sflag:s0] =	ssyncadd.tile.s32 @!p0 $0x1;
	_ =	shalt  }
.Lfunc_end2:
_tile_overlayer_lowered:
.L_overlay_start_2:
0x67: {  	(tag) =	ssettag $0x2  }
0x68: {  	s0 =	rddreg [dreg:$0x0];
	s2 =	stileid.u32  }
0x69: {  	s1 =	rddreg [dreg:$0x1];
	p0 =	sne.s32 s2, $0x0  }
0x6a: {  	s3 =	rddreg [dreg:$0x2];
	[bflag:$0x3] =	sbarrier.arrive $0xFFFF;
	s2 =	simm.s32 @!p0 $0x1C01  }
0x6b: {  	[timem:s3], [sflag:s2] =	dma.local @!p0 [hbm:s0], s1  }
0x6c: {  	s0 =	simm.s32 @!p0 $0x1  }
0x6d: {  	_ =	swait.ge @!p0 [sflag:s0], s1  }
0x6e: {  	s1 =	ssub.s32 @!p0 $0x0, s1;
	[sflag:s0] =	ssyncset.done @!p0 $0x0  }
0x6f: {  	[sflag:s0] =	ssyncadd.s32 @!p0 s1  }
0x70: {  	[bflag:$0x3] =	sbarrier.arrive $0xFFFF  }
0x71: {  	_ =	shalt  }

</sc_bundles>
